<compile_context>
chip_gen: v7x
topology: tpu7x:2x2x1
jax: 0.10.2.dev20260603
libtpu: 0.0.44.dev20260713+nightly
codegen_flags: <defaults>
</compile_context>

<pallas_src>
import functools

import numpy as np
import jax
import jax.numpy as jnp
from jax import lax
from jax.experimental import pallas as pl
from jax.experimental.pallas import tpu as pltpu
from jax.experimental.pallas import tpu_sc as plsc

N_NODES = 10000
N_EDGES = 320000
D_IN = 128
H1 = 16
H2 = 256
ACT = 32
LOG_STD_MIN, LOG_STD_MAX = -20.0, 2.0

NC = 2
NS = 16
NW = NC * NS
CHUNK = 128
CH = 80
E_PAD = NW * CH * CHUNK
NBUF = 4
NOUT = CH // NBUF
N_PAD = 10240
RPT = N_PAD // NS

_LOG2 = float(np.log(2.0))
_HALF_LOG_2PI = float(0.5 * np.log(2.0 * np.pi))

_sc_mesh = plsc.VectorSubcoreMesh(core_axis_name="c", subcore_axis_name="s")
_sc_params = pltpu.CompilerParams(use_tc_tiling_on_sc=False)



ZB = 64


@functools.partial(
    pl.kernel,
    out_type=jax.ShapeDtypeStruct((NC, N_PAD, H1), jnp.float32),
    mesh=_sc_mesh,
    compiler_params=_sc_params,
    scratch_types=[
        pltpu.VMEM((CH, CHUNK), jnp.int32),
        pltpu.VMEM((CHUNK, H1), jnp.float32),
        pltpu.VMEM((ZB, H1), jnp.float32),
        pltpu.VMEM_SHARED((N_PAD, H1), jnp.float32),
        pltpu.SemaphoreType.DMA,
    ],
)
def _sc_count(col_hbm, out_hbm, colv, onesv, zbuf, acc, sem):
    cid = lax.axis_index("c")
    sid = lax.axis_index("s")
    wid = cid * NS + sid

    def fill_body(i, carry):
        zbuf[i] = jnp.zeros((H1,), jnp.float32)
        return carry

    lax.fori_loop(0, ZB, fill_body, 0)

    def ones_body(i, carry):
        onesv[i] = jnp.full((H1,), 1.0, jnp.float32)
        return carry

    lax.fori_loop(0, CHUNK, ones_body, 0)

    def zero_body(z, carry):
        pltpu.sync_copy(zbuf, acc.at[pl.ds(sid * RPT + z * ZB, ZB)])
        return carry

    lax.fori_loop(0, RPT // ZB, zero_body, 0)
    pltpu.sync_copy(col_hbm.at[wid], colv)
    plsc.subcore_barrier()

    KF = 8

    def body(jo, carry):
        for k in range(KF):
            pltpu.async_copy(onesv, acc.at[colv.at[jo * KF + k]], sem,
                             add=True)
        for k in range(KF):
            pltpu.make_async_copy(onesv, acc.at[colv.at[jo * KF + k]],
                                  sem).wait()
        return carry

    lax.fori_loop(0, CH // KF, body, 0)
    plsc.subcore_barrier()

    def rb_body(z, carry):
        pltpu.sync_copy(acc.at[pl.ds(sid * RPT + z * ZB, ZB)], zbuf)
        pltpu.sync_copy(zbuf, out_hbm.at[cid, pl.ds(sid * RPT + z * ZB, ZB)])
        return carry

    lax.fori_loop(0, RPT // ZB, rb_body, 0)


@functools.partial(
    pl.kernel,
    out_type=jax.ShapeDtypeStruct((NC, N_PAD, H1), jnp.float32),
    mesh=_sc_mesh,
    compiler_params=_sc_params,
    scratch_types=[
        pltpu.VMEM((CH, CHUNK), jnp.int32),
        pltpu.VMEM((CH, CHUNK), jnp.int32),
        pltpu.VMEM((NBUF, CHUNK, H1), jnp.float32),
        pltpu.VMEM((ZB, H1), jnp.float32),
        pltpu.VMEM_SHARED((N_PAD, H1), jnp.float32),
        pltpu.SemaphoreType.DMA,
        pltpu.SemaphoreType.DMA,
        pltpu.SemaphoreType.DMA,
        pltpu.SemaphoreType.DMA,
        pltpu.SemaphoreType.DMA,
        pltpu.SemaphoreType.DMA,
        pltpu.SemaphoreType.DMA,
        pltpu.SemaphoreType.DMA,
    ],
)
def _sc_scatter(vals_hbm, row_hbm, col_hbm, out_hbm,
                rowv, colv, gbuf, zbuf, acc,
                gsem0, gsem1, gsem2, gsem3, ssem0, ssem1, ssem2, ssem3):
    cid = lax.axis_index("c")
    sid = lax.axis_index("s")
    wid = cid * NS + sid
    gsems = (gsem0, gsem1, gsem2, gsem3)
    ssems = (ssem0, ssem1, ssem2, ssem3)

    def _gather_start(g, b):
        pltpu.async_copy(vals_hbm.at[rowv.at[g]], gbuf.at[b], gsems[b])

    def _gather_wait(g, b):
        pltpu.make_async_copy(
            vals_hbm.at[rowv.at[g]], gbuf.at[b], gsems[b]).wait()

    def _scatter_start(g, b):
        pltpu.async_copy(gbuf.at[b], acc.at[colv.at[g]], ssems[b], add=True)

    def _scatter_wait(g, b):
        pltpu.make_async_copy(
            gbuf.at[b], acc.at[colv.at[g]], ssems[b]).wait()

    def fill_body(i, carry):
        zbuf[i] = jnp.zeros((H1,), jnp.float32)
        return carry

    lax.fori_loop(0, ZB, fill_body, 0)

    def zero_body(z, carry):
        pltpu.sync_copy(zbuf, acc.at[pl.ds(sid * RPT + z * ZB, ZB)])
        return carry

    lax.fori_loop(0, RPT // ZB, zero_body, 0)
    pltpu.sync_copy(row_hbm.at[wid], rowv)
    pltpu.sync_copy(col_hbm.at[wid], colv)
    plsc.subcore_barrier()

    for b in range(NBUF):
        _gather_start(b, b)

    def body(go, carry):
        for b in range(NBUF):
            g = go * NBUF + b
            _gather_wait(g, b)
            _scatter_start(g, b)

            @pl.when(go < NOUT - 1)
            def _refill():
                _scatter_wait(g, b)
                _gather_start(g + NBUF, b)

        return carry

    lax.fori_loop(0, NOUT, body, 0)
    for b in range(NBUF):
        _scatter_wait((NOUT - 1) * NBUF + b, b)
    plsc.subcore_barrier()

    def rb_body(z, carry):
        pltpu.sync_copy(acc.at[pl.ds(sid * RPT + z * ZB, ZB)], zbuf)
        pltpu.sync_copy(zbuf, out_hbm.at[cid, pl.ds(sid * RPT + z * ZB, ZB)])
        return carry

    lax.fori_loop(0, RPT // ZB, rb_body, 0)



TB = 1000


def _tc_prep_body(obs_ref, w1_ref, cnt_ref, p1p_ref, dinv_ref):
    dinv = lax.rsqrt(1.0 + cnt_ref[0] + cnt_ref[1])
    p1 = jnp.dot(obs_ref[...], w1_ref[...], preferred_element_type=jnp.float32)
    p1p_ref[...] = p1 * dinv
    dinv_ref[...] = dinv


def _tc_prep(obs, W1, cnt):
    blk = lambda i: (i, 0)
    full = lambda i: (0, 0)
    stk = lambda i: (0, i, 0)
    return pl.pallas_call(
        _tc_prep_body,
        grid=(N_NODES // TB,),
        in_specs=[
            pl.BlockSpec((TB, D_IN), blk),
            pl.BlockSpec((D_IN, H1), full),
            pl.BlockSpec((NC, TB, H1), stk),
        ],
        out_specs=[
            pl.BlockSpec((TB, H1), blk),
            pl.BlockSpec((TB, H1), blk),
        ],
        out_shape=[
            jax.ShapeDtypeStruct((N_PAD, H1), jnp.float32),
            jax.ShapeDtypeStruct((N_PAD, H1), jnp.float32),
        ],
    )(obs, W1, cnt)


def _tc_mid_body(t1_ref, p1p_ref, dinv_ref, b1_ref, p2p_ref):
    dinv = dinv_ref[...]
    h1 = jax.nn.relu(dinv * (t1_ref[0] + t1_ref[1] + p1p_ref[...])
                     + b1_ref[...])
    p2p_ref[...] = dinv * h1


def _tc_mid(t1, p1p, dinv16, b1r):
    blk = lambda i: (i, 0)
    full = lambda i: (0, 0)
    stk = lambda i: (0, i, 0)
    return pl.pallas_call(
        _tc_mid_body,
        grid=(N_NODES // TB,),
        in_specs=[
            pl.BlockSpec((NC, TB, H1), stk),
            pl.BlockSpec((TB, H1), blk),
            pl.BlockSpec((TB, H1), blk),
            pl.BlockSpec((1, H1), full),
        ],
        out_specs=pl.BlockSpec((TB, H1), blk),
        out_shape=jax.ShapeDtypeStruct((N_PAD, H1), jnp.float32),
    )(t1, p1p, dinv16, b1r)


def _tc_head_body(t2_ref, p2p_ref, dinv_ref, eps_ref,
                  w2_ref, b2_ref, m1w_ref, m1b_ref, m2w_ref, m2b_ref,
                  m3w_ref, m3b_ref, act_ref, lp_ref):
    x = dinv_ref[...] * (t2_ref[0] + t2_ref[1] + p2p_ref[...])
    bf = jnp.bfloat16
    h2 = jnp.dot(x.astype(bf), w2_ref[...].astype(bf),
                 preferred_element_type=jnp.float32) + b2_ref[...]
    z = jax.nn.relu(
        jnp.dot(h2.astype(bf), m1w_ref[...].astype(bf),
                preferred_element_type=jnp.float32) + m1b_ref[...])
    z = jax.nn.relu(
        jnp.dot(z.astype(bf), m2w_ref[...].astype(bf),
                preferred_element_type=jnp.float32) + m2b_ref[...])
    o = jnp.dot(z.astype(bf), m3w_ref[...].astype(bf),
                preferred_element_type=jnp.float32) + m3b_ref[...]
    mean = o[:, :ACT]
    log_std = jnp.clip(o[:, ACT:], LOG_STD_MIN, LOG_STD_MAX)
    std = jnp.exp(log_std)
    eps = eps_ref[...]
    pre = mean + std * eps
    act_ref[...] = jnp.tanh(pre)
    a2 = jnp.abs(2.0 * pre)
    lp = (-0.5 * eps * eps - log_std - _HALF_LOG_2PI - 2.0 * _LOG2
          + a2 + 2.0 * jnp.log1p(jnp.exp(-a2)))
    lp_ref[...] = jnp.sum(lp, axis=1, keepdims=True)


def _tc_head(t2, p2p, dinv16, eps, W2, b2r, M1w, M1br, M2w, M2br,
             M3w, M3br):
    blk = lambda i: (i, 0)
    full = lambda i: (0, 0)
    stk = lambda i: (0, i, 0)
    return pl.pallas_call(
        _tc_head_body,
        grid=(N_NODES // TB,),
        in_specs=[
            pl.BlockSpec((NC, TB, H1), stk),
            pl.BlockSpec((TB, H1), blk),
            pl.BlockSpec((TB, H1), blk),
            pl.BlockSpec((TB, ACT), blk),
            pl.BlockSpec((H1, H2), full),
            pl.BlockSpec((1, H2), full),
            pl.BlockSpec((H2, 256), full),
            pl.BlockSpec((1, 256), full),
            pl.BlockSpec((256, 256), full),
            pl.BlockSpec((1, 256), full),
            pl.BlockSpec((256, 2 * ACT), full),
            pl.BlockSpec((1, 2 * ACT), full),
        ],
        out_specs=[
            pl.BlockSpec((TB, ACT), blk),
            pl.BlockSpec((TB, 1), blk),
        ],
        out_shape=[
            jax.ShapeDtypeStruct((N_NODES, ACT), jnp.float32),
            jax.ShapeDtypeStruct((N_NODES, 1), jnp.float32),
        ],
    )(t2, p2p, dinv16, eps, W2, b2r, M1w, M1br, M2w, M2br, M3w, M3br)



def kernel(obs, edge_index, eps, W1, b1, W2, b2,
           M1w, M1b, M2w, M2b, M3w, M3b):
    ei = edge_index.astype(jnp.int32)
    pad = jnp.full((E_PAD - N_EDGES,), N_NODES, jnp.int32)
    row = jnp.concatenate([ei[0], pad]).reshape(NW, CH, CHUNK)
    col = jnp.concatenate([ei[1], pad]).reshape(NW, CH, CHUNK)

    cnt = _sc_count(col)
    p1p, dinv16 = _tc_prep(obs, W1, cnt)
    t1 = _sc_scatter(p1p, row, col)
    p2p = _tc_mid(t1, p1p, dinv16, b1.reshape(1, H1))
    t2 = _sc_scatter(p2p, row, col)
    action, log_prob = _tc_head(
        t2, p2p, dinv16, eps, W2, b2.reshape(1, H2), M1w, M1b.reshape(1, 256),
        M2w, M2b.reshape(1, 256), M3w, M3b.reshape(1, 2 * ACT))
    return (action, log_prob)

# --- scband reference (transcript-rebuilt; emitter-appended) ---
"""Pipeline reference for scband-gnn-actor-90975997263965 (READ-ONLY COPY).

The authoritative reference and input builder live on the scoring server;
editing this copy changes nothing except your own understanding.
"""

import jax, jax.numpy as jnp
import numpy as np

N_NODES = 10000
N_EDGES = 320000
D_IN = 128
H1 = 16
H2 = 256
ACT = 32
LOG_STD_MIN, LOG_STD_MAX = -20.0, 2.0


def setup_inputs(seed: int = 0) -> dict:
    key = jax.random.key(seed)
    ks = jax.random.split(key, 16)
    obs = jax.random.normal(ks[0], (N_NODES, D_IN), dtype=jnp.float32)
    edge_index = jax.random.randint(ks[1], (2, N_EDGES), 0, N_NODES)
    eps = jax.random.normal(ks[2], (N_NODES, ACT), dtype=jnp.float32)
    # GCNConv params
    W1 = jax.random.normal(ks[3], (D_IN, H1), dtype=jnp.float32) / np.sqrt(D_IN)
    b1 = jnp.zeros((H1,), dtype=jnp.float32)
    W2 = jax.random.normal(ks[4], (H1, H2), dtype=jnp.float32) / np.sqrt(H1)
    b2 = jnp.zeros((H2,), dtype=jnp.float32)
    # MLP params: 256 -> 256 -> 256 -> 2*action_dim
    M1w = jax.random.normal(ks[5], (H2, 256), dtype=jnp.float32) / np.sqrt(H2)
    M1b = jnp.zeros((256,), dtype=jnp.float32)
    M2w = jax.random.normal(ks[6], (256, 256), dtype=jnp.float32) / np.sqrt(256)
    M2b = jnp.zeros((256,), dtype=jnp.float32)
    M3w = jax.random.normal(ks[7], (256, 2 * ACT), dtype=jnp.float32) / np.sqrt(256)
    M3b = jnp.zeros((2 * ACT,), dtype=jnp.float32)
    return {"obs": obs, "edge_index": edge_index, "eps": eps,
            "W1": W1, "b1": b1, "W2": W2, "b2": b2,
            "M1w": M1w, "M1b": M1b, "M2w": M2w, "M2b": M2b,
            "M3w": M3w, "M3b": M3b}


def gcn_conv(x, edge_index, W, b):
    n = x.shape[0]
    row = edge_index[0]
    col = edge_index[1]
    # add self loops (PyG GCNConv default)
    sl = jnp.arange(n)
    row = jnp.concatenate([row, sl])
    col = jnp.concatenate([col, sl])
    # symmetric normalization deg^{-1/2} A_hat deg^{-1/2}
    deg = jnp.zeros((n,), dtype=x.dtype).at[col].add(1.0)
    dinv = jnp.where(deg > 0, 1.0 / jnp.sqrt(deg), 0.0)
    norm = dinv[row] * dinv[col]
    h = x @ W
    msg = h[row] * norm[:, None]          # gather (SparseCore)
    out = jnp.zeros((n, W.shape[1]), dtype=x.dtype).at[col].add(msg)  # scatter-add
    return out + b


def reference(obs, edge_index, eps, W1, b1, W2, b2, M1w, M1b, M2w, M2b, M3w, M3b):
    # GCN feature extractor
    h = gcn_conv(obs, edge_index, W1, b1)
    h = jax.nn.relu(h)
    h = gcn_conv(h, edge_index, W2, b2)
    # MLP head -> mean, log_std
    z = jax.nn.relu(h @ M1w + M1b)
    z = jax.nn.relu(z @ M2w + M2b)
    o = z @ M3w + M3b
    mean = o[:, :ACT]
    log_std = jnp.clip(o[:, ACT:], LOG_STD_MIN, LOG_STD_MAX)
    # training path: TanhNormal rsample + log_prob (eps is the standard-normal draw)
    std = jnp.exp(log_std)
    pre_tanh = mean + std * eps
    action = jnp.tanh(pre_tanh)
    log_det = 2.0 * jnp.log(2.0) + jax.nn.log_sigmoid(2.0 * pre_tanh) + jax.nn.log_sigmoid(-2.0 * pre_tanh)
    normal_lp = -((pre_tanh - mean) ** 2) / (2.0 * std ** 2) - log_std - 0.5 * jnp.log(2.0 * jnp.pi)
    log_prob = jnp.sum(normal_lp - log_det, axis=1, keepdims=True)
    return (action, log_prob)

if __name__ == "__main__":
    import jax
    _d = setup_inputs()
    print(jax.jit(kernel)(*tuple(_d.values())))

</pallas_src>

<mosaic_0001>
#map = affine_map<(d0, d1) -> (0, 0)>
#map1 = affine_map<(d0, d1) -> (0, 0, 0)>
module attributes {stable_mosaic.version = 14 : i64} {
  func.func @_sc_scatter(%arg0: i32, %arg1: i32, %arg2: memref<10240x16xf32, #tpu.memory_space<hbm>>, %arg3: memref<32x80x128xi32, #tpu.memory_space<hbm>>, %arg4: memref<32x80x128xi32, #tpu.memory_space<hbm>>, %arg5: memref<2x10240x16xf32, #tpu.memory_space<hbm>>, %arg6: memref<80x128xi32, #tpu.memory_space<vmem>>, %arg7: memref<80x128xi32, #tpu.memory_space<vmem>>, %arg8: memref<4x128x16xf32, #tpu.memory_space<vmem>>, %arg9: memref<64x16xf32, #tpu.memory_space<vmem>>, %arg10: memref<10240x16xf32, #tpu.memory_space<vmem_shared>>, %arg11: memref<!tpu.dma_semaphore, #tpu.memory_space<semaphore_mem>>, %arg12: memref<!tpu.dma_semaphore, #tpu.memory_space<semaphore_mem>>, %arg13: memref<!tpu.dma_semaphore, #tpu.memory_space<semaphore_mem>>, %arg14: memref<!tpu.dma_semaphore, #tpu.memory_space<semaphore_mem>>, %arg15: memref<!tpu.dma_semaphore, #tpu.memory_space<semaphore_mem>>, %arg16: memref<!tpu.dma_semaphore, #tpu.memory_space<semaphore_mem>>, %arg17: memref<!tpu.dma_semaphore, #tpu.memory_space<semaphore_mem>>, %arg18: memref<!tpu.dma_semaphore, #tpu.memory_space<semaphore_mem>>) attributes {dimension_semantics = [#tpu.dimension_semantics<core_parallel>, #tpu.dimension_semantics<subcore_parallel>], iteration_bounds = array<i64: 2, 16>, scalar_prefetch = 0 : i64, scratch_operands = 13 : i64, tpu.core_type = #tpu.core_type<sc_vector_subcore>, window_params = [{transform_indices = #map}, {transform_indices = #map1}, {transform_indices = #map1}, {transform_indices = #map1}]} {
    %mul3A = arith.constant 16 : i32
    %mul3A_0 = arith.muli %arg0, %mul3A : i32
    %add3A = arith.addi %mul3A_0, %arg1 : i32
    %scan3A = arith.constant 0 : i32
    %scan3A_1 = arith.constant 0 : i32
    %scan3A_2 = arith.constant 64 : i32
    %scan3A_3 = arith.addi %scan3A_1, %scan3A_2 : i32
    %scan3A_4 = arith.constant 1 : i32
    scf.for %scan3A_119 = %scan3A_1 to %scan3A_3 step %scan3A_4  : i32 {
      %broadcast_in_dim3A = arith.constant 0.000000e+00 : f32
      %broadcast_in_dim3A_120 = vector.broadcast %broadcast_in_dim3A : f32 to vector<16xf32>
      %swap3A = arith.index_cast %scan3A_119 : i32 to index
      %swap3A_121 = arith.constant 0 : index
      %swap3A_122 = tpu.vector_load %arg9[%swap3A, %swap3A_121] {strides = array<i32>} : memref<64x16xf32, #tpu.memory_space<vmem>>, vector<1x16xf32>,
      %swap3A_123 = vector.shape_cast %swap3A_122 : vector<1x16xf32> to vector<16xf32>
      %swap3A_124 = vector.shape_cast %broadcast_in_dim3A_120 : vector<16xf32> to vector<1x16xf32>
      tpu.vector_store %arg9[%swap3A, %swap3A_121], %swap3A_124 {strides = array<i32>} : memref<64x16xf32, #tpu.memory_space<vmem>>, vector<1x16xf32>,
    }
    %scan3A_5 = arith.constant 64 : i32
    %scan3A_6 = arith.constant 0 : i32
    %scan3A_7 = arith.constant 0 : i32
    %scan3A_8 = arith.constant 10 : i32
    %scan3A_9 = arith.addi %scan3A_7, %scan3A_8 : i32
    %scan3A_10 = arith.constant 1 : i32
    scf.for %scan3A_119 = %scan3A_7 to %scan3A_9 step %scan3A_10  : i32 {
      %mul3A_120 = arith.constant 640 : i32
      %mul3A_121 = arith.muli %arg1, %mul3A_120 : i32
      %mul3A_122 = arith.constant 64 : i32
      %mul3A_123 = arith.muli %scan3A_119, %mul3A_122 : i32
      %add3A_124 = arith.addi %mul3A_121, %mul3A_123 : i32
      "tpu.region"() ({
        %run_scoped3A = tpu.sem_alloc : memref<!tpu.dma_semaphore, #tpu.memory_space<semaphore_mem>>
        %dma_start3A_125 = arith.constant 0 : i32
        %dma_start3A_126 = tpu.memref_slice %arg10[%add3A_124, %dma_start3A_125] : memref<10240x16xf32, #tpu.memory_space<vmem_shared>> -> memref<64x16xf32, #tpu.memory_space<vmem_shared>>
        %dma_start3A_127 = arith.constant 0 : i32
        %dma_start3A_128 = tpu.memref_slice %arg10[%add3A_124, %dma_start3A_127] : memref<10240x16xf32, #tpu.memory_space<vmem_shared>> -> memref<64x16xf32, #tpu.memory_space<vmem_shared>>
        tpu.enqueue_dma source(%arg9 : memref<64x16xf32, #tpu.memory_space<vmem>>) target(%dma_start3A_128 : memref<64x16xf32, #tpu.memory_space<vmem_shared>>) target_semaphore(%run_scoped3A : memref<!tpu.dma_semaphore, #tpu.memory_space<semaphore_mem>>)
        %dma_wait3A_129 = arith.constant 0 : i32
        %dma_wait3A_130 = tpu.memref_slice %arg10[%add3A_124, %dma_wait3A_129] : memref<10240x16xf32, #tpu.memory_space<vmem_shared>> -> memref<64x16xf32, #tpu.memory_space<vmem_shared>>
        %dma_wait3A_131 = arith.constant 0 : i32
        %dma_wait3A_132 = tpu.memref_slice %arg10[%add3A_124, %dma_wait3A_131] : memref<10240x16xf32, #tpu.memory_space<vmem_shared>> -> memref<64x16xf32, #tpu.memory_space<vmem_shared>>
        tpu.wait_dma2 semaphore(%run_scoped3A : memref<!tpu.dma_semaphore, #tpu.memory_space<semaphore_mem>>) src(%arg9 : memref<64x16xf32, #tpu.memory_space<vmem>>) dst(%dma_wait3A_132 : memref<64x16xf32, #tpu.memory_space<vmem_shared>>)
        tpu.yield
      }) : () -> ()
    }
    %scan3A_11 = arith.constant 10 : i32
    "tpu.region"() ({
      %run_scoped3A = tpu.sem_alloc : memref<!tpu.dma_semaphore, #tpu.memory_space<semaphore_mem>>
      %dma_start3A_119 = arith.constant 0 : i32
      %dma_start3A_120 = arith.constant 0 : i32
      %dma_start3A_121 = tpu.memref_slice %arg3[%add3A, %dma_start3A_119, %dma_start3A_120] : memref<32x80x128xi32, #tpu.memory_space<hbm>> -> memref<1x80x128xi32, #tpu.memory_space<hbm>>
      %dma_start3A_122 = tpu.memref_squeeze %dma_start3A_121 : memref<1x80x128xi32, #tpu.memory_space<hbm>> -> memref<80x128xi32, #tpu.memory_space<hbm>>
      %dma_start3A_123 = arith.constant 0 : i32
      %dma_start3A_124 = arith.constant 0 : i32
      %dma_start3A_125 = tpu.memref_slice %arg3[%add3A, %dma_start3A_123, %dma_start3A_124] : memref<32x80x128xi32, #tpu.memory_space<hbm>> -> memref<1x80x128xi32, #tpu.memory_space<hbm>>
      %dma_start3A_126 = tpu.memref_squeeze %dma_start3A_125 : memref<1x80x128xi32, #tpu.memory_space<hbm>> -> memref<80x128xi32, #tpu.memory_space<hbm>>
      tpu.enqueue_dma source(%dma_start3A_126 : memref<80x128xi32, #tpu.memory_space<hbm>>) target(%arg6 : memref<80x128xi32, #tpu.memory_space<vmem>>) target_semaphore(%run_scoped3A : memref<!tpu.dma_semaphore, #tpu.memory_space<semaphore_mem>>)
      %dma_wait3A_127 = arith.constant 0 : i32
      %dma_wait3A_128 = arith.constant 0 : i32
      %dma_wait3A_129 = tpu.memref_slice %arg3[%add3A, %dma_wait3A_127, %dma_wait3A_128] : memref<32x80x128xi32, #tpu.memory_space<hbm>> -> memref<1x80x128xi32, #tpu.memory_space<hbm>>
      %dma_wait3A_130 = tpu.memref_squeeze %dma_wait3A_129 : memref<1x80x128xi32, #tpu.memory_space<hbm>> -> memref<80x128xi32, #tpu.memory_space<hbm>>
      %dma_wait3A_131 = arith.constant 0 : i32
      %dma_wait3A_132 = arith.constant 0 : i32
      %dma_wait3A_133 = tpu.memref_slice %arg3[%add3A, %dma_wait3A_131, %dma_wait3A_132] : memref<32x80x128xi32, #tpu.memory_space<hbm>> -> memref<1x80x128xi32, #tpu.memory_space<hbm>>
      %dma_wait3A_134 = tpu.memref_squeeze %dma_wait3A_133 : memref<1x80x128xi32, #tpu.memory_space<hbm>> -> memref<80x128xi32, #tpu.memory_space<hbm>>
      tpu.wait_dma2 semaphore(%run_scoped3A : memref<!tpu.dma_semaphore, #tpu.memory_space<semaphore_mem>>) src(%dma_wait3A_134 : memref<80x128xi32, #tpu.memory_space<hbm>>) dst(%arg6 : memref<80x128xi32, #tpu.memory_space<vmem>>)
      tpu.yield
    }) : () -> ()
    "tpu.region"() ({
      %run_scoped3A = tpu.sem_alloc : memref<!tpu.dma_semaphore, #tpu.memory_space<semaphore_mem>>
      %dma_start3A_119 = arith.constant 0 : i32
      %dma_start3A_120 = arith.constant 0 : i32
      %dma_start3A_121 = tpu.memref_slice %arg4[%add3A, %dma_start3A_119, %dma_start3A_120] : memref<32x80x128xi32, #tpu.memory_space<hbm>> -> memref<1x80x128xi32, #tpu.memory_space<hbm>>
      %dma_start3A_122 = tpu.memref_squeeze %dma_start3A_121 : memref<1x80x128xi32, #tpu.memory_space<hbm>> -> memref<80x128xi32, #tpu.memory_space<hbm>>
      %dma_start3A_123 = arith.constant 0 : i32
      %dma_start3A_124 = arith.constant 0 : i32
      %dma_start3A_125 = tpu.memref_slice %arg4[%add3A, %dma_start3A_123, %dma_start3A_124] : memref<32x80x128xi32, #tpu.memory_space<hbm>> -> memref<1x80x128xi32, #tpu.memory_space<hbm>>
      %dma_start3A_126 = tpu.memref_squeeze %dma_start3A_125 : memref<1x80x128xi32, #tpu.memory_space<hbm>> -> memref<80x128xi32, #tpu.memory_space<hbm>>
      tpu.enqueue_dma source(%dma_start3A_126 : memref<80x128xi32, #tpu.memory_space<hbm>>) target(%arg7 : memref<80x128xi32, #tpu.memory_space<vmem>>) target_semaphore(%run_scoped3A : memref<!tpu.dma_semaphore, #tpu.memory_space<semaphore_mem>>)
      %dma_wait3A_127 = arith.constant 0 : i32
      %dma_wait3A_128 = arith.constant 0 : i32
      %dma_wait3A_129 = tpu.memref_slice %arg4[%add3A, %dma_wait3A_127, %dma_wait3A_128] : memref<32x80x128xi32, #tpu.memory_space<hbm>> -> memref<1x80x128xi32, #tpu.memory_space<hbm>>
      %dma_wait3A_130 = tpu.memref_squeeze %dma_wait3A_129 : memref<1x80x128xi32, #tpu.memory_space<hbm>> -> memref<80x128xi32, #tpu.memory_space<hbm>>
      %dma_wait3A_131 = arith.constant 0 : i32
      %dma_wait3A_132 = arith.constant 0 : i32
      %dma_wait3A_133 = tpu.memref_slice %arg4[%add3A, %dma_wait3A_131, %dma_wait3A_132] : memref<32x80x128xi32, #tpu.memory_space<hbm>> -> memref<1x80x128xi32, #tpu.memory_space<hbm>>
      %dma_wait3A_134 = tpu.memref_squeeze %dma_wait3A_133 : memref<1x80x128xi32, #tpu.memory_space<hbm>> -> memref<80x128xi32, #tpu.memory_space<hbm>>
      tpu.wait_dma2 semaphore(%run_scoped3A : memref<!tpu.dma_semaphore, #tpu.memory_space<semaphore_mem>>) src(%dma_wait3A_134 : memref<80x128xi32, #tpu.memory_space<hbm>>) dst(%arg7 : memref<80x128xi32, #tpu.memory_space<vmem>>)
      tpu.yield
    }) : () -> ()
    %barrier3A = arith.constant 0 : index
    tpu.barrier barrier_id(%barrier3A)
    %dma_start3A = arith.constant 0 : i32
    %dma_start3A_12 = arith.constant 0 : i32
    %dma_start3A_13 = arith.constant 0 : i32
    %dma_start3A_14 = arith.constant 0 : i32
    %dma_start3A_15 = tpu.memref_slice %arg8[%dma_start3A_12, %dma_start3A_13, %dma_start3A_14] : memref<4x128x16xf32, #tpu.memory_space<vmem>> -> memref<1x128x16xf32, #tpu.memory_space<vmem>>
    %dma_start3A_16 = tpu.memref_squeeze %dma_start3A_15 : memref<1x128x16xf32, #tpu.memory_space<vmem>> -> memref<128x16xf32, #tpu.memory_space<vmem>>
    %dma_start3A_17 = arith.constant 0 : i32
    %dma_start3A_18 = tpu.memref_slice %arg6[%dma_start3A, %dma_start3A_17] : memref<80x128xi32, #tpu.memory_space<vmem>> -> memref<1x128xi32, #tpu.memory_space<vmem>>
    %dma_start3A_19 = tpu.memref_squeeze %dma_start3A_18 : memref<1x128xi32, #tpu.memory_space<vmem>> -> memref<128xi32, #tpu.memory_space<vmem>>
    %dma_start3A_20 = arith.constant 0 : i32
    %dma_start3A_21 = arith.constant 0 : i32
    %dma_start3A_22 = tpu.memref_slice %arg2[%dma_start3A_20, %dma_start3A_21] : memref<10240x16xf32, #tpu.memory_space<hbm>> -> memref<10240x16xf32, #tpu.memory_space<hbm>>
    tpu.enqueue_indirect_dma source(%dma_start3A_22 : memref<10240x16xf32, #tpu.memory_space<hbm>>) target(%dma_start3A_16 : memref<128x16xf32, #tpu.memory_space<vmem>>) offsets(%dma_start3A_19 : memref<128xi32, #tpu.memory_space<vmem>>) semaphore(%arg11 : memref<!tpu.dma_semaphore, #tpu.memory_space<semaphore_mem>>)
    %dma_start3A_23 = arith.constant 1 : i32
    %dma_start3A_24 = arith.constant 1 : i32
    %dma_start3A_25 = arith.constant 0 : i32
    %dma_start3A_26 = arith.constant 0 : i32
    %dma_start3A_27 = tpu.memref_slice %arg8[%dma_start3A_24, %dma_start3A_25, %dma_start3A_26] : memref<4x128x16xf32, #tpu.memory_space<vmem>> -> memref<1x128x16xf32, #tpu.memory_space<vmem>>
    %dma_start3A_28 = tpu.memref_squeeze %dma_start3A_27 : memref<1x128x16xf32, #tpu.memory_space<vmem>> -> memref<128x16xf32, #tpu.memory_space<vmem>>
    %dma_start3A_29 = arith.constant 0 : i32
    %dma_start3A_30 = tpu.memref_slice %arg6[%dma_start3A_23, %dma_start3A_29] : memref<80x128xi32, #tpu.memory_space<vmem>> -> memref<1x128xi32, #tpu.memory_space<vmem>>
    %dma_start3A_31 = tpu.memref_squeeze %dma_start3A_30 : memref<1x128xi32, #tpu.memory_space<vmem>> -> memref<128xi32, #tpu.memory_space<vmem>>
    %dma_start3A_32 = arith.constant 0 : i32
    %dma_start3A_33 = arith.constant 0 : i32
    %dma_start3A_34 = tpu.memref_slice %arg2[%dma_start3A_32, %dma_start3A_33] : memref<10240x16xf32, #tpu.memory_space<hbm>> -> memref<10240x16xf32, #tpu.memory_space<hbm>>
    tpu.enqueue_indirect_dma source(%dma_start3A_34 : memref<10240x16xf32, #tpu.memory_space<hbm>>) target(%dma_start3A_28 : memref<128x16xf32, #tpu.memory_space<vmem>>) offsets(%dma_start3A_31 : memref<128xi32, #tpu.memory_space<vmem>>) semaphore(%arg12 : memref<!tpu.dma_semaphore, #tpu.memory_space<semaphore_mem>>)
    %dma_start3A_35 = arith.constant 2 : i32
    %dma_start3A_36 = arith.constant 2 : i32
    %dma_start3A_37 = arith.constant 0 : i32
    %dma_start3A_38 = arith.constant 0 : i32
    %dma_start3A_39 = tpu.memref_slice %arg8[%dma_start3A_36, %dma_start3A_37, %dma_start3A_38] : memref<4x128x16xf32, #tpu.memory_space<vmem>> -> memref<1x128x16xf32, #tpu.memory_space<vmem>>
    %dma_start3A_40 = tpu.memref_squeeze %dma_start3A_39 : memref<1x128x16xf32, #tpu.memory_space<vmem>> -> memref<128x16xf32, #tpu.memory_space<vmem>>
    %dma_start3A_41 = arith.constant 0 : i32
    %dma_start3A_42 = tpu.memref_slice %arg6[%dma_start3A_35, %dma_start3A_41] : memref<80x128xi32, #tpu.memory_space<vmem>> -> memref<1x128xi32, #tpu.memory_space<vmem>>
    %dma_start3A_43 = tpu.memref_squeeze %dma_start3A_42 : memref<1x128xi32, #tpu.memory_space<vmem>> -> memref<128xi32, #tpu.memory_space<vmem>>
    %dma_start3A_44 = arith.constant 0 : i32
    %dma_start3A_45 = arith.constant 0 : i32
    %dma_start3A_46 = tpu.memref_slice %arg2[%dma_start3A_44, %dma_start3A_45] : memref<10240x16xf32, #tpu.memory_space<hbm>> -> memref<10240x16xf32, #tpu.memory_space<hbm>>
    tpu.enqueue_indirect_dma source(%dma_start3A_46 : memref<10240x16xf32, #tpu.memory_space<hbm>>) target(%dma_start3A_40 : memref<128x16xf32, #tpu.memory_space<vmem>>) offsets(%dma_start3A_43 : memref<128xi32, #tpu.memory_space<vmem>>) semaphore(%arg13 : memref<!tpu.dma_semaphore, #tpu.memory_space<semaphore_mem>>)
    %dma_start3A_47 = arith.constant 3 : i32
    %dma_start3A_48 = arith.constant 3 : i32
    %dma_start3A_49 = arith.constant 0 : i32
    %dma_start3A_50 = arith.constant 0 : i32
    %dma_start3A_51 = tpu.memref_slice %arg8[%dma_start3A_48, %dma_start3A_49, %dma_start3A_50] : memref<4x128x16xf32, #tpu.memory_space<vmem>> -> memref<1x128x16xf32, #tpu.memory_space<vmem>>
    %dma_start3A_52 = tpu.memref_squeeze %dma_start3A_51 : memref<1x128x16xf32, #tpu.memory_space<vmem>> -> memref<128x16xf32, #tpu.memory_space<vmem>>
    %dma_start3A_53 = arith.constant 0 : i32
    %dma_start3A_54 = tpu.memref_slice %arg6[%dma_start3A_47, %dma_start3A_53] : memref<80x128xi32, #tpu.memory_space<vmem>> -> memref<1x128xi32, #tpu.memory_space<vmem>>
    %dma_start3A_55 = tpu.memref_squeeze %dma_start3A_54 : memref<1x128xi32, #tpu.memory_space<vmem>> -> memref<128xi32, #tpu.memory_space<vmem>>
    %dma_start3A_56 = arith.constant 0 : i32
    %dma_start3A_57 = arith.constant 0 : i32
    %dma_start3A_58 = tpu.memref_slice %arg2[%dma_start3A_56, %dma_start3A_57] : memref<10240x16xf32, #tpu.memory_space<hbm>> -> memref<10240x16xf32, #tpu.memory_space<hbm>>
    tpu.enqueue_indirect_dma source(%dma_start3A_58 : memref<10240x16xf32, #tpu.memory_space<hbm>>) target(%dma_start3A_52 : memref<128x16xf32, #tpu.memory_space<vmem>>) offsets(%dma_start3A_55 : memref<128xi32, #tpu.memory_space<vmem>>) semaphore(%arg14 : memref<!tpu.dma_semaphore, #tpu.memory_space<semaphore_mem>>)
    %scan3A_59 = arith.constant 0 : i32
    %scan3A_60 = arith.constant 0 : i32
    %scan3A_61 = arith.constant 20 : i32
    %scan3A_62 = arith.addi %scan3A_60, %scan3A_61 : i32
    %scan3A_63 = arith.constant 1 : i32
    scf.for %scan3A_119 = %scan3A_60 to %scan3A_62 step %scan3A_63  : i32 {
      %mul3A_120 = arith.constant 4 : i32
      %mul3A_121 = arith.muli %scan3A_119, %mul3A_120 : i32
      %add3A_122 = arith.constant 0 : i32
      %add3A_123 = arith.addi %mul3A_121, %add3A_122 : i32
      %dma_wait3A_124 = arith.constant 0 : i32
      %dma_wait3A_125 = arith.constant 0 : i32
      %dma_wait3A_126 = arith.constant 0 : i32
      %dma_wait3A_127 = tpu.memref_slice %arg8[%dma_wait3A_124, %dma_wait3A_125, %dma_wait3A_126] : memref<4x128x16xf32, #tpu.memory_space<vmem>> -> memref<1x128x16xf32, #tpu.memory_space<vmem>>
      %dma_wait3A_128 = tpu.memref_squeeze %dma_wait3A_127 : memref<1x128x16xf32, #tpu.memory_space<vmem>> -> memref<128x16xf32, #tpu.memory_space<vmem>>
      %dma_wait3A_129 = arith.constant 0 : i32
      %dma_wait3A_130 = tpu.memref_slice %arg6[%add3A_123, %dma_wait3A_129] : memref<80x128xi32, #tpu.memory_space<vmem>> -> memref<1x128xi32, #tpu.memory_space<vmem>>
      %dma_wait3A_131 = tpu.memref_squeeze %dma_wait3A_130 : memref<1x128xi32, #tpu.memory_space<vmem>> -> memref<128xi32, #tpu.memory_space<vmem>>
      %dma_wait3A_132 = arith.constant 0 : i32
      %dma_wait3A_133 = arith.constant 0 : i32
      %dma_wait3A_134 = tpu.memref_slice %arg2[%dma_wait3A_132, %dma_wait3A_133] : memref<10240x16xf32, #tpu.memory_space<hbm>> -> memref<10240x16xf32, #tpu.memory_space<hbm>>
      tpu.wait_indirect_dma semaphore(%arg11 : memref<!tpu.dma_semaphore, #tpu.memory_space<semaphore_mem>>) src(%dma_wait3A_134 : memref<10240x16xf32, #tpu.memory_space<hbm>>) dst(%dma_wait3A_128 : memref<128x16xf32, #tpu.memory_space<vmem>>)
      %dma_start3A_135 = arith.constant 0 : i32
      %dma_start3A_136 = arith.constant 0 : i32
      %dma_start3A_137 = arith.constant 0 : i32
      %dma_start3A_138 = tpu.memref_slice %arg8[%dma_start3A_135, %dma_start3A_136, %dma_start3A_137] : memref<4x128x16xf32, #tpu.memory_space<vmem>> -> memref<1x128x16xf32, #tpu.memory_space<vmem>>
      %dma_start3A_139 = tpu.memref_squeeze %dma_start3A_138 : memref<1x128x16xf32, #tpu.memory_space<vmem>> -> memref<128x16xf32, #tpu.memory_space<vmem>>
      %dma_start3A_140 = arith.constant 0 : i32
      %dma_start3A_141 = tpu.memref_slice %arg7[%add3A_123, %dma_start3A_140] : memref<80x128xi32, #tpu.memory_space<vmem>> -> memref<1x128xi32, #tpu.memory_space<vmem>>
      %dma_start3A_142 = tpu.memref_squeeze %dma_start3A_141 : memref<1x128xi32, #tpu.memory_space<vmem>> -> memref<128xi32, #tpu.memory_space<vmem>>
      %dma_start3A_143 = arith.constant 0 : i32
      %dma_start3A_144 = arith.constant 0 : i32
      %dma_start3A_145 = tpu.memref_slice %arg10[%dma_start3A_143, %dma_start3A_144] : memref<10240x16xf32, #tpu.memory_space<vmem_shared>> -> memref<10240x16xf32, #tpu.memory_space<vmem_shared>>
      tpu.enqueue_indirect_dma source(%dma_start3A_139 : memref<128x16xf32, #tpu.memory_space<vmem>>) target(%dma_start3A_145 : memref<10240x16xf32, #tpu.memory_space<vmem_shared>>) offsets(%dma_start3A_142 : memref<128xi32, #tpu.memory_space<vmem>>) semaphore(%arg15 : memref<!tpu.dma_semaphore, #tpu.memory_space<semaphore_mem>>) {add = true}
      %lt3A = arith.constant 19 : i32
      %lt3A_146 = arith.cmpi slt, %scan3A_119, %lt3A : i32
      %convert_element_type3A = arith.extui %lt3A_146 : i1 to i32
      %cond3A = arith.constant 0 : i32
      %cond3A_147 = arith.cmpi ne, %convert_element_type3A, %cond3A : i32
      scf.if %cond3A_147 {
        %dma_wait3A_241 = arith.constant 0 : i32
        %dma_wait3A_242 = arith.constant 0 : i32
        %dma_wait3A_243 = arith.constant 0 : i32
        %dma_wait3A_244 = tpu.memref_slice %arg8[%dma_wait3A_241, %dma_wait3A_242, %dma_wait3A_243] : memref<4x128x16xf32, #tpu.memory_space<vmem>> -> memref<1x128x16xf32, #tpu.memory_space<vmem>>
        %dma_wait3A_245 = tpu.memref_squeeze %dma_wait3A_244 : memref<1x128x16xf32, #tpu.memory_space<vmem>> -> memref<128x16xf32, #tpu.memory_space<vmem>>
        %dma_wait3A_246 = arith.constant 0 : i32
        %dma_wait3A_247 = tpu.memref_slice %arg7[%add3A_123, %dma_wait3A_246] : memref<80x128xi32, #tpu.memory_space<vmem>> -> memref<1x128xi32, #tpu.memory_space<vmem>>
        %dma_wait3A_248 = tpu.memref_squeeze %dma_wait3A_247 : memref<1x128xi32, #tpu.memory_space<vmem>> -> memref<128xi32, #tpu.memory_space<vmem>>
        %dma_wait3A_249 = arith.constant 0 : i32
        %dma_wait3A_250 = arith.constant 0 : i32
        %dma_wait3A_251 = tpu.memref_slice %arg10[%dma_wait3A_249, %dma_wait3A_250] : memref<10240x16xf32, #tpu.memory_space<vmem_shared>> -> memref<10240x16xf32, #tpu.memory_space<vmem_shared>>
        tpu.wait_indirect_dma semaphore(%arg15 : memref<!tpu.dma_semaphore, #tpu.memory_space<semaphore_mem>>) src(%dma_wait3A_245 : memref<128x16xf32, #tpu.memory_space<vmem>>) dst(%dma_wait3A_251 : memref<10240x16xf32, #tpu.memory_space<vmem_shared>>)
        %add3A_252 = arith.constant 4 : i32
        %add3A_253 = arith.addi %add3A_123, %add3A_252 : i32
        %dma_start3A_254 = arith.constant 0 : i32
        %dma_start3A_255 = arith.constant 0 : i32
        %dma_start3A_256 = arith.constant 0 : i32
        %dma_start3A_257 = tpu.memref_slice %arg8[%dma_start3A_254, %dma_start3A_255, %dma_start3A_256] : memref<4x128x16xf32, #tpu.memory_space<vmem>> -> memref<1x128x16xf32, #tpu.memory_space<vmem>>
        %dma_start3A_258 = tpu.memref_squeeze %dma_start3A_257 : memref<1x128x16xf32, #tpu.memory_space<vmem>> -> memref<128x16xf32, #tpu.memory_space<vmem>>
        %dma_start3A_259 = arith.constant 0 : i32
        %dma_start3A_260 = tpu.memref_slice %arg6[%add3A_253, %dma_start3A_259] : memref<80x128xi32, #tpu.memory_space<vmem>> -> memref<1x128xi32, #tpu.memory_space<vmem>>
        %dma_start3A_261 = tpu.memref_squeeze %dma_start3A_260 : memref<1x128xi32, #tpu.memory_space<vmem>> -> memref<128xi32, #tpu.memory_space<vmem>>
        %dma_start3A_262 = arith.constant 0 : i32
        %dma_start3A_263 = arith.constant 0 : i32
        %dma_start3A_264 = tpu.memref_slice %arg2[%dma_start3A_262, %dma_start3A_263] : memref<10240x16xf32, #tpu.memory_space<hbm>> -> memref<10240x16xf32, #tpu.memory_space<hbm>>
        tpu.enqueue_indirect_dma source(%dma_start3A_264 : memref<10240x16xf32, #tpu.memory_space<hbm>>) target(%dma_start3A_258 : memref<128x16xf32, #tpu.memory_space<vmem>>) offsets(%dma_start3A_261 : memref<128xi32, #tpu.memory_space<vmem>>) semaphore(%arg11 : memref<!tpu.dma_semaphore, #tpu.memory_space<semaphore_mem>>)
      } else {
      }
      %mul3A_148 = arith.constant 4 : i32
      %mul3A_149 = arith.muli %scan3A_119, %mul3A_148 : i32
      %add3A_150 = arith.constant 1 : i32
      %add3A_151 = arith.addi %mul3A_149, %add3A_150 : i32
      %dma_wait3A_152 = arith.constant 1 : i32
      %dma_wait3A_153 = arith.constant 0 : i32
      %dma_wait3A_154 = arith.constant 0 : i32
      %dma_wait3A_155 = tpu.memref_slice %arg8[%dma_wait3A_152, %dma_wait3A_153, %dma_wait3A_154] : memref<4x128x16xf32, #tpu.memory_space<vmem>> -> memref<1x128x16xf32, #tpu.memory_space<vmem>>
      %dma_wait3A_156 = tpu.memref_squeeze %dma_wait3A_155 : memref<1x128x16xf32, #tpu.memory_space<vmem>> -> memref<128x16xf32, #tpu.memory_space<vmem>>
      %dma_wait3A_157 = arith.constant 0 : i32
      %dma_wait3A_158 = tpu.memref_slice %arg6[%add3A_151, %dma_wait3A_157] : memref<80x128xi32, #tpu.memory_space<vmem>> -> memref<1x128xi32, #tpu.memory_space<vmem>>
      %dma_wait3A_159 = tpu.memref_squeeze %dma_wait3A_158 : memref<1x128xi32, #tpu.memory_space<vmem>> -> memref<128xi32, #tpu.memory_space<vmem>>
      %dma_wait3A_160 = arith.constant 0 : i32
      %dma_wait3A_161 = arith.constant 0 : i32
      %dma_wait3A_162 = tpu.memref_slice %arg2[%dma_wait3A_160, %dma_wait3A_161] : memref<10240x16xf32, #tpu.memory_space<hbm>> -> memref<10240x16xf32, #tpu.memory_space<hbm>>
      tpu.wait_indirect_dma semaphore(%arg12 : memref<!tpu.dma_semaphore, #tpu.memory_space<semaphore_mem>>) src(%dma_wait3A_162 : memref<10240x16xf32, #tpu.memory_space<hbm>>) dst(%dma_wait3A_156 : memref<128x16xf32, #tpu.memory_space<vmem>>)
      %dma_start3A_163 = arith.constant 1 : i32
      %dma_start3A_164 = arith.constant 0 : i32
      %dma_start3A_165 = arith.constant 0 : i32
      %dma_start3A_166 = tpu.memref_slice %arg8[%dma_start3A_163, %dma_start3A_164, %dma_start3A_165] : memref<4x128x16xf32, #tpu.memory_space<vmem>> -> memref<1x128x16xf32, #tpu.memory_space<vmem>>
      %dma_start3A_167 = tpu.memref_squeeze %dma_start3A_166 : memref<1x128x16xf32, #tpu.memory_space<vmem>> -> memref<128x16xf32, #tpu.memory_space<vmem>>
      %dma_start3A_168 = arith.constant 0 : i32
      %dma_start3A_169 = tpu.memref_slice %arg7[%add3A_151, %dma_start3A_168] : memref<80x128xi32, #tpu.memory_space<vmem>> -> memref<1x128xi32, #tpu.memory_space<vmem>>
      %dma_start3A_170 = tpu.memref_squeeze %dma_start3A_169 : memref<1x128xi32, #tpu.memory_space<vmem>> -> memref<128xi32, #tpu.memory_space<vmem>>
      %dma_start3A_171 = arith.constant 0 : i32
      %dma_start3A_172 = arith.constant 0 : i32
      %dma_start3A_173 = tpu.memref_slice %arg10[%dma_start3A_171, %dma_start3A_172] : memref<10240x16xf32, #tpu.memory_space<vmem_shared>> -> memref<10240x16xf32, #tpu.memory_space<vmem_shared>>
      tpu.enqueue_indirect_dma source(%dma_start3A_167 : memref<128x16xf32, #tpu.memory_space<vmem>>) target(%dma_start3A_173 : memref<10240x16xf32, #tpu.memory_space<vmem_shared>>) offsets(%dma_start3A_170 : memref<128xi32, #tpu.memory_space<vmem>>) semaphore(%arg16 : memref<!tpu.dma_semaphore, #tpu.memory_space<semaphore_mem>>) {add = true}
      %lt3A_174 = arith.constant 19 : i32
      %lt3A_175 = arith.cmpi slt, %scan3A_119, %lt3A_174 : i32
      %convert_element_type3A_176 = arith.extui %lt3A_175 : i1 to i32
      %cond3A_177 = arith.constant 0 : i32
      %cond3A_178 = arith.cmpi ne, %convert_element_type3A_176, %cond3A_177 : i32
      scf.if %cond3A_178 {
        %dma_wait3A_241 = arith.constant 1 : i32
        %dma_wait3A_242 = arith.constant 0 : i32
        %dma_wait3A_243 = arith.constant 0 : i32
        %dma_wait3A_244 = tpu.memref_slice %arg8[%dma_wait3A_241, %dma_wait3A_242, %dma_wait3A_243] : memref<4x128x16xf32, #tpu.memory_space<vmem>> -> memref<1x128x16xf32, #tpu.memory_space<vmem>>
        %dma_wait3A_245 = tpu.memref_squeeze %dma_wait3A_244 : memref<1x128x16xf32, #tpu.memory_space<vmem>> -> memref<128x16xf32, #tpu.memory_space<vmem>>
        %dma_wait3A_246 = arith.constant 0 : i32
        %dma_wait3A_247 = tpu.memref_slice %arg7[%add3A_151, %dma_wait3A_246] : memref<80x128xi32, #tpu.memory_space<vmem>> -> memref<1x128xi32, #tpu.memory_space<vmem>>
        %dma_wait3A_248 = tpu.memref_squeeze %dma_wait3A_247 : memref<1x128xi32, #tpu.memory_space<vmem>> -> memref<128xi32, #tpu.memory_space<vmem>>
        %dma_wait3A_249 = arith.constant 0 : i32
        %dma_wait3A_250 = arith.constant 0 : i32
        %dma_wait3A_251 = tpu.memref_slice %arg10[%dma_wait3A_249, %dma_wait3A_250] : memref<10240x16xf32, #tpu.memory_space<vmem_shared>> -> memref<10240x16xf32, #tpu.memory_space<vmem_shared>>
        tpu.wait_indirect_dma semaphore(%arg16 : memref<!tpu.dma_semaphore, #tpu.memory_space<semaphore_mem>>) src(%dma_wait3A_245 : memref<128x16xf32, #tpu.memory_space<vmem>>) dst(%dma_wait3A_251 : memref<10240x16xf32, #tpu.memory_space<vmem_shared>>)
        %add3A_252 = arith.constant 4 : i32
        %add3A_253 = arith.addi %add3A_151, %add3A_252 : i32
        %dma_start3A_254 = arith.constant 1 : i32
        %dma_start3A_255 = arith.constant 0 : i32
        %dma_start3A_256 = arith.constant 0 : i32
        %dma_start3A_257 = tpu.memref_slice %arg8[%dma_start3A_254, %dma_start3A_255, %dma_start3A_256] : memref<4x128x16xf32, #tpu.memory_space<vmem>> -> memref<1x128x16xf32, #tpu.memory_space<vmem>>
        %dma_start3A_258 = tpu.memref_squeeze %dma_start3A_257 : memref<1x128x16xf32, #tpu.memory_space<vmem>> -> memref<128x16xf32, #tpu.memory_space<vmem>>
        %dma_start3A_259 = arith.constant 0 : i32
        %dma_start3A_260 = tpu.memref_slice %arg6[%add3A_253, %dma_start3A_259] : memref<80x128xi32, #tpu.memory_space<vmem>> -> memref<1x128xi32, #tpu.memory_space<vmem>>
        %dma_start3A_261 = tpu.memref_squeeze %dma_start3A_260 : memref<1x128xi32, #tpu.memory_space<vmem>> -> memref<128xi32, #tpu.memory_space<vmem>>
        %dma_start3A_262 = arith.constant 0 : i32
        %dma_start3A_263 = arith.constant 0 : i32
        %dma_start3A_264 = tpu.memref_slice %arg2[%dma_start3A_262, %dma_start3A_263] : memref<10240x16xf32, #tpu.memory_space<hbm>> -> memref<10240x16xf32, #tpu.memory_space<hbm>>
        tpu.enqueue_indirect_dma source(%dma_start3A_264 : memref<10240x16xf32, #tpu.memory_space<hbm>>) target(%dma_start3A_258 : memref<128x16xf32, #tpu.memory_space<vmem>>) offsets(%dma_start3A_261 : memref<128xi32, #tpu.memory_space<vmem>>) semaphore(%arg12 : memref<!tpu.dma_semaphore, #tpu.memory_space<semaphore_mem>>)
      } else {
      }
      %mul3A_179 = arith.constant 4 : i32
      %mul3A_180 = arith.muli %scan3A_119, %mul3A_179 : i32
      %add3A_181 = arith.constant 2 : i32
      %add3A_182 = arith.addi %mul3A_180, %add3A_181 : i32
      %dma_wait3A_183 = arith.constant 2 : i32
      %dma_wait3A_184 = arith.constant 0 : i32
      %dma_wait3A_185 = arith.constant 0 : i32
      %dma_wait3A_186 = tpu.memref_slice %arg8[%dma_wait3A_183, %dma_wait3A_184, %dma_wait3A_185] : memref<4x128x16xf32, #tpu.memory_space<vmem>> -> memref<1x128x16xf32, #tpu.memory_space<vmem>>
      %dma_wait3A_187 = tpu.memref_squeeze %dma_wait3A_186 : memref<1x128x16xf32, #tpu.memory_space<vmem>> -> memref<128x16xf32, #tpu.memory_space<vmem>>
      %dma_wait3A_188 = arith.constant 0 : i32
      %dma_wait3A_189 = tpu.memref_slice %arg6[%add3A_182, %dma_wait3A_188] : memref<80x128xi32, #tpu.memory_space<vmem>> -> memref<1x128xi32, #tpu.memory_space<vmem>>
      %dma_wait3A_190 = tpu.memref_squeeze %dma_wait3A_189 : memref<1x128xi32, #tpu.memory_space<vmem>> -> memref<128xi32, #tpu.memory_space<vmem>>
      %dma_wait3A_191 = arith.constant 0 : i32
      %dma_wait3A_192 = arith.constant 0 : i32
      %dma_wait3A_193 = tpu.memref_slice %arg2[%dma_wait3A_191, %dma_wait3A_192] : memref<10240x16xf32, #tpu.memory_space<hbm>> -> memref<10240x16xf32, #tpu.memory_space<hbm>>
      tpu.wait_indirect_dma semaphore(%arg13 : memref<!tpu.dma_semaphore, #tpu.memory_space<semaphore_mem>>) src(%dma_wait3A_193 : memref<10240x16xf32, #tpu.memory_space<hbm>>) dst(%dma_wait3A_187 : memref<128x16xf32, #tpu.memory_space<vmem>>)
      %dma_start3A_194 = arith.constant 2 : i32
      %dma_start3A_195 = arith.constant 0 : i32
      %dma_start3A_196 = arith.constant 0 : i32
      %dma_start3A_197 = tpu.memref_slice %arg8[%dma_start3A_194, %dma_start3A_195, %dma_start3A_196] : memref<4x128x16xf32, #tpu.memory_space<vmem>> -> memref<1x128x16xf32, #tpu.memory_space<vmem>>
      %dma_start3A_198 = tpu.memref_squeeze %dma_start3A_197 : memref<1x128x16xf32, #tpu.memory_space<vmem>> -> memref<128x16xf32, #tpu.memory_space<vmem>>
      %dma_start3A_199 = arith.constant 0 : i32
      %dma_start3A_200 = tpu.memref_slice %arg7[%add3A_182, %dma_start3A_199] : memref<80x128xi32, #tpu.memory_space<vmem>> -> memref<1x128xi32, #tpu.memory_space<vmem>>
      %dma_start3A_201 = tpu.memref_squeeze %dma_start3A_200 : memref<1x128xi32, #tpu.memory_space<vmem>> -> memref<128xi32, #tpu.memory_space<vmem>>
      %dma_start3A_202 = arith.constant 0 : i32
      %dma_start3A_203 = arith.constant 0 : i32
      %dma_start3A_204 = tpu.memref_slice %arg10[%dma_start3A_202, %dma_start3A_203] : memref<10240x16xf32, #tpu.memory_space<vmem_shared>> -> memref<10240x16xf32, #tpu.memory_space<vmem_shared>>
      tpu.enqueue_indirect_dma source(%dma_start3A_198 : memref<128x16xf32, #tpu.memory_space<vmem>>) target(%dma_start3A_204 : memref<10240x16xf32, #tpu.memory_space<vmem_shared>>) offsets(%dma_start3A_201 : memref<128xi32, #tpu.memory_space<vmem>>) semaphore(%arg17 : memref<!tpu.dma_semaphore, #tpu.memory_space<semaphore_mem>>) {add = true}
      %lt3A_205 = arith.constant 19 : i32
      %lt3A_206 = arith.cmpi slt, %scan3A_119, %lt3A_205 : i32
      %convert_element_type3A_207 = arith.extui %lt3A_206 : i1 to i32
      %cond3A_208 = arith.constant 0 : i32
      %cond3A_209 = arith.cmpi ne, %convert_element_type3A_207, %cond3A_208 : i32
      scf.if %cond3A_209 {
        %dma_wait3A_241 = arith.constant 2 : i32
        %dma_wait3A_242 = arith.constant 0 : i32
        %dma_wait3A_243 = arith.constant 0 : i32
        %dma_wait3A_244 = tpu.memref_slice %arg8[%dma_wait3A_241, %dma_wait3A_242, %dma_wait3A_243] : memref<4x128x16xf32, #tpu.memory_space<vmem>> -> memref<1x128x16xf32, #tpu.memory_space<vmem>>
        %dma_wait3A_245 = tpu.memref_squeeze %dma_wait3A_244 : memref<1x128x16xf32, #tpu.memory_space<vmem>> -> memref<128x16xf32, #tpu.memory_space<vmem>>
        %dma_wait3A_246 = arith.constant 0 : i32
        %dma_wait3A_247 = tpu.memref_slice %arg7[%add3A_182, %dma_wait3A_246] : memref<80x128xi32, #tpu.memory_space<vmem>> -> memref<1x128xi32, #tpu.memory_space<vmem>>
        %dma_wait3A_248 = tpu.memref_squeeze %dma_wait3A_247 : memref<1x128xi32, #tpu.memory_space<vmem>> -> memref<128xi32, #tpu.memory_space<vmem>>
        %dma_wait3A_249 = arith.constant 0 : i32
        %dma_wait3A_250 = arith.constant 0 : i32
        %dma_wait3A_251 = tpu.memref_slice %arg10[%dma_wait3A_249, %dma_wait3A_250] : memref<10240x16xf32, #tpu.memory_space<vmem_shared>> -> memref<10240x16xf32, #tpu.memory_space<vmem_shared>>
        tpu.wait_indirect_dma semaphore(%arg17 : memref<!tpu.dma_semaphore, #tpu.memory_space<semaphore_mem>>) src(%dma_wait3A_245 : memref<128x16xf32, #tpu.memory_space<vmem>>) dst(%dma_wait3A_251 : memref<10240x16xf32, #tpu.memory_space<vmem_shared>>)
        %add3A_252 = arith.constant 4 : i32
        %add3A_253 = arith.addi %add3A_182, %add3A_252 : i32
        %dma_start3A_254 = arith.constant 2 : i32
        %dma_start3A_255 = arith.constant 0 : i32
        %dma_start3A_256 = arith.constant 0 : i32
        %dma_start3A_257 = tpu.memref_slice %arg8[%dma_start3A_254, %dma_start3A_255, %dma_start3A_256] : memref<4x128x16xf32, #tpu.memory_space<vmem>> -> memref<1x128x16xf32, #tpu.memory_space<vmem>>
        %dma_start3A_258 = tpu.memref_squeeze %dma_start3A_257 : memref<1x128x16xf32, #tpu.memory_space<vmem>> -> memref<128x16xf32, #tpu.memory_space<vmem>>
        %dma_start3A_259 = arith.constant 0 : i32
        %dma_start3A_260 = tpu.memref_slice %arg6[%add3A_253, %dma_start3A_259] : memref<80x128xi32, #tpu.memory_space<vmem>> -> memref<1x128xi32, #tpu.memory_space<vmem>>
        %dma_start3A_261 = tpu.memref_squeeze %dma_start3A_260 : memref<1x128xi32, #tpu.memory_space<vmem>> -> memref<128xi32, #tpu.memory_space<vmem>>
        %dma_start3A_262 = arith.constant 0 : i32
        %dma_start3A_263 = arith.constant 0 : i32
        %dma_start3A_264 = tpu.memref_slice %arg2[%dma_start3A_262, %dma_start3A_263] : memref<10240x16xf32, #tpu.memory_space<hbm>> -> memref<10240x16xf32, #tpu.memory_space<hbm>>
        tpu.enqueue_indirect_dma source(%dma_start3A_264 : memref<10240x16xf32, #tpu.memory_space<hbm>>) target(%dma_start3A_258 : memref<128x16xf32, #tpu.memory_space<vmem>>) offsets(%dma_start3A_261 : memref<128xi32, #tpu.memory_space<vmem>>) semaphore(%arg13 : memref<!tpu.dma_semaphore, #tpu.memory_space<semaphore_mem>>)
      } else {
      }
      %mul3A_210 = arith.constant 4 : i32
      %mul3A_211 = arith.muli %scan3A_119, %mul3A_210 : i32
      %add3A_212 = arith.constant 3 : i32
      %add3A_213 = arith.addi %mul3A_211, %add3A_212 : i32
      %dma_wait3A_214 = arith.constant 3 : i32
      %dma_wait3A_215 = arith.constant 0 : i32
      %dma_wait3A_216 = arith.constant 0 : i32
      %dma_wait3A_217 = tpu.memref_slice %arg8[%dma_wait3A_214, %dma_wait3A_215, %dma_wait3A_216] : memref<4x128x16xf32, #tpu.memory_space<vmem>> -> memref<1x128x16xf32, #tpu.memory_space<vmem>>
      %dma_wait3A_218 = tpu.memref_squeeze %dma_wait3A_217 : memref<1x128x16xf32, #tpu.memory_space<vmem>> -> memref<128x16xf32, #tpu.memory_space<vmem>>
      %dma_wait3A_219 = arith.constant 0 : i32
      %dma_wait3A_220 = tpu.memref_slice %arg6[%add3A_213, %dma_wait3A_219] : memref<80x128xi32, #tpu.memory_space<vmem>> -> memref<1x128xi32, #tpu.memory_space<vmem>>
      %dma_wait3A_221 = tpu.memref_squeeze %dma_wait3A_220 : memref<1x128xi32, #tpu.memory_space<vmem>> -> memref<128xi32, #tpu.memory_space<vmem>>
      %dma_wait3A_222 = arith.constant 0 : i32
      %dma_wait3A_223 = arith.constant 0 : i32
      %dma_wait3A_224 = tpu.memref_slice %arg2[%dma_wait3A_222, %dma_wait3A_223] : memref<10240x16xf32, #tpu.memory_space<hbm>> -> memref<10240x16xf32, #tpu.memory_space<hbm>>
      tpu.wait_indirect_dma semaphore(%arg14 : memref<!tpu.dma_semaphore, #tpu.memory_space<semaphore_mem>>) src(%dma_wait3A_224 : memref<10240x16xf32, #tpu.memory_space<hbm>>) dst(%dma_wait3A_218 : memref<128x16xf32, #tpu.memory_space<vmem>>)
      %dma_start3A_225 = arith.constant 3 : i32
      %dma_start3A_226 = arith.constant 0 : i32
      %dma_start3A_227 = arith.constant 0 : i32
      %dma_start3A_228 = tpu.memref_slice %arg8[%dma_start3A_225, %dma_start3A_226, %dma_start3A_227] : memref<4x128x16xf32, #tpu.memory_space<vmem>> -> memref<1x128x16xf32, #tpu.memory_space<vmem>>
      %dma_start3A_229 = tpu.memref_squeeze %dma_start3A_228 : memref<1x128x16xf32, #tpu.memory_space<vmem>> -> memref<128x16xf32, #tpu.memory_space<vmem>>
      %dma_start3A_230 = arith.constant 0 : i32
      %dma_start3A_231 = tpu.memref_slice %arg7[%add3A_213, %dma_start3A_230] : memref<80x128xi32, #tpu.memory_space<vmem>> -> memref<1x128xi32, #tpu.memory_space<vmem>>
      %dma_start3A_232 = tpu.memref_squeeze %dma_start3A_231 : memref<1x128xi32, #tpu.memory_space<vmem>> -> memref<128xi32, #tpu.memory_space<vmem>>
      %dma_start3A_233 = arith.constant 0 : i32
      %dma_start3A_234 = arith.constant 0 : i32
      %dma_start3A_235 = tpu.memref_slice %arg10[%dma_start3A_233, %dma_start3A_234] : memref<10240x16xf32, #tpu.memory_space<vmem_shared>> -> memref<10240x16xf32, #tpu.memory_space<vmem_shared>>
      tpu.enqueue_indirect_dma source(%dma_start3A_229 : memref<128x16xf32, #tpu.memory_space<vmem>>) target(%dma_start3A_235 : memref<10240x16xf32, #tpu.memory_space<vmem_shared>>) offsets(%dma_start3A_232 : memref<128xi32, #tpu.memory_space<vmem>>) semaphore(%arg18 : memref<!tpu.dma_semaphore, #tpu.memory_space<semaphore_mem>>) {add = true}
      %lt3A_236 = arith.constant 19 : i32
      %lt3A_237 = arith.cmpi slt, %scan3A_119, %lt3A_236 : i32
      %convert_element_type3A_238 = arith.extui %lt3A_237 : i1 to i32
      %cond3A_239 = arith.constant 0 : i32
      %cond3A_240 = arith.cmpi ne, %convert_element_type3A_238, %cond3A_239 : i32
      scf.if %cond3A_240 {
        %dma_wait3A_241 = arith.constant 3 : i32
        %dma_wait3A_242 = arith.constant 0 : i32
        %dma_wait3A_243 = arith.constant 0 : i32
        %dma_wait3A_244 = tpu.memref_slice %arg8[%dma_wait3A_241, %dma_wait3A_242, %dma_wait3A_243] : memref<4x128x16xf32, #tpu.memory_space<vmem>> -> memref<1x128x16xf32, #tpu.memory_space<vmem>>
        %dma_wait3A_245 = tpu.memref_squeeze %dma_wait3A_244 : memref<1x128x16xf32, #tpu.memory_space<vmem>> -> memref<128x16xf32, #tpu.memory_space<vmem>>
        %dma_wait3A_246 = arith.constant 0 : i32
        %dma_wait3A_247 = tpu.memref_slice %arg7[%add3A_213, %dma_wait3A_246] : memref<80x128xi32, #tpu.memory_space<vmem>> -> memref<1x128xi32, #tpu.memory_space<vmem>>
        %dma_wait3A_248 = tpu.memref_squeeze %dma_wait3A_247 : memref<1x128xi32, #tpu.memory_space<vmem>> -> memref<128xi32, #tpu.memory_space<vmem>>
        %dma_wait3A_249 = arith.constant 0 : i32
        %dma_wait3A_250 = arith.constant 0 : i32
        %dma_wait3A_251 = tpu.memref_slice %arg10[%dma_wait3A_249, %dma_wait3A_250] : memref<10240x16xf32, #tpu.memory_space<vmem_shared>> -> memref<10240x16xf32, #tpu.memory_space<vmem_shared>>
        tpu.wait_indirect_dma semaphore(%arg18 : memref<!tpu.dma_semaphore, #tpu.memory_space<semaphore_mem>>) src(%dma_wait3A_245 : memref<128x16xf32, #tpu.memory_space<vmem>>) dst(%dma_wait3A_251 : memref<10240x16xf32, #tpu.memory_space<vmem_shared>>)
        %add3A_252 = arith.constant 4 : i32
        %add3A_253 = arith.addi %add3A_213, %add3A_252 : i32
        %dma_start3A_254 = arith.constant 3 : i32
        %dma_start3A_255 = arith.constant 0 : i32
        %dma_start3A_256 = arith.constant 0 : i32
        %dma_start3A_257 = tpu.memref_slice %arg8[%dma_start3A_254, %dma_start3A_255, %dma_start3A_256] : memref<4x128x16xf32, #tpu.memory_space<vmem>> -> memref<1x128x16xf32, #tpu.memory_space<vmem>>
        %dma_start3A_258 = tpu.memref_squeeze %dma_start3A_257 : memref<1x128x16xf32, #tpu.memory_space<vmem>> -> memref<128x16xf32, #tpu.memory_space<vmem>>
        %dma_start3A_259 = arith.constant 0 : i32
        %dma_start3A_260 = tpu.memref_slice %arg6[%add3A_253, %dma_start3A_259] : memref<80x128xi32, #tpu.memory_space<vmem>> -> memref<1x128xi32, #tpu.memory_space<vmem>>
        %dma_start3A_261 = tpu.memref_squeeze %dma_start3A_260 : memref<1x128xi32, #tpu.memory_space<vmem>> -> memref<128xi32, #tpu.memory_space<vmem>>
        %dma_start3A_262 = arith.constant 0 : i32
        %dma_start3A_263 = arith.constant 0 : i32
        %dma_start3A_264 = tpu.memref_slice %arg2[%dma_start3A_262, %dma_start3A_263] : memref<10240x16xf32, #tpu.memory_space<hbm>> -> memref<10240x16xf32, #tpu.memory_space<hbm>>
        tpu.enqueue_indirect_dma source(%dma_start3A_264 : memref<10240x16xf32, #tpu.memory_space<hbm>>) target(%dma_start3A_258 : memref<128x16xf32, #tpu.memory_space<vmem>>) offsets(%dma_start3A_261 : memref<128xi32, #tpu.memory_space<vmem>>) semaphore(%arg14 : memref<!tpu.dma_semaphore, #tpu.memory_space<semaphore_mem>>)
      } else {
      }
    }
    %scan3A_64 = arith.constant 20 : i32
    %dma_wait3A = arith.constant 0 : i32
    %dma_wait3A_65 = arith.constant 76 : i32
    %dma_wait3A_66 = arith.constant 0 : i32
    %dma_wait3A_67 = arith.constant 0 : i32
    %dma_wait3A_68 = tpu.memref_slice %arg8[%dma_wait3A, %dma_wait3A_66, %dma_wait3A_67] : memref<4x128x16xf32, #tpu.memory_space<vmem>> -> memref<1x128x16xf32, #tpu.memory_space<vmem>>
    %dma_wait3A_69 = tpu.memref_squeeze %dma_wait3A_68 : memref<1x128x16xf32, #tpu.memory_space<vmem>> -> memref<128x16xf32, #tpu.memory_space<vmem>>
    %dma_wait3A_70 = arith.constant 0 : i32
    %dma_wait3A_71 = tpu.memref_slice %arg7[%dma_wait3A_65, %dma_wait3A_70] : memref<80x128xi32, #tpu.memory_space<vmem>> -> memref<1x128xi32, #tpu.memory_space<vmem>>
    %dma_wait3A_72 = tpu.memref_squeeze %dma_wait3A_71 : memref<1x128xi32, #tpu.memory_space<vmem>> -> memref<128xi32, #tpu.memory_space<vmem>>
    %dma_wait3A_73 = arith.constant 0 : i32
    %dma_wait3A_74 = arith.constant 0 : i32
    %dma_wait3A_75 = tpu.memref_slice %arg10[%dma_wait3A_73, %dma_wait3A_74] : memref<10240x16xf32, #tpu.memory_space<vmem_shared>> -> memref<10240x16xf32, #tpu.memory_space<vmem_shared>>
    tpu.wait_indirect_dma semaphore(%arg15 : memref<!tpu.dma_semaphore, #tpu.memory_space<semaphore_mem>>) src(%dma_wait3A_69 : memref<128x16xf32, #tpu.memory_space<vmem>>) dst(%dma_wait3A_75 : memref<10240x16xf32, #tpu.memory_space<vmem_shared>>)
    %dma_wait3A_76 = arith.constant 1 : i32
    %dma_wait3A_77 = arith.constant 77 : i32
    %dma_wait3A_78 = arith.constant 0 : i32
    %dma_wait3A_79 = arith.constant 0 : i32
    %dma_wait3A_80 = tpu.memref_slice %arg8[%dma_wait3A_76, %dma_wait3A_78, %dma_wait3A_79] : memref<4x128x16xf32, #tpu.memory_space<vmem>> -> memref<1x128x16xf32, #tpu.memory_space<vmem>>
    %dma_wait3A_81 = tpu.memref_squeeze %dma_wait3A_80 : memref<1x128x16xf32, #tpu.memory_space<vmem>> -> memref<128x16xf32, #tpu.memory_space<vmem>>
    %dma_wait3A_82 = arith.constant 0 : i32
    %dma_wait3A_83 = tpu.memref_slice %arg7[%dma_wait3A_77, %dma_wait3A_82] : memref<80x128xi32, #tpu.memory_space<vmem>> -> memref<1x128xi32, #tpu.memory_space<vmem>>
    %dma_wait3A_84 = tpu.memref_squeeze %dma_wait3A_83 : memref<1x128xi32, #tpu.memory_space<vmem>> -> memref<128xi32, #tpu.memory_space<vmem>>
    %dma_wait3A_85 = arith.constant 0 : i32
    %dma_wait3A_86 = arith.constant 0 : i32
    %dma_wait3A_87 = tpu.memref_slice %arg10[%dma_wait3A_85, %dma_wait3A_86] : memref<10240x16xf32, #tpu.memory_space<vmem_shared>> -> memref<10240x16xf32, #tpu.memory_space<vmem_shared>>
    tpu.wait_indirect_dma semaphore(%arg16 : memref<!tpu.dma_semaphore, #tpu.memory_space<semaphore_mem>>) src(%dma_wait3A_81 : memref<128x16xf32, #tpu.memory_space<vmem>>) dst(%dma_wait3A_87 : memref<10240x16xf32, #tpu.memory_space<vmem_shared>>)
    %dma_wait3A_88 = arith.constant 2 : i32
    %dma_wait3A_89 = arith.constant 78 : i32
    %dma_wait3A_90 = arith.constant 0 : i32
    %dma_wait3A_91 = arith.constant 0 : i32
    %dma_wait3A_92 = tpu.memref_slice %arg8[%dma_wait3A_88, %dma_wait3A_90, %dma_wait3A_91] : memref<4x128x16xf32, #tpu.memory_space<vmem>> -> memref<1x128x16xf32, #tpu.memory_space<vmem>>
    %dma_wait3A_93 = tpu.memref_squeeze %dma_wait3A_92 : memref<1x128x16xf32, #tpu.memory_space<vmem>> -> memref<128x16xf32, #tpu.memory_space<vmem>>
    %dma_wait3A_94 = arith.constant 0 : i32
    %dma_wait3A_95 = tpu.memref_slice %arg7[%dma_wait3A_89, %dma_wait3A_94] : memref<80x128xi32, #tpu.memory_space<vmem>> -> memref<1x128xi32, #tpu.memory_space<vmem>>
    %dma_wait3A_96 = tpu.memref_squeeze %dma_wait3A_95 : memref<1x128xi32, #tpu.memory_space<vmem>> -> memref<128xi32, #tpu.memory_space<vmem>>
    %dma_wait3A_97 = arith.constant 0 : i32
    %dma_wait3A_98 = arith.constant 0 : i32
    %dma_wait3A_99 = tpu.memref_slice %arg10[%dma_wait3A_97, %dma_wait3A_98] : memref<10240x16xf32, #tpu.memory_space<vmem_shared>> -> memref<10240x16xf32, #tpu.memory_space<vmem_shared>>
    tpu.wait_indirect_dma semaphore(%arg17 : memref<!tpu.dma_semaphore, #tpu.memory_space<semaphore_mem>>) src(%dma_wait3A_93 : memref<128x16xf32, #tpu.memory_space<vmem>>) dst(%dma_wait3A_99 : memref<10240x16xf32, #tpu.memory_space<vmem_shared>>)
    %dma_wait3A_100 = arith.constant 3 : i32
    %dma_wait3A_101 = arith.constant 79 : i32
    %dma_wait3A_102 = arith.constant 0 : i32
    %dma_wait3A_103 = arith.constant 0 : i32
    %dma_wait3A_104 = tpu.memref_slice %arg8[%dma_wait3A_100, %dma_wait3A_102, %dma_wait3A_103] : memref<4x128x16xf32, #tpu.memory_space<vmem>> -> memref<1x128x16xf32, #tpu.memory_space<vmem>>
    %dma_wait3A_105 = tpu.memref_squeeze %dma_wait3A_104 : memref<1x128x16xf32, #tpu.memory_space<vmem>> -> memref<128x16xf32, #tpu.memory_space<vmem>>
    %dma_wait3A_106 = arith.constant 0 : i32
    %dma_wait3A_107 = tpu.memref_slice %arg7[%dma_wait3A_101, %dma_wait3A_106] : memref<80x128xi32, #tpu.memory_space<vmem>> -> memref<1x128xi32, #tpu.memory_space<vmem>>
    %dma_wait3A_108 = tpu.memref_squeeze %dma_wait3A_107 : memref<1x128xi32, #tpu.memory_space<vmem>> -> memref<128xi32, #tpu.memory_space<vmem>>
    %dma_wait3A_109 = arith.constant 0 : i32
    %dma_wait3A_110 = arith.constant 0 : i32
    %dma_wait3A_111 = tpu.memref_slice %arg10[%dma_wait3A_109, %dma_wait3A_110] : memref<10240x16xf32, #tpu.memory_space<vmem_shared>> -> memref<10240x16xf32, #tpu.memory_space<vmem_shared>>
    tpu.wait_indirect_dma semaphore(%arg18 : memref<!tpu.dma_semaphore, #tpu.memory_space<semaphore_mem>>) src(%dma_wait3A_105 : memref<128x16xf32, #tpu.memory_space<vmem>>) dst(%dma_wait3A_111 : memref<10240x16xf32, #tpu.memory_space<vmem_shared>>)
    %barrier3A_112 = arith.constant 0 : index
    tpu.barrier barrier_id(%barrier3A_112)
    %scan3A_113 = arith.constant 0 : i32
    %scan3A_114 = arith.constant 0 : i32
    %scan3A_115 = arith.constant 10 : i32
    %scan3A_116 = arith.addi %scan3A_114, %scan3A_115 : i32
    %scan3A_117 = arith.constant 1 : i32
    scf.for %scan3A_119 = %scan3A_114 to %scan3A_116 step %scan3A_117  : i32 {
      %mul3A_120 = arith.constant 640 : i32
      %mul3A_121 = arith.muli %arg1, %mul3A_120 : i32
      %mul3A_122 = arith.constant 64 : i32
      %mul3A_123 = arith.muli %scan3A_119, %mul3A_122 : i32
      %add3A_124 = arith.addi %mul3A_121, %mul3A_123 : i32
      "tpu.region"() ({
        %run_scoped3A = tpu.sem_alloc : memref<!tpu.dma_semaphore, #tpu.memory_space<semaphore_mem>>
        %dma_start3A_130 = arith.constant 0 : i32
        %dma_start3A_131 = tpu.memref_slice %arg10[%add3A_124, %dma_start3A_130] : memref<10240x16xf32, #tpu.memory_space<vmem_shared>> -> memref<64x16xf32, #tpu.memory_space<vmem_shared>>
        %dma_start3A_132 = arith.constant 0 : i32
        %dma_start3A_133 = tpu.memref_slice %arg10[%add3A_124, %dma_start3A_132] : memref<10240x16xf32, #tpu.memory_space<vmem_shared>> -> memref<64x16xf32, #tpu.memory_space<vmem_shared>>
        tpu.enqueue_dma source(%dma_start3A_133 : memref<64x16xf32, #tpu.memory_space<vmem_shared>>) target(%arg9 : memref<64x16xf32, #tpu.memory_space<vmem>>) target_semaphore(%run_scoped3A : memref<!tpu.dma_semaphore, #tpu.memory_space<semaphore_mem>>)
        %dma_wait3A_134 = arith.constant 0 : i32
        %dma_wait3A_135 = tpu.memref_slice %arg10[%add3A_124, %dma_wait3A_134] : memref<10240x16xf32, #tpu.memory_space<vmem_shared>> -> memref<64x16xf32, #tpu.memory_space<vmem_shared>>
        %dma_wait3A_136 = arith.constant 0 : i32
        %dma_wait3A_137 = tpu.memref_slice %arg10[%add3A_124, %dma_wait3A_136] : memref<10240x16xf32, #tpu.memory_space<vmem_shared>> -> memref<64x16xf32, #tpu.memory_space<vmem_shared>>
        tpu.wait_dma2 semaphore(%run_scoped3A : memref<!tpu.dma_semaphore, #tpu.memory_space<semaphore_mem>>) src(%dma_wait3A_137 : memref<64x16xf32, #tpu.memory_space<vmem_shared>>) dst(%arg9 : memref<64x16xf32, #tpu.memory_space<vmem>>)
        tpu.yield
      }) : () -> ()
      %mul3A_125 = arith.constant 640 : i32
      %mul3A_126 = arith.muli %arg1, %mul3A_125 : i32
      %mul3A_127 = arith.constant 64 : i32
      %mul3A_128 = arith.muli %scan3A_119, %mul3A_127 : i32
      %add3A_129 = arith.addi %mul3A_126, %mul3A_128 : i32
      "tpu.region"() ({
        %run_scoped3A = tpu.sem_alloc : memref<!tpu.dma_semaphore, #tpu.memory_space<semaphore_mem>>
        %dma_start3A_130 = arith.constant 0 : i32
        %dma_start3A_131 = tpu.memref_slice %arg5[%arg0, %add3A_129, %dma_start3A_130] : memref<2x10240x16xf32, #tpu.memory_space<hbm>> -> memref<1x64x16xf32, #tpu.memory_space<hbm>>
        %dma_start3A_132 = tpu.memref_squeeze %dma_start3A_131 : memref<1x64x16xf32, #tpu.memory_space<hbm>> -> memref<64x16xf32, #tpu.memory_space<hbm>>
        %dma_start3A_133 = arith.constant 0 : i32
        %dma_start3A_134 = tpu.memref_slice %arg5[%arg0, %add3A_129, %dma_start3A_133] : memref<2x10240x16xf32, #tpu.memory_space<hbm>> -> memref<1x64x16xf32, #tpu.memory_space<hbm>>
        %dma_start3A_135 = tpu.memref_squeeze %dma_start3A_134 : memref<1x64x16xf32, #tpu.memory_space<hbm>> -> memref<64x16xf32, #tpu.memory_space<hbm>>
        tpu.enqueue_dma source(%arg9 : memref<64x16xf32, #tpu.memory_space<vmem>>) target(%dma_start3A_135 : memref<64x16xf32, #tpu.memory_space<hbm>>) target_semaphore(%run_scoped3A : memref<!tpu.dma_semaphore, #tpu.memory_space<semaphore_mem>>)
        %dma_wait3A_136 = arith.constant 0 : i32
        %dma_wait3A_137 = tpu.memref_slice %arg5[%arg0, %add3A_129, %dma_wait3A_136] : memref<2x10240x16xf32, #tpu.memory_space<hbm>> -> memref<1x64x16xf32, #tpu.memory_space<hbm>>
        %dma_wait3A_138 = tpu.memref_squeeze %dma_wait3A_137 : memref<1x64x16xf32, #tpu.memory_space<hbm>> -> memref<64x16xf32, #tpu.memory_space<hbm>>
        %dma_wait3A_139 = arith.constant 0 : i32
        %dma_wait3A_140 = tpu.memref_slice %arg5[%arg0, %add3A_129, %dma_wait3A_139] : memref<2x10240x16xf32, #tpu.memory_space<hbm>> -> memref<1x64x16xf32, #tpu.memory_space<hbm>>
        %dma_wait3A_141 = tpu.memref_squeeze %dma_wait3A_140 : memref<1x64x16xf32, #tpu.memory_space<hbm>> -> memref<64x16xf32, #tpu.memory_space<hbm>>
        tpu.wait_dma2 semaphore(%run_scoped3A : memref<!tpu.dma_semaphore, #tpu.memory_space<semaphore_mem>>) src(%arg9 : memref<64x16xf32, #tpu.memory_space<vmem>>) dst(%dma_wait3A_141 : memref<64x16xf32, #tpu.memory_space<hbm>>)
        tpu.yield
      }) : () -> ()
    }
    %scan3A_118 = arith.constant 10 : i32
    return
  }
}

#map = affine_map<(d0, d1) -> (0, 0, 0)>
module attributes {stable_mosaic.version = 14 : i64} {
  func.func @_sc_count(%arg0: i32, %arg1: i32, %arg2: memref<32x80x128xi32, #tpu.memory_space<hbm>>, %arg3: memref<2x10240x16xf32, #tpu.memory_space<hbm>>, %arg4: memref<80x128xi32, #tpu.memory_space<vmem>>, %arg5: memref<128x16xf32, #tpu.memory_space<vmem>>, %arg6: memref<64x16xf32, #tpu.memory_space<vmem>>, %arg7: memref<10240x16xf32, #tpu.memory_space<vmem_shared>>, %arg8: memref<!tpu.dma_semaphore, #tpu.memory_space<semaphore_mem>>) attributes {dimension_semantics = [#tpu.dimension_semantics<core_parallel>, #tpu.dimension_semantics<subcore_parallel>], iteration_bounds = array<i64: 2, 16>, scalar_prefetch = 0 : i64, scratch_operands = 5 : i64, tpu.core_type = #tpu.core_type<sc_vector_subcore>, window_params = [{transform_indices = #map}, {transform_indices = #map}]} {
    %mul3A = arith.constant 16 : i32
    %mul3A_0 = arith.muli %arg0, %mul3A : i32
    %add3A = arith.addi %mul3A_0, %arg1 : i32
    %scan3A = arith.constant 0 : i32
    %scan3A_1 = arith.constant 0 : i32
    %scan3A_2 = arith.constant 64 : i32
    %scan3A_3 = arith.addi %scan3A_1, %scan3A_2 : i32
    %scan3A_4 = arith.constant 1 : i32
    scf.for %scan3A_31 = %scan3A_1 to %scan3A_3 step %scan3A_4  : i32 {
      %broadcast_in_dim3A = arith.constant 0.000000e+00 : f32
      %broadcast_in_dim3A_32 = vector.broadcast %broadcast_in_dim3A : f32 to vector<16xf32>
      %swap3A = arith.index_cast %scan3A_31 : i32 to index
      %swap3A_33 = arith.constant 0 : index
      %swap3A_34 = tpu.vector_load %arg6[%swap3A, %swap3A_33] {strides = array<i32>} : memref<64x16xf32, #tpu.memory_space<vmem>>, vector<1x16xf32>,
      %swap3A_35 = vector.shape_cast %swap3A_34 : vector<1x16xf32> to vector<16xf32>
      %swap3A_36 = vector.shape_cast %broadcast_in_dim3A_32 : vector<16xf32> to vector<1x16xf32>
      tpu.vector_store %arg6[%swap3A, %swap3A_33], %swap3A_36 {strides = array<i32>} : memref<64x16xf32, #tpu.memory_space<vmem>>, vector<1x16xf32>,
    }
    %scan3A_5 = arith.constant 64 : i32
    %scan3A_6 = arith.constant 0 : i32
    %scan3A_7 = arith.constant 0 : i32
    %scan3A_8 = arith.constant 128 : i32
    %scan3A_9 = arith.addi %scan3A_7, %scan3A_8 : i32
    %scan3A_10 = arith.constant 1 : i32
    scf.for %scan3A_31 = %scan3A_7 to %scan3A_9 step %scan3A_10  : i32 {
      %broadcast_in_dim3A = arith.constant 1.000000e+00 : f32
      %broadcast_in_dim3A_32 = vector.broadcast %broadcast_in_dim3A : f32 to vector<16xf32>
      %swap3A = arith.index_cast %scan3A_31 : i32 to index
      %swap3A_33 = arith.constant 0 : index
      %swap3A_34 = tpu.vector_load %arg5[%swap3A, %swap3A_33] {strides = array<i32>} : memref<128x16xf32, #tpu.memory_space<vmem>>, vector<1x16xf32>,
      %swap3A_35 = vector.shape_cast %swap3A_34 : vector<1x16xf32> to vector<16xf32>
      %swap3A_36 = vector.shape_cast %broadcast_in_dim3A_32 : vector<16xf32> to vector<1x16xf32>
      tpu.vector_store %arg5[%swap3A, %swap3A_33], %swap3A_36 {strides = array<i32>} : memref<128x16xf32, #tpu.memory_space<vmem>>, vector<1x16xf32>,
    }
    %scan3A_11 = arith.constant 128 : i32
    %scan3A_12 = arith.constant 0 : i32
    %scan3A_13 = arith.constant 0 : i32
    %scan3A_14 = arith.constant 10 : i32
    %scan3A_15 = arith.addi %scan3A_13, %scan3A_14 : i32
    %scan3A_16 = arith.constant 1 : i32
    scf.for %scan3A_31 = %scan3A_13 to %scan3A_15 step %scan3A_16  : i32 {
      %mul3A_32 = arith.constant 640 : i32
      %mul3A_33 = arith.muli %arg1, %mul3A_32 : i32
      %mul3A_34 = arith.constant 64 : i32
      %mul3A_35 = arith.muli %scan3A_31, %mul3A_34 : i32
      %add3A_36 = arith.addi %mul3A_33, %mul3A_35 : i32
      "tpu.region"() ({
        %run_scoped3A = tpu.sem_alloc : memref<!tpu.dma_semaphore, #tpu.memory_space<semaphore_mem>>
        %dma_start3A = arith.constant 0 : i32
        %dma_start3A_37 = tpu.memref_slice %arg7[%add3A_36, %dma_start3A] : memref<10240x16xf32, #tpu.memory_space<vmem_shared>> -> memref<64x16xf32, #tpu.memory_space<vmem_shared>>
        %dma_start3A_38 = arith.constant 0 : i32
        %dma_start3A_39 = tpu.memref_slice %arg7[%add3A_36, %dma_start3A_38] : memref<10240x16xf32, #tpu.memory_space<vmem_shared>> -> memref<64x16xf32, #tpu.memory_space<vmem_shared>>
        tpu.enqueue_dma source(%arg6 : memref<64x16xf32, #tpu.memory_space<vmem>>) target(%dma_start3A_39 : memref<64x16xf32, #tpu.memory_space<vmem_shared>>) target_semaphore(%run_scoped3A : memref<!tpu.dma_semaphore, #tpu.memory_space<semaphore_mem>>)
        %dma_wait3A = arith.constant 0 : i32
        %dma_wait3A_40 = tpu.memref_slice %arg7[%add3A_36, %dma_wait3A] : memref<10240x16xf32, #tpu.memory_space<vmem_shared>> -> memref<64x16xf32, #tpu.memory_space<vmem_shared>>
        %dma_wait3A_41 = arith.constant 0 : i32
        %dma_wait3A_42 = tpu.memref_slice %arg7[%add3A_36, %dma_wait3A_41] : memref<10240x16xf32, #tpu.memory_space<vmem_shared>> -> memref<64x16xf32, #tpu.memory_space<vmem_shared>>
        tpu.wait_dma2 semaphore(%run_scoped3A : memref<!tpu.dma_semaphore, #tpu.memory_space<semaphore_mem>>) src(%arg6 : memref<64x16xf32, #tpu.memory_space<vmem>>) dst(%dma_wait3A_42 : memref<64x16xf32, #tpu.memory_space<vmem_shared>>)
        tpu.yield
      }) : () -> ()
    }
    %scan3A_17 = arith.constant 10 : i32
    "tpu.region"() ({
      %run_scoped3A = tpu.sem_alloc : memref<!tpu.dma_semaphore, #tpu.memory_space<semaphore_mem>>
      %dma_start3A = arith.constant 0 : i32
      %dma_start3A_31 = arith.constant 0 : i32
      %dma_start3A_32 = tpu.memref_slice %arg2[%add3A, %dma_start3A, %dma_start3A_31] : memref<32x80x128xi32, #tpu.memory_space<hbm>> -> memref<1x80x128xi32, #tpu.memory_space<hbm>>
      %dma_start3A_33 = tpu.memref_squeeze %dma_start3A_32 : memref<1x80x128xi32, #tpu.memory_space<hbm>> -> memref<80x128xi32, #tpu.memory_space<hbm>>
      %dma_start3A_34 = arith.constant 0 : i32
      %dma_start3A_35 = arith.constant 0 : i32
      %dma_start3A_36 = tpu.memref_slice %arg2[%add3A, %dma_start3A_34, %dma_start3A_35] : memref<32x80x128xi32, #tpu.memory_space<hbm>> -> memref<1x80x128xi32, #tpu.memory_space<hbm>>
      %dma_start3A_37 = tpu.memref_squeeze %dma_start3A_36 : memref<1x80x128xi32, #tpu.memory_space<hbm>> -> memref<80x128xi32, #tpu.memory_space<hbm>>
      tpu.enqueue_dma source(%dma_start3A_37 : memref<80x128xi32, #tpu.memory_space<hbm>>) target(%arg4 : memref<80x128xi32, #tpu.memory_space<vmem>>) target_semaphore(%run_scoped3A : memref<!tpu.dma_semaphore, #tpu.memory_space<semaphore_mem>>)
      %dma_wait3A = arith.constant 0 : i32
      %dma_wait3A_38 = arith.constant 0 : i32
      %dma_wait3A_39 = tpu.memref_slice %arg2[%add3A, %dma_wait3A, %dma_wait3A_38] : memref<32x80x128xi32, #tpu.memory_space<hbm>> -> memref<1x80x128xi32, #tpu.memory_space<hbm>>
      %dma_wait3A_40 = tpu.memref_squeeze %dma_wait3A_39 : memref<1x80x128xi32, #tpu.memory_space<hbm>> -> memref<80x128xi32, #tpu.memory_space<hbm>>
      %dma_wait3A_41 = arith.constant 0 : i32
      %dma_wait3A_42 = arith.constant 0 : i32
      %dma_wait3A_43 = tpu.memref_slice %arg2[%add3A, %dma_wait3A_41, %dma_wait3A_42] : memref<32x80x128xi32, #tpu.memory_space<hbm>> -> memref<1x80x128xi32, #tpu.memory_space<hbm>>
      %dma_wait3A_44 = tpu.memref_squeeze %dma_wait3A_43 : memref<1x80x128xi32, #tpu.memory_space<hbm>> -> memref<80x128xi32, #tpu.memory_space<hbm>>
      tpu.wait_dma2 semaphore(%run_scoped3A : memref<!tpu.dma_semaphore, #tpu.memory_space<semaphore_mem>>) src(%dma_wait3A_44 : memref<80x128xi32, #tpu.memory_space<hbm>>) dst(%arg4 : memref<80x128xi32, #tpu.memory_space<vmem>>)
      tpu.yield
    }) : () -> ()
    %barrier3A = arith.constant 0 : index
    tpu.barrier barrier_id(%barrier3A)
    %scan3A_18 = arith.constant 0 : i32
    %scan3A_19 = arith.constant 0 : i32
    %scan3A_20 = arith.constant 10 : i32
    %scan3A_21 = arith.addi %scan3A_19, %scan3A_20 : i32
    %scan3A_22 = arith.constant 1 : i32
    scf.for %scan3A_31 = %scan3A_19 to %scan3A_21 step %scan3A_22  : i32 {
      %mul3A_32 = arith.constant 8 : i32
      %mul3A_33 = arith.muli %scan3A_31, %mul3A_32 : i32
      %add3A_34 = arith.constant 0 : i32
      %add3A_35 = arith.addi %mul3A_33, %add3A_34 : i32
      %dma_start3A = arith.constant 0 : i32
      %dma_start3A_36 = tpu.memref_slice %arg4[%add3A_35, %dma_start3A] : memref<80x128xi32, #tpu.memory_space<vmem>> -> memref<1x128xi32, #tpu.memory_space<vmem>>
      %dma_start3A_37 = tpu.memref_squeeze %dma_start3A_36 : memref<1x128xi32, #tpu.memory_space<vmem>> -> memref<128xi32, #tpu.memory_space<vmem>>
      %dma_start3A_38 = arith.constant 0 : i32
      %dma_start3A_39 = arith.constant 0 : i32
      %dma_start3A_40 = tpu.memref_slice %arg7[%dma_start3A_38, %dma_start3A_39] : memref<10240x16xf32, #tpu.memory_space<vmem_shared>> -> memref<10240x16xf32, #tpu.memory_space<vmem_shared>>
      tpu.enqueue_indirect_dma source(%arg5 : memref<128x16xf32, #tpu.memory_space<vmem>>) target(%dma_start3A_40 : memref<10240x16xf32, #tpu.memory_space<vmem_shared>>) offsets(%dma_start3A_37 : memref<128xi32, #tpu.memory_space<vmem>>) semaphore(%arg8 : memref<!tpu.dma_semaphore, #tpu.memory_space<semaphore_mem>>) {add = true}
      %mul3A_41 = arith.constant 8 : i32
      %mul3A_42 = arith.muli %scan3A_31, %mul3A_41 : i32
      %add3A_43 = arith.constant 1 : i32
      %add3A_44 = arith.addi %mul3A_42, %add3A_43 : i32
      %dma_start3A_45 = arith.constant 0 : i32
      %dma_start3A_46 = tpu.memref_slice %arg4[%add3A_44, %dma_start3A_45] : memref<80x128xi32, #tpu.memory_space<vmem>> -> memref<1x128xi32, #tpu.memory_space<vmem>>
      %dma_start3A_47 = tpu.memref_squeeze %dma_start3A_46 : memref<1x128xi32, #tpu.memory_space<vmem>> -> memref<128xi32, #tpu.memory_space<vmem>>
      %dma_start3A_48 = arith.constant 0 : i32
      %dma_start3A_49 = arith.constant 0 : i32
      %dma_start3A_50 = tpu.memref_slice %arg7[%dma_start3A_48, %dma_start3A_49] : memref<10240x16xf32, #tpu.memory_space<vmem_shared>> -> memref<10240x16xf32, #tpu.memory_space<vmem_shared>>
      tpu.enqueue_indirect_dma source(%arg5 : memref<128x16xf32, #tpu.memory_space<vmem>>) target(%dma_start3A_50 : memref<10240x16xf32, #tpu.memory_space<vmem_shared>>) offsets(%dma_start3A_47 : memref<128xi32, #tpu.memory_space<vmem>>) semaphore(%arg8 : memref<!tpu.dma_semaphore, #tpu.memory_space<semaphore_mem>>) {add = true}
      %mul3A_51 = arith.constant 8 : i32
      %mul3A_52 = arith.muli %scan3A_31, %mul3A_51 : i32
      %add3A_53 = arith.constant 2 : i32
      %add3A_54 = arith.addi %mul3A_52, %add3A_53 : i32
      %dma_start3A_55 = arith.constant 0 : i32
      %dma_start3A_56 = tpu.memref_slice %arg4[%add3A_54, %dma_start3A_55] : memref<80x128xi32, #tpu.memory_space<vmem>> -> memref<1x128xi32, #tpu.memory_space<vmem>>
      %dma_start3A_57 = tpu.memref_squeeze %dma_start3A_56 : memref<1x128xi32, #tpu.memory_space<vmem>> -> memref<128xi32, #tpu.memory_space<vmem>>
      %dma_start3A_58 = arith.constant 0 : i32
      %dma_start3A_59 = arith.constant 0 : i32
      %dma_start3A_60 = tpu.memref_slice %arg7[%dma_start3A_58, %dma_start3A_59] : memref<10240x16xf32, #tpu.memory_space<vmem_shared>> -> memref<10240x16xf32, #tpu.memory_space<vmem_shared>>
      tpu.enqueue_indirect_dma source(%arg5 : memref<128x16xf32, #tpu.memory_space<vmem>>) target(%dma_start3A_60 : memref<10240x16xf32, #tpu.memory_space<vmem_shared>>) offsets(%dma_start3A_57 : memref<128xi32, #tpu.memory_space<vmem>>) semaphore(%arg8 : memref<!tpu.dma_semaphore, #tpu.memory_space<semaphore_mem>>) {add = true}
      %mul3A_61 = arith.constant 8 : i32
      %mul3A_62 = arith.muli %scan3A_31, %mul3A_61 : i32
      %add3A_63 = arith.constant 3 : i32
      %add3A_64 = arith.addi %mul3A_62, %add3A_63 : i32
      %dma_start3A_65 = arith.constant 0 : i32
      %dma_start3A_66 = tpu.memref_slice %arg4[%add3A_64, %dma_start3A_65] : memref<80x128xi32, #tpu.memory_space<vmem>> -> memref<1x128xi32, #tpu.memory_space<vmem>>
      %dma_start3A_67 = tpu.memref_squeeze %dma_start3A_66 : memref<1x128xi32, #tpu.memory_space<vmem>> -> memref<128xi32, #tpu.memory_space<vmem>>
      %dma_start3A_68 = arith.constant 0 : i32
      %dma_start3A_69 = arith.constant 0 : i32
      %dma_start3A_70 = tpu.memref_slice %arg7[%dma_start3A_68, %dma_start3A_69] : memref<10240x16xf32, #tpu.memory_space<vmem_shared>> -> memref<10240x16xf32, #tpu.memory_space<vmem_shared>>
      tpu.enqueue_indirect_dma source(%arg5 : memref<128x16xf32, #tpu.memory_space<vmem>>) target(%dma_start3A_70 : memref<10240x16xf32, #tpu.memory_space<vmem_shared>>) offsets(%dma_start3A_67 : memref<128xi32, #tpu.memory_space<vmem>>) semaphore(%arg8 : memref<!tpu.dma_semaphore, #tpu.memory_space<semaphore_mem>>) {add = true}
      %mul3A_71 = arith.constant 8 : i32
      %mul3A_72 = arith.muli %scan3A_31, %mul3A_71 : i32
      %add3A_73 = arith.constant 4 : i32
      %add3A_74 = arith.addi %mul3A_72, %add3A_73 : i32
      %dma_start3A_75 = arith.constant 0 : i32
      %dma_start3A_76 = tpu.memref_slice %arg4[%add3A_74, %dma_start3A_75] : memref<80x128xi32, #tpu.memory_space<vmem>> -> memref<1x128xi32, #tpu.memory_space<vmem>>
      %dma_start3A_77 = tpu.memref_squeeze %dma_start3A_76 : memref<1x128xi32, #tpu.memory_space<vmem>> -> memref<128xi32, #tpu.memory_space<vmem>>
      %dma_start3A_78 = arith.constant 0 : i32
      %dma_start3A_79 = arith.constant 0 : i32
      %dma_start3A_80 = tpu.memref_slice %arg7[%dma_start3A_78, %dma_start3A_79] : memref<10240x16xf32, #tpu.memory_space<vmem_shared>> -> memref<10240x16xf32, #tpu.memory_space<vmem_shared>>
      tpu.enqueue_indirect_dma source(%arg5 : memref<128x16xf32, #tpu.memory_space<vmem>>) target(%dma_start3A_80 : memref<10240x16xf32, #tpu.memory_space<vmem_shared>>) offsets(%dma_start3A_77 : memref<128xi32, #tpu.memory_space<vmem>>) semaphore(%arg8 : memref<!tpu.dma_semaphore, #tpu.memory_space<semaphore_mem>>) {add = true}
      %mul3A_81 = arith.constant 8 : i32
      %mul3A_82 = arith.muli %scan3A_31, %mul3A_81 : i32
      %add3A_83 = arith.constant 5 : i32
      %add3A_84 = arith.addi %mul3A_82, %add3A_83 : i32
      %dma_start3A_85 = arith.constant 0 : i32
      %dma_start3A_86 = tpu.memref_slice %arg4[%add3A_84, %dma_start3A_85] : memref<80x128xi32, #tpu.memory_space<vmem>> -> memref<1x128xi32, #tpu.memory_space<vmem>>
      %dma_start3A_87 = tpu.memref_squeeze %dma_start3A_86 : memref<1x128xi32, #tpu.memory_space<vmem>> -> memref<128xi32, #tpu.memory_space<vmem>>
      %dma_start3A_88 = arith.constant 0 : i32
      %dma_start3A_89 = arith.constant 0 : i32
      %dma_start3A_90 = tpu.memref_slice %arg7[%dma_start3A_88, %dma_start3A_89] : memref<10240x16xf32, #tpu.memory_space<vmem_shared>> -> memref<10240x16xf32, #tpu.memory_space<vmem_shared>>
      tpu.enqueue_indirect_dma source(%arg5 : memref<128x16xf32, #tpu.memory_space<vmem>>) target(%dma_start3A_90 : memref<10240x16xf32, #tpu.memory_space<vmem_shared>>) offsets(%dma_start3A_87 : memref<128xi32, #tpu.memory_space<vmem>>) semaphore(%arg8 : memref<!tpu.dma_semaphore, #tpu.memory_space<semaphore_mem>>) {add = true}
      %mul3A_91 = arith.constant 8 : i32
      %mul3A_92 = arith.muli %scan3A_31, %mul3A_91 : i32
      %add3A_93 = arith.constant 6 : i32
      %add3A_94 = arith.addi %mul3A_92, %add3A_93 : i32
      %dma_start3A_95 = arith.constant 0 : i32
      %dma_start3A_96 = tpu.memref_slice %arg4[%add3A_94, %dma_start3A_95] : memref<80x128xi32, #tpu.memory_space<vmem>> -> memref<1x128xi32, #tpu.memory_space<vmem>>
      %dma_start3A_97 = tpu.memref_squeeze %dma_start3A_96 : memref<1x128xi32, #tpu.memory_space<vmem>> -> memref<128xi32, #tpu.memory_space<vmem>>
      %dma_start3A_98 = arith.constant 0 : i32
      %dma_start3A_99 = arith.constant 0 : i32
      %dma_start3A_100 = tpu.memref_slice %arg7[%dma_start3A_98, %dma_start3A_99] : memref<10240x16xf32, #tpu.memory_space<vmem_shared>> -> memref<10240x16xf32, #tpu.memory_space<vmem_shared>>
      tpu.enqueue_indirect_dma source(%arg5 : memref<128x16xf32, #tpu.memory_space<vmem>>) target(%dma_start3A_100 : memref<10240x16xf32, #tpu.memory_space<vmem_shared>>) offsets(%dma_start3A_97 : memref<128xi32, #tpu.memory_space<vmem>>) semaphore(%arg8 : memref<!tpu.dma_semaphore, #tpu.memory_space<semaphore_mem>>) {add = true}
      %mul3A_101 = arith.constant 8 : i32
      %mul3A_102 = arith.muli %scan3A_31, %mul3A_101 : i32
      %add3A_103 = arith.constant 7 : i32
      %add3A_104 = arith.addi %mul3A_102, %add3A_103 : i32
      %dma_start3A_105 = arith.constant 0 : i32
      %dma_start3A_106 = tpu.memref_slice %arg4[%add3A_104, %dma_start3A_105] : memref<80x128xi32, #tpu.memory_space<vmem>> -> memref<1x128xi32, #tpu.memory_space<vmem>>
      %dma_start3A_107 = tpu.memref_squeeze %dma_start3A_106 : memref<1x128xi32, #tpu.memory_space<vmem>> -> memref<128xi32, #tpu.memory_space<vmem>>
      %dma_start3A_108 = arith.constant 0 : i32
      %dma_start3A_109 = arith.constant 0 : i32
      %dma_start3A_110 = tpu.memref_slice %arg7[%dma_start3A_108, %dma_start3A_109] : memref<10240x16xf32, #tpu.memory_space<vmem_shared>> -> memref<10240x16xf32, #tpu.memory_space<vmem_shared>>
      tpu.enqueue_indirect_dma source(%arg5 : memref<128x16xf32, #tpu.memory_space<vmem>>) target(%dma_start3A_110 : memref<10240x16xf32, #tpu.memory_space<vmem_shared>>) offsets(%dma_start3A_107 : memref<128xi32, #tpu.memory_space<vmem>>) semaphore(%arg8 : memref<!tpu.dma_semaphore, #tpu.memory_space<semaphore_mem>>) {add = true}
      %mul3A_111 = arith.constant 8 : i32
      %mul3A_112 = arith.muli %scan3A_31, %mul3A_111 : i32
      %add3A_113 = arith.constant 0 : i32
      %add3A_114 = arith.addi %mul3A_112, %add3A_113 : i32
      %dma_wait3A = arith.constant 0 : i32
      %dma_wait3A_115 = tpu.memref_slice %arg4[%add3A_114, %dma_wait3A] : memref<80x128xi32, #tpu.memory_space<vmem>> -> memref<1x128xi32, #tpu.memory_space<vmem>>
      %dma_wait3A_116 = tpu.memref_squeeze %dma_wait3A_115 : memref<1x128xi32, #tpu.memory_space<vmem>> -> memref<128xi32, #tpu.memory_space<vmem>>
      %dma_wait3A_117 = arith.constant 0 : i32
      %dma_wait3A_118 = arith.constant 0 : i32
      %dma_wait3A_119 = tpu.memref_slice %arg7[%dma_wait3A_117, %dma_wait3A_118] : memref<10240x16xf32, #tpu.memory_space<vmem_shared>> -> memref<10240x16xf32, #tpu.memory_space<vmem_shared>>
      tpu.wait_indirect_dma semaphore(%arg8 : memref<!tpu.dma_semaphore, #tpu.memory_space<semaphore_mem>>) src(%arg5 : memref<128x16xf32, #tpu.memory_space<vmem>>) dst(%dma_wait3A_119 : memref<10240x16xf32, #tpu.memory_space<vmem_shared>>)
      %mul3A_120 = arith.constant 8 : i32
      %mul3A_121 = arith.muli %scan3A_31, %mul3A_120 : i32
      %add3A_122 = arith.constant 1 : i32
      %add3A_123 = arith.addi %mul3A_121, %add3A_122 : i32
      %dma_wait3A_124 = arith.constant 0 : i32
      %dma_wait3A_125 = tpu.memref_slice %arg4[%add3A_123, %dma_wait3A_124] : memref<80x128xi32, #tpu.memory_space<vmem>> -> memref<1x128xi32, #tpu.memory_space<vmem>>
      %dma_wait3A_126 = tpu.memref_squeeze %dma_wait3A_125 : memref<1x128xi32, #tpu.memory_space<vmem>> -> memref<128xi32, #tpu.memory_space<vmem>>
      %dma_wait3A_127 = arith.constant 0 : i32
      %dma_wait3A_128 = arith.constant 0 : i32
      %dma_wait3A_129 = tpu.memref_slice %arg7[%dma_wait3A_127, %dma_wait3A_128] : memref<10240x16xf32, #tpu.memory_space<vmem_shared>> -> memref<10240x16xf32, #tpu.memory_space<vmem_shared>>
      tpu.wait_indirect_dma semaphore(%arg8 : memref<!tpu.dma_semaphore, #tpu.memory_space<semaphore_mem>>) src(%arg5 : memref<128x16xf32, #tpu.memory_space<vmem>>) dst(%dma_wait3A_129 : memref<10240x16xf32, #tpu.memory_space<vmem_shared>>)
      %mul3A_130 = arith.constant 8 : i32
      %mul3A_131 = arith.muli %scan3A_31, %mul3A_130 : i32
      %add3A_132 = arith.constant 2 : i32
      %add3A_133 = arith.addi %mul3A_131, %add3A_132 : i32
      %dma_wait3A_134 = arith.constant 0 : i32
      %dma_wait3A_135 = tpu.memref_slice %arg4[%add3A_133, %dma_wait3A_134] : memref<80x128xi32, #tpu.memory_space<vmem>> -> memref<1x128xi32, #tpu.memory_space<vmem>>
      %dma_wait3A_136 = tpu.memref_squeeze %dma_wait3A_135 : memref<1x128xi32, #tpu.memory_space<vmem>> -> memref<128xi32, #tpu.memory_space<vmem>>
      %dma_wait3A_137 = arith.constant 0 : i32
      %dma_wait3A_138 = arith.constant 0 : i32
      %dma_wait3A_139 = tpu.memref_slice %arg7[%dma_wait3A_137, %dma_wait3A_138] : memref<10240x16xf32, #tpu.memory_space<vmem_shared>> -> memref<10240x16xf32, #tpu.memory_space<vmem_shared>>
      tpu.wait_indirect_dma semaphore(%arg8 : memref<!tpu.dma_semaphore, #tpu.memory_space<semaphore_mem>>) src(%arg5 : memref<128x16xf32, #tpu.memory_space<vmem>>) dst(%dma_wait3A_139 : memref<10240x16xf32, #tpu.memory_space<vmem_shared>>)
      %mul3A_140 = arith.constant 8 : i32
      %mul3A_141 = arith.muli %scan3A_31, %mul3A_140 : i32
      %add3A_142 = arith.constant 3 : i32
      %add3A_143 = arith.addi %mul3A_141, %add3A_142 : i32
      %dma_wait3A_144 = arith.constant 0 : i32
      %dma_wait3A_145 = tpu.memref_slice %arg4[%add3A_143, %dma_wait3A_144] : memref<80x128xi32, #tpu.memory_space<vmem>> -> memref<1x128xi32, #tpu.memory_space<vmem>>
      %dma_wait3A_146 = tpu.memref_squeeze %dma_wait3A_145 : memref<1x128xi32, #tpu.memory_space<vmem>> -> memref<128xi32, #tpu.memory_space<vmem>>
      %dma_wait3A_147 = arith.constant 0 : i32
      %dma_wait3A_148 = arith.constant 0 : i32
      %dma_wait3A_149 = tpu.memref_slice %arg7[%dma_wait3A_147, %dma_wait3A_148] : memref<10240x16xf32, #tpu.memory_space<vmem_shared>> -> memref<10240x16xf32, #tpu.memory_space<vmem_shared>>
      tpu.wait_indirect_dma semaphore(%arg8 : memref<!tpu.dma_semaphore, #tpu.memory_space<semaphore_mem>>) src(%arg5 : memref<128x16xf32, #tpu.memory_space<vmem>>) dst(%dma_wait3A_149 : memref<10240x16xf32, #tpu.memory_space<vmem_shared>>)
      %mul3A_150 = arith.constant 8 : i32
      %mul3A_151 = arith.muli %scan3A_31, %mul3A_150 : i32
      %add3A_152 = arith.constant 4 : i32
      %add3A_153 = arith.addi %mul3A_151, %add3A_152 : i32
      %dma_wait3A_154 = arith.constant 0 : i32
      %dma_wait3A_155 = tpu.memref_slice %arg4[%add3A_153, %dma_wait3A_154] : memref<80x128xi32, #tpu.memory_space<vmem>> -> memref<1x128xi32, #tpu.memory_space<vmem>>
      %dma_wait3A_156 = tpu.memref_squeeze %dma_wait3A_155 : memref<1x128xi32, #tpu.memory_space<vmem>> -> memref<128xi32, #tpu.memory_space<vmem>>
      %dma_wait3A_157 = arith.constant 0 : i32
      %dma_wait3A_158 = arith.constant 0 : i32
      %dma_wait3A_159 = tpu.memref_slice %arg7[%dma_wait3A_157, %dma_wait3A_158] : memref<10240x16xf32, #tpu.memory_space<vmem_shared>> -> memref<10240x16xf32, #tpu.memory_space<vmem_shared>>
      tpu.wait_indirect_dma semaphore(%arg8 : memref<!tpu.dma_semaphore, #tpu.memory_space<semaphore_mem>>) src(%arg5 : memref<128x16xf32, #tpu.memory_space<vmem>>) dst(%dma_wait3A_159 : memref<10240x16xf32, #tpu.memory_space<vmem_shared>>)
      %mul3A_160 = arith.constant 8 : i32
      %mul3A_161 = arith.muli %scan3A_31, %mul3A_160 : i32
      %add3A_162 = arith.constant 5 : i32
      %add3A_163 = arith.addi %mul3A_161, %add3A_162 : i32
      %dma_wait3A_164 = arith.constant 0 : i32
      %dma_wait3A_165 = tpu.memref_slice %arg4[%add3A_163, %dma_wait3A_164] : memref<80x128xi32, #tpu.memory_space<vmem>> -> memref<1x128xi32, #tpu.memory_space<vmem>>
      %dma_wait3A_166 = tpu.memref_squeeze %dma_wait3A_165 : memref<1x128xi32, #tpu.memory_space<vmem>> -> memref<128xi32, #tpu.memory_space<vmem>>
      %dma_wait3A_167 = arith.constant 0 : i32
      %dma_wait3A_168 = arith.constant 0 : i32
      %dma_wait3A_169 = tpu.memref_slice %arg7[%dma_wait3A_167, %dma_wait3A_168] : memref<10240x16xf32, #tpu.memory_space<vmem_shared>> -> memref<10240x16xf32, #tpu.memory_space<vmem_shared>>
      tpu.wait_indirect_dma semaphore(%arg8 : memref<!tpu.dma_semaphore, #tpu.memory_space<semaphore_mem>>) src(%arg5 : memref<128x16xf32, #tpu.memory_space<vmem>>) dst(%dma_wait3A_169 : memref<10240x16xf32, #tpu.memory_space<vmem_shared>>)
      %mul3A_170 = arith.constant 8 : i32
      %mul3A_171 = arith.muli %scan3A_31, %mul3A_170 : i32
      %add3A_172 = arith.constant 6 : i32
      %add3A_173 = arith.addi %mul3A_171, %add3A_172 : i32
      %dma_wait3A_174 = arith.constant 0 : i32
      %dma_wait3A_175 = tpu.memref_slice %arg4[%add3A_173, %dma_wait3A_174] : memref<80x128xi32, #tpu.memory_space<vmem>> -> memref<1x128xi32, #tpu.memory_space<vmem>>
      %dma_wait3A_176 = tpu.memref_squeeze %dma_wait3A_175 : memref<1x128xi32, #tpu.memory_space<vmem>> -> memref<128xi32, #tpu.memory_space<vmem>>
      %dma_wait3A_177 = arith.constant 0 : i32
      %dma_wait3A_178 = arith.constant 0 : i32
      %dma_wait3A_179 = tpu.memref_slice %arg7[%dma_wait3A_177, %dma_wait3A_178] : memref<10240x16xf32, #tpu.memory_space<vmem_shared>> -> memref<10240x16xf32, #tpu.memory_space<vmem_shared>>
      tpu.wait_indirect_dma semaphore(%arg8 : memref<!tpu.dma_semaphore, #tpu.memory_space<semaphore_mem>>) src(%arg5 : memref<128x16xf32, #tpu.memory_space<vmem>>) dst(%dma_wait3A_179 : memref<10240x16xf32, #tpu.memory_space<vmem_shared>>)
      %mul3A_180 = arith.constant 8 : i32
      %mul3A_181 = arith.muli %scan3A_31, %mul3A_180 : i32
      %add3A_182 = arith.constant 7 : i32
      %add3A_183 = arith.addi %mul3A_181, %add3A_182 : i32
      %dma_wait3A_184 = arith.constant 0 : i32
      %dma_wait3A_185 = tpu.memref_slice %arg4[%add3A_183, %dma_wait3A_184] : memref<80x128xi32, #tpu.memory_space<vmem>> -> memref<1x128xi32, #tpu.memory_space<vmem>>
      %dma_wait3A_186 = tpu.memref_squeeze %dma_wait3A_185 : memref<1x128xi32, #tpu.memory_space<vmem>> -> memref<128xi32, #tpu.memory_space<vmem>>
      %dma_wait3A_187 = arith.constant 0 : i32
      %dma_wait3A_188 = arith.constant 0 : i32
      %dma_wait3A_189 = tpu.memref_slice %arg7[%dma_wait3A_187, %dma_wait3A_188] : memref<10240x16xf32, #tpu.memory_space<vmem_shared>> -> memref<10240x16xf32, #tpu.memory_space<vmem_shared>>
      tpu.wait_indirect_dma semaphore(%arg8 : memref<!tpu.dma_semaphore, #tpu.memory_space<semaphore_mem>>) src(%arg5 : memref<128x16xf32, #tpu.memory_space<vmem>>) dst(%dma_wait3A_189 : memref<10240x16xf32, #tpu.memory_space<vmem_shared>>)
    }
    %scan3A_23 = arith.constant 10 : i32
    %barrier3A_24 = arith.constant 0 : index
    tpu.barrier barrier_id(%barrier3A_24)
    %scan3A_25 = arith.constant 0 : i32
    %scan3A_26 = arith.constant 0 : i32
    %scan3A_27 = arith.constant 10 : i32
    %scan3A_28 = arith.addi %scan3A_26, %scan3A_27 : i32
    %scan3A_29 = arith.constant 1 : i32
    scf.for %scan3A_31 = %scan3A_26 to %scan3A_28 step %scan3A_29  : i32 {
      %mul3A_32 = arith.constant 640 : i32
      %mul3A_33 = arith.muli %arg1, %mul3A_32 : i32
      %mul3A_34 = arith.constant 64 : i32
      %mul3A_35 = arith.muli %scan3A_31, %mul3A_34 : i32
      %add3A_36 = arith.addi %mul3A_33, %mul3A_35 : i32
      "tpu.region"() ({
        %run_scoped3A = tpu.sem_alloc : memref<!tpu.dma_semaphore, #tpu.memory_space<semaphore_mem>>
        %dma_start3A = arith.constant 0 : i32
        %dma_start3A_42 = tpu.memref_slice %arg7[%add3A_36, %dma_start3A] : memref<10240x16xf32, #tpu.memory_space<vmem_shared>> -> memref<64x16xf32, #tpu.memory_space<vmem_shared>>
        %dma_start3A_43 = arith.constant 0 : i32
        %dma_start3A_44 = tpu.memref_slice %arg7[%add3A_36, %dma_start3A_43] : memref<10240x16xf32, #tpu.memory_space<vmem_shared>> -> memref<64x16xf32, #tpu.memory_space<vmem_shared>>
        tpu.enqueue_dma source(%dma_start3A_44 : memref<64x16xf32, #tpu.memory_space<vmem_shared>>) target(%arg6 : memref<64x16xf32, #tpu.memory_space<vmem>>) target_semaphore(%run_scoped3A : memref<!tpu.dma_semaphore, #tpu.memory_space<semaphore_mem>>)
        %dma_wait3A = arith.constant 0 : i32
        %dma_wait3A_45 = tpu.memref_slice %arg7[%add3A_36, %dma_wait3A] : memref<10240x16xf32, #tpu.memory_space<vmem_shared>> -> memref<64x16xf32, #tpu.memory_space<vmem_shared>>
        %dma_wait3A_46 = arith.constant 0 : i32
        %dma_wait3A_47 = tpu.memref_slice %arg7[%add3A_36, %dma_wait3A_46] : memref<10240x16xf32, #tpu.memory_space<vmem_shared>> -> memref<64x16xf32, #tpu.memory_space<vmem_shared>>
        tpu.wait_dma2 semaphore(%run_scoped3A : memref<!tpu.dma_semaphore, #tpu.memory_space<semaphore_mem>>) src(%dma_wait3A_47 : memref<64x16xf32, #tpu.memory_space<vmem_shared>>) dst(%arg6 : memref<64x16xf32, #tpu.memory_space<vmem>>)
        tpu.yield
      }) : () -> ()
      %mul3A_37 = arith.constant 640 : i32
      %mul3A_38 = arith.muli %arg1, %mul3A_37 : i32
      %mul3A_39 = arith.constant 64 : i32
      %mul3A_40 = arith.muli %scan3A_31, %mul3A_39 : i32
      %add3A_41 = arith.addi %mul3A_38, %mul3A_40 : i32
      "tpu.region"() ({
        %run_scoped3A = tpu.sem_alloc : memref<!tpu.dma_semaphore, #tpu.memory_space<semaphore_mem>>
        %dma_start3A = arith.constant 0 : i32
        %dma_start3A_42 = tpu.memref_slice %arg3[%arg0, %add3A_41, %dma_start3A] : memref<2x10240x16xf32, #tpu.memory_space<hbm>> -> memref<1x64x16xf32, #tpu.memory_space<hbm>>
        %dma_start3A_43 = tpu.memref_squeeze %dma_start3A_42 : memref<1x64x16xf32, #tpu.memory_space<hbm>> -> memref<64x16xf32, #tpu.memory_space<hbm>>
        %dma_start3A_44 = arith.constant 0 : i32
        %dma_start3A_45 = tpu.memref_slice %arg3[%arg0, %add3A_41, %dma_start3A_44] : memref<2x10240x16xf32, #tpu.memory_space<hbm>> -> memref<1x64x16xf32, #tpu.memory_space<hbm>>
        %dma_start3A_46 = tpu.memref_squeeze %dma_start3A_45 : memref<1x64x16xf32, #tpu.memory_space<hbm>> -> memref<64x16xf32, #tpu.memory_space<hbm>>
        tpu.enqueue_dma source(%arg6 : memref<64x16xf32, #tpu.memory_space<vmem>>) target(%dma_start3A_46 : memref<64x16xf32, #tpu.memory_space<hbm>>) target_semaphore(%run_scoped3A : memref<!tpu.dma_semaphore, #tpu.memory_space<semaphore_mem>>)
        %dma_wait3A = arith.constant 0 : i32
        %dma_wait3A_47 = tpu.memref_slice %arg3[%arg0, %add3A_41, %dma_wait3A] : memref<2x10240x16xf32, #tpu.memory_space<hbm>> -> memref<1x64x16xf32, #tpu.memory_space<hbm>>
        %dma_wait3A_48 = tpu.memref_squeeze %dma_wait3A_47 : memref<1x64x16xf32, #tpu.memory_space<hbm>> -> memref<64x16xf32, #tpu.memory_space<hbm>>
        %dma_wait3A_49 = arith.constant 0 : i32
        %dma_wait3A_50 = tpu.memref_slice %arg3[%arg0, %add3A_41, %dma_wait3A_49] : memref<2x10240x16xf32, #tpu.memory_space<hbm>> -> memref<1x64x16xf32, #tpu.memory_space<hbm>>
        %dma_wait3A_51 = tpu.memref_squeeze %dma_wait3A_50 : memref<1x64x16xf32, #tpu.memory_space<hbm>> -> memref<64x16xf32, #tpu.memory_space<hbm>>
        tpu.wait_dma2 semaphore(%run_scoped3A : memref<!tpu.dma_semaphore, #tpu.memory_space<semaphore_mem>>) src(%arg6 : memref<64x16xf32, #tpu.memory_space<vmem>>) dst(%dma_wait3A_51 : memref<64x16xf32, #tpu.memory_space<hbm>>)
        tpu.yield
      }) : () -> ()
    }
    %scan3A_30 = arith.constant 10 : i32
    return
  }
}

#map = affine_map<(d0, d1) -> (0, 0)>
#map1 = affine_map<(d0, d1) -> (0, 0, 0)>
module attributes {stable_mosaic.version = 14 : i64} {
  func.func @_sc_scatter(%arg0: i32, %arg1: i32, %arg2: memref<10240x16xf32, #tpu.memory_space<hbm>>, %arg3: memref<32x80x128xi32, #tpu.memory_space<hbm>>, %arg4: memref<32x80x128xi32, #tpu.memory_space<hbm>>, %arg5: memref<2x10240x16xf32, #tpu.memory_space<hbm>>, %arg6: memref<80x128xi32, #tpu.memory_space<vmem>>, %arg7: memref<80x128xi32, #tpu.memory_space<vmem>>, %arg8: memref<4x128x16xf32, #tpu.memory_space<vmem>>, %arg9: memref<64x16xf32, #tpu.memory_space<vmem>>, %arg10: memref<10240x16xf32, #tpu.memory_space<vmem_shared>>, %arg11: memref<!tpu.dma_semaphore, #tpu.memory_space<semaphore_mem>>, %arg12: memref<!tpu.dma_semaphore, #tpu.memory_space<semaphore_mem>>, %arg13: memref<!tpu.dma_semaphore, #tpu.memory_space<semaphore_mem>>, %arg14: memref<!tpu.dma_semaphore, #tpu.memory_space<semaphore_mem>>, %arg15: memref<!tpu.dma_semaphore, #tpu.memory_space<semaphore_mem>>, %arg16: memref<!tpu.dma_semaphore, #tpu.memory_space<semaphore_mem>>, %arg17: memref<!tpu.dma_semaphore, #tpu.memory_space<semaphore_mem>>, %arg18: memref<!tpu.dma_semaphore, #tpu.memory_space<semaphore_mem>>) attributes {dimension_semantics = [#tpu.dimension_semantics<core_parallel>, #tpu.dimension_semantics<subcore_parallel>], iteration_bounds = array<i64: 2, 16>, scalar_prefetch = 0 : i64, scratch_operands = 13 : i64, tpu.core_type = #tpu.core_type<sc_vector_subcore>, window_params = [{transform_indices = #map}, {transform_indices = #map1}, {transform_indices = #map1}, {transform_indices = #map1}]} {
    %mul3A = arith.constant 16 : i32
    %mul3A_0 = arith.muli %arg0, %mul3A : i32
    %add3A = arith.addi %mul3A_0, %arg1 : i32
    %scan3A = arith.constant 0 : i32
    %scan3A_1 = arith.constant 0 : i32
    %scan3A_2 = arith.constant 64 : i32
    %scan3A_3 = arith.addi %scan3A_1, %scan3A_2 : i32
    %scan3A_4 = arith.constant 1 : i32
    scf.for %scan3A_119 = %scan3A_1 to %scan3A_3 step %scan3A_4  : i32 {
      %broadcast_in_dim3A = arith.constant 0.000000e+00 : f32
      %broadcast_in_dim3A_120 = vector.broadcast %broadcast_in_dim3A : f32 to vector<16xf32>
      %swap3A = arith.index_cast %scan3A_119 : i32 to index
      %swap3A_121 = arith.constant 0 : index
      %swap3A_122 = tpu.vector_load %arg9[%swap3A, %swap3A_121] {strides = array<i32>} : memref<64x16xf32, #tpu.memory_space<vmem>>, vector<1x16xf32>,
      %swap3A_123 = vector.shape_cast %swap3A_122 : vector<1x16xf32> to vector<16xf32>
      %swap3A_124 = vector.shape_cast %broadcast_in_dim3A_120 : vector<16xf32> to vector<1x16xf32>
      tpu.vector_store %arg9[%swap3A, %swap3A_121], %swap3A_124 {strides = array<i32>} : memref<64x16xf32, #tpu.memory_space<vmem>>, vector<1x16xf32>,
    }
    %scan3A_5 = arith.constant 64 : i32
    %scan3A_6 = arith.constant 0 : i32
    %scan3A_7 = arith.constant 0 : i32
    %scan3A_8 = arith.constant 10 : i32
    %scan3A_9 = arith.addi %scan3A_7, %scan3A_8 : i32
    %scan3A_10 = arith.constant 1 : i32
    scf.for %scan3A_119 = %scan3A_7 to %scan3A_9 step %scan3A_10  : i32 {
      %mul3A_120 = arith.constant 640 : i32
      %mul3A_121 = arith.muli %arg1, %mul3A_120 : i32
      %mul3A_122 = arith.constant 64 : i32
      %mul3A_123 = arith.muli %scan3A_119, %mul3A_122 : i32
      %add3A_124 = arith.addi %mul3A_121, %mul3A_123 : i32
      "tpu.region"() ({
        %run_scoped3A = tpu.sem_alloc : memref<!tpu.dma_semaphore, #tpu.memory_space<semaphore_mem>>
        %dma_start3A_125 = arith.constant 0 : i32
        %dma_start3A_126 = tpu.memref_slice %arg10[%add3A_124, %dma_start3A_125] : memref<10240x16xf32, #tpu.memory_space<vmem_shared>> -> memref<64x16xf32, #tpu.memory_space<vmem_shared>>
        %dma_start3A_127 = arith.constant 0 : i32
        %dma_start3A_128 = tpu.memref_slice %arg10[%add3A_124, %dma_start3A_127] : memref<10240x16xf32, #tpu.memory_space<vmem_shared>> -> memref<64x16xf32, #tpu.memory_space<vmem_shared>>
        tpu.enqueue_dma source(%arg9 : memref<64x16xf32, #tpu.memory_space<vmem>>) target(%dma_start3A_128 : memref<64x16xf32, #tpu.memory_space<vmem_shared>>) target_semaphore(%run_scoped3A : memref<!tpu.dma_semaphore, #tpu.memory_space<semaphore_mem>>)
        %dma_wait3A_129 = arith.constant 0 : i32
        %dma_wait3A_130 = tpu.memref_slice %arg10[%add3A_124, %dma_wait3A_129] : memref<10240x16xf32, #tpu.memory_space<vmem_shared>> -> memref<64x16xf32, #tpu.memory_space<vmem_shared>>
        %dma_wait3A_131 = arith.constant 0 : i32
        %dma_wait3A_132 = tpu.memref_slice %arg10[%add3A_124, %dma_wait3A_131] : memref<10240x16xf32, #tpu.memory_space<vmem_shared>> -> memref<64x16xf32, #tpu.memory_space<vmem_shared>>
        tpu.wait_dma2 semaphore(%run_scoped3A : memref<!tpu.dma_semaphore, #tpu.memory_space<semaphore_mem>>) src(%arg9 : memref<64x16xf32, #tpu.memory_space<vmem>>) dst(%dma_wait3A_132 : memref<64x16xf32, #tpu.memory_space<vmem_shared>>)
        tpu.yield
      }) : () -> ()
    }
    %scan3A_11 = arith.constant 10 : i32
    "tpu.region"() ({
      %run_scoped3A = tpu.sem_alloc : memref<!tpu.dma_semaphore, #tpu.memory_space<semaphore_mem>>
      %dma_start3A_119 = arith.constant 0 : i32
      %dma_start3A_120 = arith.constant 0 : i32
      %dma_start3A_121 = tpu.memref_slice %arg3[%add3A, %dma_start3A_119, %dma_start3A_120] : memref<32x80x128xi32, #tpu.memory_space<hbm>> -> memref<1x80x128xi32, #tpu.memory_space<hbm>>
      %dma_start3A_122 = tpu.memref_squeeze %dma_start3A_121 : memref<1x80x128xi32, #tpu.memory_space<hbm>> -> memref<80x128xi32, #tpu.memory_space<hbm>>
      %dma_start3A_123 = arith.constant 0 : i32
      %dma_start3A_124 = arith.constant 0 : i32
      %dma_start3A_125 = tpu.memref_slice %arg3[%add3A, %dma_start3A_123, %dma_start3A_124] : memref<32x80x128xi32, #tpu.memory_space<hbm>> -> memref<1x80x128xi32, #tpu.memory_space<hbm>>
      %dma_start3A_126 = tpu.memref_squeeze %dma_start3A_125 : memref<1x80x128xi32, #tpu.memory_space<hbm>> -> memref<80x128xi32, #tpu.memory_space<hbm>>
      tpu.enqueue_dma source(%dma_start3A_126 : memref<80x128xi32, #tpu.memory_space<hbm>>) target(%arg6 : memref<80x128xi32, #tpu.memory_space<vmem>>) target_semaphore(%run_scoped3A : memref<!tpu.dma_semaphore, #tpu.memory_space<semaphore_mem>>)
      %dma_wait3A_127 = arith.constant 0 : i32
      %dma_wait3A_128 = arith.constant 0 : i32
      %dma_wait3A_129 = tpu.memref_slice %arg3[%add3A, %dma_wait3A_127, %dma_wait3A_128] : memref<32x80x128xi32, #tpu.memory_space<hbm>> -> memref<1x80x128xi32, #tpu.memory_space<hbm>>
      %dma_wait3A_130 = tpu.memref_squeeze %dma_wait3A_129 : memref<1x80x128xi32, #tpu.memory_space<hbm>> -> memref<80x128xi32, #tpu.memory_space<hbm>>
      %dma_wait3A_131 = arith.constant 0 : i32
      %dma_wait3A_132 = arith.constant 0 : i32
      %dma_wait3A_133 = tpu.memref_slice %arg3[%add3A, %dma_wait3A_131, %dma_wait3A_132] : memref<32x80x128xi32, #tpu.memory_space<hbm>> -> memref<1x80x128xi32, #tpu.memory_space<hbm>>
      %dma_wait3A_134 = tpu.memref_squeeze %dma_wait3A_133 : memref<1x80x128xi32, #tpu.memory_space<hbm>> -> memref<80x128xi32, #tpu.memory_space<hbm>>
      tpu.wait_dma2 semaphore(%run_scoped3A : memref<!tpu.dma_semaphore, #tpu.memory_space<semaphore_mem>>) src(%dma_wait3A_134 : memref<80x128xi32, #tpu.memory_space<hbm>>) dst(%arg6 : memref<80x128xi32, #tpu.memory_space<vmem>>)
      tpu.yield
    }) : () -> ()
    "tpu.region"() ({
      %run_scoped3A = tpu.sem_alloc : memref<!tpu.dma_semaphore, #tpu.memory_space<semaphore_mem>>
      %dma_start3A_119 = arith.constant 0 : i32
      %dma_start3A_120 = arith.constant 0 : i32
      %dma_start3A_121 = tpu.memref_slice %arg4[%add3A, %dma_start3A_119, %dma_start3A_120] : memref<32x80x128xi32, #tpu.memory_space<hbm>> -> memref<1x80x128xi32, #tpu.memory_space<hbm>>
      %dma_start3A_122 = tpu.memref_squeeze %dma_start3A_121 : memref<1x80x128xi32, #tpu.memory_space<hbm>> -> memref<80x128xi32, #tpu.memory_space<hbm>>
      %dma_start3A_123 = arith.constant 0 : i32
      %dma_start3A_124 = arith.constant 0 : i32
      %dma_start3A_125 = tpu.memref_slice %arg4[%add3A, %dma_start3A_123, %dma_start3A_124] : memref<32x80x128xi32, #tpu.memory_space<hbm>> -> memref<1x80x128xi32, #tpu.memory_space<hbm>>
      %dma_start3A_126 = tpu.memref_squeeze %dma_start3A_125 : memref<1x80x128xi32, #tpu.memory_space<hbm>> -> memref<80x128xi32, #tpu.memory_space<hbm>>
      tpu.enqueue_dma source(%dma_start3A_126 : memref<80x128xi32, #tpu.memory_space<hbm>>) target(%arg7 : memref<80x128xi32, #tpu.memory_space<vmem>>) target_semaphore(%run_scoped3A : memref<!tpu.dma_semaphore, #tpu.memory_space<semaphore_mem>>)
      %dma_wait3A_127 = arith.constant 0 : i32
      %dma_wait3A_128 = arith.constant 0 : i32
      %dma_wait3A_129 = tpu.memref_slice %arg4[%add3A, %dma_wait3A_127, %dma_wait3A_128] : memref<32x80x128xi32, #tpu.memory_space<hbm>> -> memref<1x80x128xi32, #tpu.memory_space<hbm>>
      %dma_wait3A_130 = tpu.memref_squeeze %dma_wait3A_129 : memref<1x80x128xi32, #tpu.memory_space<hbm>> -> memref<80x128xi32, #tpu.memory_space<hbm>>
      %dma_wait3A_131 = arith.constant 0 : i32
      %dma_wait3A_132 = arith.constant 0 : i32
      %dma_wait3A_133 = tpu.memref_slice %arg4[%add3A, %dma_wait3A_131, %dma_wait3A_132] : memref<32x80x128xi32, #tpu.memory_space<hbm>> -> memref<1x80x128xi32, #tpu.memory_space<hbm>>
      %dma_wait3A_134 = tpu.memref_squeeze %dma_wait3A_133 : memref<1x80x128xi32, #tpu.memory_space<hbm>> -> memref<80x128xi32, #tpu.memory_space<hbm>>
      tpu.wait_dma2 semaphore(%run_scoped3A : memref<!tpu.dma_semaphore, #tpu.memory_space<semaphore_mem>>) src(%dma_wait3A_134 : memref<80x128xi32, #tpu.memory_space<hbm>>) dst(%arg7 : memref<80x128xi32, #tpu.memory_space<vmem>>)
      tpu.yield
    }) : () -> ()
    %barrier3A = arith.constant 0 : index
    tpu.barrier barrier_id(%barrier3A)
    %dma_start3A = arith.constant 0 : i32
    %dma_start3A_12 = arith.constant 0 : i32
    %dma_start3A_13 = arith.constant 0 : i32
    %dma_start3A_14 = arith.constant 0 : i32
    %dma_start3A_15 = tpu.memref_slice %arg8[%dma_start3A_12, %dma_start3A_13, %dma_start3A_14] : memref<4x128x16xf32, #tpu.memory_space<vmem>> -> memref<1x128x16xf32, #tpu.memory_space<vmem>>
    %dma_start3A_16 = tpu.memref_squeeze %dma_start3A_15 : memref<1x128x16xf32, #tpu.memory_space<vmem>> -> memref<128x16xf32, #tpu.memory_space<vmem>>
    %dma_start3A_17 = arith.constant 0 : i32
    %dma_start3A_18 = tpu.memref_slice %arg6[%dma_start3A, %dma_start3A_17] : memref<80x128xi32, #tpu.memory_space<vmem>> -> memref<1x128xi32, #tpu.memory_space<vmem>>
    %dma_start3A_19 = tpu.memref_squeeze %dma_start3A_18 : memref<1x128xi32, #tpu.memory_space<vmem>> -> memref<128xi32, #tpu.memory_space<vmem>>
    %dma_start3A_20 = arith.constant 0 : i32
    %dma_start3A_21 = arith.constant 0 : i32
    %dma_start3A_22 = tpu.memref_slice %arg2[%dma_start3A_20, %dma_start3A_21] : memref<10240x16xf32, #tpu.memory_space<hbm>> -> memref<10240x16xf32, #tpu.memory_space<hbm>>
    tpu.enqueue_indirect_dma source(%dma_start3A_22 : memref<10240x16xf32, #tpu.memory_space<hbm>>) target(%dma_start3A_16 : memref<128x16xf32, #tpu.memory_space<vmem>>) offsets(%dma_start3A_19 : memref<128xi32, #tpu.memory_space<vmem>>) semaphore(%arg11 : memref<!tpu.dma_semaphore, #tpu.memory_space<semaphore_mem>>)
    %dma_start3A_23 = arith.constant 1 : i32
    %dma_start3A_24 = arith.constant 1 : i32
    %dma_start3A_25 = arith.constant 0 : i32
    %dma_start3A_26 = arith.constant 0 : i32
    %dma_start3A_27 = tpu.memref_slice %arg8[%dma_start3A_24, %dma_start3A_25, %dma_start3A_26] : memref<4x128x16xf32, #tpu.memory_space<vmem>> -> memref<1x128x16xf32, #tpu.memory_space<vmem>>
    %dma_start3A_28 = tpu.memref_squeeze %dma_start3A_27 : memref<1x128x16xf32, #tpu.memory_space<vmem>> -> memref<128x16xf32, #tpu.memory_space<vmem>>
    %dma_start3A_29 = arith.constant 0 : i32
    %dma_start3A_30 = tpu.memref_slice %arg6[%dma_start3A_23, %dma_start3A_29] : memref<80x128xi32, #tpu.memory_space<vmem>> -> memref<1x128xi32, #tpu.memory_space<vmem>>
    %dma_start3A_31 = tpu.memref_squeeze %dma_start3A_30 : memref<1x128xi32, #tpu.memory_space<vmem>> -> memref<128xi32, #tpu.memory_space<vmem>>
    %dma_start3A_32 = arith.constant 0 : i32
    %dma_start3A_33 = arith.constant 0 : i32
    %dma_start3A_34 = tpu.memref_slice %arg2[%dma_start3A_32, %dma_start3A_33] : memref<10240x16xf32, #tpu.memory_space<hbm>> -> memref<10240x16xf32, #tpu.memory_space<hbm>>
    tpu.enqueue_indirect_dma source(%dma_start3A_34 : memref<10240x16xf32, #tpu.memory_space<hbm>>) target(%dma_start3A_28 : memref<128x16xf32, #tpu.memory_space<vmem>>) offsets(%dma_start3A_31 : memref<128xi32, #tpu.memory_space<vmem>>) semaphore(%arg12 : memref<!tpu.dma_semaphore, #tpu.memory_space<semaphore_mem>>)
    %dma_start3A_35 = arith.constant 2 : i32
    %dma_start3A_36 = arith.constant 2 : i32
    %dma_start3A_37 = arith.constant 0 : i32
    %dma_start3A_38 = arith.constant 0 : i32
    %dma_start3A_39 = tpu.memref_slice %arg8[%dma_start3A_36, %dma_start3A_37, %dma_start3A_38] : memref<4x128x16xf32, #tpu.memory_space<vmem>> -> memref<1x128x16xf32, #tpu.memory_space<vmem>>
    %dma_start3A_40 = tpu.memref_squeeze %dma_start3A_39 : memref<1x128x16xf32, #tpu.memory_space<vmem>> -> memref<128x16xf32, #tpu.memory_space<vmem>>
    %dma_start3A_41 = arith.constant 0 : i32
    %dma_start3A_42 = tpu.memref_slice %arg6[%dma_start3A_35, %dma_start3A_41] : memref<80x128xi32, #tpu.memory_space<vmem>> -> memref<1x128xi32, #tpu.memory_space<vmem>>
    %dma_start3A_43 = tpu.memref_squeeze %dma_start3A_42 : memref<1x128xi32, #tpu.memory_space<vmem>> -> memref<128xi32, #tpu.memory_space<vmem>>
    %dma_start3A_44 = arith.constant 0 : i32
    %dma_start3A_45 = arith.constant 0 : i32
    %dma_start3A_46 = tpu.memref_slice %arg2[%dma_start3A_44, %dma_start3A_45] : memref<10240x16xf32, #tpu.memory_space<hbm>> -> memref<10240x16xf32, #tpu.memory_space<hbm>>
    tpu.enqueue_indirect_dma source(%dma_start3A_46 : memref<10240x16xf32, #tpu.memory_space<hbm>>) target(%dma_start3A_40 : memref<128x16xf32, #tpu.memory_space<vmem>>) offsets(%dma_start3A_43 : memref<128xi32, #tpu.memory_space<vmem>>) semaphore(%arg13 : memref<!tpu.dma_semaphore, #tpu.memory_space<semaphore_mem>>)
    %dma_start3A_47 = arith.constant 3 : i32
    %dma_start3A_48 = arith.constant 3 : i32
    %dma_start3A_49 = arith.constant 0 : i32
    %dma_start3A_50 = arith.constant 0 : i32
    %dma_start3A_51 = tpu.memref_slice %arg8[%dma_start3A_48, %dma_start3A_49, %dma_start3A_50] : memref<4x128x16xf32, #tpu.memory_space<vmem>> -> memref<1x128x16xf32, #tpu.memory_space<vmem>>
    %dma_start3A_52 = tpu.memref_squeeze %dma_start3A_51 : memref<1x128x16xf32, #tpu.memory_space<vmem>> -> memref<128x16xf32, #tpu.memory_space<vmem>>
    %dma_start3A_53 = arith.constant 0 : i32
    %dma_start3A_54 = tpu.memref_slice %arg6[%dma_start3A_47, %dma_start3A_53] : memref<80x128xi32, #tpu.memory_space<vmem>> -> memref<1x128xi32, #tpu.memory_space<vmem>>
    %dma_start3A_55 = tpu.memref_squeeze %dma_start3A_54 : memref<1x128xi32, #tpu.memory_space<vmem>> -> memref<128xi32, #tpu.memory_space<vmem>>
    %dma_start3A_56 = arith.constant 0 : i32
    %dma_start3A_57 = arith.constant 0 : i32
    %dma_start3A_58 = tpu.memref_slice %arg2[%dma_start3A_56, %dma_start3A_57] : memref<10240x16xf32, #tpu.memory_space<hbm>> -> memref<10240x16xf32, #tpu.memory_space<hbm>>
    tpu.enqueue_indirect_dma source(%dma_start3A_58 : memref<10240x16xf32, #tpu.memory_space<hbm>>) target(%dma_start3A_52 : memref<128x16xf32, #tpu.memory_space<vmem>>) offsets(%dma_start3A_55 : memref<128xi32, #tpu.memory_space<vmem>>) semaphore(%arg14 : memref<!tpu.dma_semaphore, #tpu.memory_space<semaphore_mem>>)
    %scan3A_59 = arith.constant 0 : i32
    %scan3A_60 = arith.constant 0 : i32
    %scan3A_61 = arith.constant 20 : i32
    %scan3A_62 = arith.addi %scan3A_60, %scan3A_61 : i32
    %scan3A_63 = arith.constant 1 : i32
    scf.for %scan3A_119 = %scan3A_60 to %scan3A_62 step %scan3A_63  : i32 {
      %mul3A_120 = arith.constant 4 : i32
      %mul3A_121 = arith.muli %scan3A_119, %mul3A_120 : i32
      %add3A_122 = arith.constant 0 : i32
      %add3A_123 = arith.addi %mul3A_121, %add3A_122 : i32
      %dma_wait3A_124 = arith.constant 0 : i32
      %dma_wait3A_125 = arith.constant 0 : i32
      %dma_wait3A_126 = arith.constant 0 : i32
      %dma_wait3A_127 = tpu.memref_slice %arg8[%dma_wait3A_124, %dma_wait3A_125, %dma_wait3A_126] : memref<4x128x16xf32, #tpu.memory_space<vmem>> -> memref<1x128x16xf32, #tpu.memory_space<vmem>>
      %dma_wait3A_128 = tpu.memref_squeeze %dma_wait3A_127 : memref<1x128x16xf32, #tpu.memory_space<vmem>> -> memref<128x16xf32, #tpu.memory_space<vmem>>
      %dma_wait3A_129 = arith.constant 0 : i32
      %dma_wait3A_130 = tpu.memref_slice %arg6[%add3A_123, %dma_wait3A_129] : memref<80x128xi32, #tpu.memory_space<vmem>> -> memref<1x128xi32, #tpu.memory_space<vmem>>
      %dma_wait3A_131 = tpu.memref_squeeze %dma_wait3A_130 : memref<1x128xi32, #tpu.memory_space<vmem>> -> memref<128xi32, #tpu.memory_space<vmem>>
      %dma_wait3A_132 = arith.constant 0 : i32
      %dma_wait3A_133 = arith.constant 0 : i32
      %dma_wait3A_134 = tpu.memref_slice %arg2[%dma_wait3A_132, %dma_wait3A_133] : memref<10240x16xf32, #tpu.memory_space<hbm>> -> memref<10240x16xf32, #tpu.memory_space<hbm>>
      tpu.wait_indirect_dma semaphore(%arg11 : memref<!tpu.dma_semaphore, #tpu.memory_space<semaphore_mem>>) src(%dma_wait3A_134 : memref<10240x16xf32, #tpu.memory_space<hbm>>) dst(%dma_wait3A_128 : memref<128x16xf32, #tpu.memory_space<vmem>>)
      %dma_start3A_135 = arith.constant 0 : i32
      %dma_start3A_136 = arith.constant 0 : i32
      %dma_start3A_137 = arith.constant 0 : i32
      %dma_start3A_138 = tpu.memref_slice %arg8[%dma_start3A_135, %dma_start3A_136, %dma_start3A_137] : memref<4x128x16xf32, #tpu.memory_space<vmem>> -> memref<1x128x16xf32, #tpu.memory_space<vmem>>
      %dma_start3A_139 = tpu.memref_squeeze %dma_start3A_138 : memref<1x128x16xf32, #tpu.memory_space<vmem>> -> memref<128x16xf32, #tpu.memory_space<vmem>>
      %dma_start3A_140 = arith.constant 0 : i32
      %dma_start3A_141 = tpu.memref_slice %arg7[%add3A_123, %dma_start3A_140] : memref<80x128xi32, #tpu.memory_space<vmem>> -> memref<1x128xi32, #tpu.memory_space<vmem>>
      %dma_start3A_142 = tpu.memref_squeeze %dma_start3A_141 : memref<1x128xi32, #tpu.memory_space<vmem>> -> memref<128xi32, #tpu.memory_space<vmem>>
      %dma_start3A_143 = arith.constant 0 : i32
      %dma_start3A_144 = arith.constant 0 : i32
      %dma_start3A_145 = tpu.memref_slice %arg10[%dma_start3A_143, %dma_start3A_144] : memref<10240x16xf32, #tpu.memory_space<vmem_shared>> -> memref<10240x16xf32, #tpu.memory_space<vmem_shared>>
      tpu.enqueue_indirect_dma source(%dma_start3A_139 : memref<128x16xf32, #tpu.memory_space<vmem>>) target(%dma_start3A_145 : memref<10240x16xf32, #tpu.memory_space<vmem_shared>>) offsets(%dma_start3A_142 : memref<128xi32, #tpu.memory_space<vmem>>) semaphore(%arg15 : memref<!tpu.dma_semaphore, #tpu.memory_space<semaphore_mem>>) {add = true}
      %lt3A = arith.constant 19 : i32
      %lt3A_146 = arith.cmpi slt, %scan3A_119, %lt3A : i32
      %convert_element_type3A = arith.extui %lt3A_146 : i1 to i32
      %cond3A = arith.constant 0 : i32
      %cond3A_147 = arith.cmpi ne, %convert_element_type3A, %cond3A : i32
      scf.if %cond3A_147 {
        %dma_wait3A_241 = arith.constant 0 : i32
        %dma_wait3A_242 = arith.constant 0 : i32
        %dma_wait3A_243 = arith.constant 0 : i32
        %dma_wait3A_244 = tpu.memref_slice %arg8[%dma_wait3A_241, %dma_wait3A_242, %dma_wait3A_243] : memref<4x128x16xf32, #tpu.memory_space<vmem>> -> memref<1x128x16xf32, #tpu.memory_space<vmem>>
        %dma_wait3A_245 = tpu.memref_squeeze %dma_wait3A_244 : memref<1x128x16xf32, #tpu.memory_space<vmem>> -> memref<128x16xf32, #tpu.memory_space<vmem>>
        %dma_wait3A_246 = arith.constant 0 : i32
        %dma_wait3A_247 = tpu.memref_slice %arg7[%add3A_123, %dma_wait3A_246] : memref<80x128xi32, #tpu.memory_space<vmem>> -> memref<1x128xi32, #tpu.memory_space<vmem>>
        %dma_wait3A_248 = tpu.memref_squeeze %dma_wait3A_247 : memref<1x128xi32, #tpu.memory_space<vmem>> -> memref<128xi32, #tpu.memory_space<vmem>>
        %dma_wait3A_249 = arith.constant 0 : i32
        %dma_wait3A_250 = arith.constant 0 : i32
        %dma_wait3A_251 = tpu.memref_slice %arg10[%dma_wait3A_249, %dma_wait3A_250] : memref<10240x16xf32, #tpu.memory_space<vmem_shared>> -> memref<10240x16xf32, #tpu.memory_space<vmem_shared>>
        tpu.wait_indirect_dma semaphore(%arg15 : memref<!tpu.dma_semaphore, #tpu.memory_space<semaphore_mem>>) src(%dma_wait3A_245 : memref<128x16xf32, #tpu.memory_space<vmem>>) dst(%dma_wait3A_251 : memref<10240x16xf32, #tpu.memory_space<vmem_shared>>)
        %add3A_252 = arith.constant 4 : i32
        %add3A_253 = arith.addi %add3A_123, %add3A_252 : i32
        %dma_start3A_254 = arith.constant 0 : i32
        %dma_start3A_255 = arith.constant 0 : i32
        %dma_start3A_256 = arith.constant 0 : i32
        %dma_start3A_257 = tpu.memref_slice %arg8[%dma_start3A_254, %dma_start3A_255, %dma_start3A_256] : memref<4x128x16xf32, #tpu.memory_space<vmem>> -> memref<1x128x16xf32, #tpu.memory_space<vmem>>
        %dma_start3A_258 = tpu.memref_squeeze %dma_start3A_257 : memref<1x128x16xf32, #tpu.memory_space<vmem>> -> memref<128x16xf32, #tpu.memory_space<vmem>>
        %dma_start3A_259 = arith.constant 0 : i32
        %dma_start3A_260 = tpu.memref_slice %arg6[%add3A_253, %dma_start3A_259] : memref<80x128xi32, #tpu.memory_space<vmem>> -> memref<1x128xi32, #tpu.memory_space<vmem>>
        %dma_start3A_261 = tpu.memref_squeeze %dma_start3A_260 : memref<1x128xi32, #tpu.memory_space<vmem>> -> memref<128xi32, #tpu.memory_space<vmem>>
        %dma_start3A_262 = arith.constant 0 : i32
        %dma_start3A_263 = arith.constant 0 : i32
        %dma_start3A_264 = tpu.memref_slice %arg2[%dma_start3A_262, %dma_start3A_263] : memref<10240x16xf32, #tpu.memory_space<hbm>> -> memref<10240x16xf32, #tpu.memory_space<hbm>>
        tpu.enqueue_indirect_dma source(%dma_start3A_264 : memref<10240x16xf32, #tpu.memory_space<hbm>>) target(%dma_start3A_258 : memref<128x16xf32, #tpu.memory_space<vmem>>) offsets(%dma_start3A_261 : memref<128xi32, #tpu.memory_space<vmem>>) semaphore(%arg11 : memref<!tpu.dma_semaphore, #tpu.memory_space<semaphore_mem>>)
      } else {
      }
      %mul3A_148 = arith.constant 4 : i32
      %mul3A_149 = arith.muli %scan3A_119, %mul3A_148 : i32
      %add3A_150 = arith.constant 1 : i32
      %add3A_151 = arith.addi %mul3A_149, %add3A_150 : i32
      %dma_wait3A_152 = arith.constant 1 : i32
      %dma_wait3A_153 = arith.constant 0 : i32
      %dma_wait3A_154 = arith.constant 0 : i32
      %dma_wait3A_155 = tpu.memref_slice %arg8[%dma_wait3A_152, %dma_wait3A_153, %dma_wait3A_154] : memref<4x128x16xf32, #tpu.memory_space<vmem>> -> memref<1x128x16xf32, #tpu.memory_space<vmem>>
      %dma_wait3A_156 = tpu.memref_squeeze %dma_wait3A_155 : memref<1x128x16xf32, #tpu.memory_space<vmem>> -> memref<128x16xf32, #tpu.memory_space<vmem>>
      %dma_wait3A_157 = arith.constant 0 : i32
      %dma_wait3A_158 = tpu.memref_slice %arg6[%add3A_151, %dma_wait3A_157] : memref<80x128xi32, #tpu.memory_space<vmem>> -> memref<1x128xi32, #tpu.memory_space<vmem>>
      %dma_wait3A_159 = tpu.memref_squeeze %dma_wait3A_158 : memref<1x128xi32, #tpu.memory_space<vmem>> -> memref<128xi32, #tpu.memory_space<vmem>>
      %dma_wait3A_160 = arith.constant 0 : i32
      %dma_wait3A_161 = arith.constant 0 : i32
      %dma_wait3A_162 = tpu.memref_slice %arg2[%dma_wait3A_160, %dma_wait3A_161] : memref<10240x16xf32, #tpu.memory_space<hbm>> -> memref<10240x16xf32, #tpu.memory_space<hbm>>
      tpu.wait_indirect_dma semaphore(%arg12 : memref<!tpu.dma_semaphore, #tpu.memory_space<semaphore_mem>>) src(%dma_wait3A_162 : memref<10240x16xf32, #tpu.memory_space<hbm>>) dst(%dma_wait3A_156 : memref<128x16xf32, #tpu.memory_space<vmem>>)
      %dma_start3A_163 = arith.constant 1 : i32
      %dma_start3A_164 = arith.constant 0 : i32
      %dma_start3A_165 = arith.constant 0 : i32
      %dma_start3A_166 = tpu.memref_slice %arg8[%dma_start3A_163, %dma_start3A_164, %dma_start3A_165] : memref<4x128x16xf32, #tpu.memory_space<vmem>> -> memref<1x128x16xf32, #tpu.memory_space<vmem>>
      %dma_start3A_167 = tpu.memref_squeeze %dma_start3A_166 : memref<1x128x16xf32, #tpu.memory_space<vmem>> -> memref<128x16xf32, #tpu.memory_space<vmem>>
      %dma_start3A_168 = arith.constant 0 : i32
      %dma_start3A_169 = tpu.memref_slice %arg7[%add3A_151, %dma_start3A_168] : memref<80x128xi32, #tpu.memory_space<vmem>> -> memref<1x128xi32, #tpu.memory_space<vmem>>
      %dma_start3A_170 = tpu.memref_squeeze %dma_start3A_169 : memref<1x128xi32, #tpu.memory_space<vmem>> -> memref<128xi32, #tpu.memory_space<vmem>>
      %dma_start3A_171 = arith.constant 0 : i32
      %dma_start3A_172 = arith.constant 0 : i32
      %dma_start3A_173 = tpu.memref_slice %arg10[%dma_start3A_171, %dma_start3A_172] : memref<10240x16xf32, #tpu.memory_space<vmem_shared>> -> memref<10240x16xf32, #tpu.memory_space<vmem_shared>>
      tpu.enqueue_indirect_dma source(%dma_start3A_167 : memref<128x16xf32, #tpu.memory_space<vmem>>) target(%dma_start3A_173 : memref<10240x16xf32, #tpu.memory_space<vmem_shared>>) offsets(%dma_start3A_170 : memref<128xi32, #tpu.memory_space<vmem>>) semaphore(%arg16 : memref<!tpu.dma_semaphore, #tpu.memory_space<semaphore_mem>>) {add = true}
      %lt3A_174 = arith.constant 19 : i32
      %lt3A_175 = arith.cmpi slt, %scan3A_119, %lt3A_174 : i32
      %convert_element_type3A_176 = arith.extui %lt3A_175 : i1 to i32
      %cond3A_177 = arith.constant 0 : i32
      %cond3A_178 = arith.cmpi ne, %convert_element_type3A_176, %cond3A_177 : i32
      scf.if %cond3A_178 {
        %dma_wait3A_241 = arith.constant 1 : i32
        %dma_wait3A_242 = arith.constant 0 : i32
        %dma_wait3A_243 = arith.constant 0 : i32
        %dma_wait3A_244 = tpu.memref_slice %arg8[%dma_wait3A_241, %dma_wait3A_242, %dma_wait3A_243] : memref<4x128x16xf32, #tpu.memory_space<vmem>> -> memref<1x128x16xf32, #tpu.memory_space<vmem>>
        %dma_wait3A_245 = tpu.memref_squeeze %dma_wait3A_244 : memref<1x128x16xf32, #tpu.memory_space<vmem>> -> memref<128x16xf32, #tpu.memory_space<vmem>>
        %dma_wait3A_246 = arith.constant 0 : i32
        %dma_wait3A_247 = tpu.memref_slice %arg7[%add3A_151, %dma_wait3A_246] : memref<80x128xi32, #tpu.memory_space<vmem>> -> memref<1x128xi32, #tpu.memory_space<vmem>>
        %dma_wait3A_248 = tpu.memref_squeeze %dma_wait3A_247 : memref<1x128xi32, #tpu.memory_space<vmem>> -> memref<128xi32, #tpu.memory_space<vmem>>
        %dma_wait3A_249 = arith.constant 0 : i32
        %dma_wait3A_250 = arith.constant 0 : i32
        %dma_wait3A_251 = tpu.memref_slice %arg10[%dma_wait3A_249, %dma_wait3A_250] : memref<10240x16xf32, #tpu.memory_space<vmem_shared>> -> memref<10240x16xf32, #tpu.memory_space<vmem_shared>>
        tpu.wait_indirect_dma semaphore(%arg16 : memref<!tpu.dma_semaphore, #tpu.memory_space<semaphore_mem>>) src(%dma_wait3A_245 : memref<128x16xf32, #tpu.memory_space<vmem>>) dst(%dma_wait3A_251 : memref<10240x16xf32, #tpu.memory_space<vmem_shared>>)
        %add3A_252 = arith.constant 4 : i32
        %add3A_253 = arith.addi %add3A_151, %add3A_252 : i32
        %dma_start3A_254 = arith.constant 1 : i32
        %dma_start3A_255 = arith.constant 0 : i32
        %dma_start3A_256 = arith.constant 0 : i32
        %dma_start3A_257 = tpu.memref_slice %arg8[%dma_start3A_254, %dma_start3A_255, %dma_start3A_256] : memref<4x128x16xf32, #tpu.memory_space<vmem>> -> memref<1x128x16xf32, #tpu.memory_space<vmem>>
        %dma_start3A_258 = tpu.memref_squeeze %dma_start3A_257 : memref<1x128x16xf32, #tpu.memory_space<vmem>> -> memref<128x16xf32, #tpu.memory_space<vmem>>
        %dma_start3A_259 = arith.constant 0 : i32
        %dma_start3A_260 = tpu.memref_slice %arg6[%add3A_253, %dma_start3A_259] : memref<80x128xi32, #tpu.memory_space<vmem>> -> memref<1x128xi32, #tpu.memory_space<vmem>>
        %dma_start3A_261 = tpu.memref_squeeze %dma_start3A_260 : memref<1x128xi32, #tpu.memory_space<vmem>> -> memref<128xi32, #tpu.memory_space<vmem>>
        %dma_start3A_262 = arith.constant 0 : i32
        %dma_start3A_263 = arith.constant 0 : i32
        %dma_start3A_264 = tpu.memref_slice %arg2[%dma_start3A_262, %dma_start3A_263] : memref<10240x16xf32, #tpu.memory_space<hbm>> -> memref<10240x16xf32, #tpu.memory_space<hbm>>
        tpu.enqueue_indirect_dma source(%dma_start3A_264 : memref<10240x16xf32, #tpu.memory_space<hbm>>) target(%dma_start3A_258 : memref<128x16xf32, #tpu.memory_space<vmem>>) offsets(%dma_start3A_261 : memref<128xi32, #tpu.memory_space<vmem>>) semaphore(%arg12 : memref<!tpu.dma_semaphore, #tpu.memory_space<semaphore_mem>>)
      } else {
      }
      %mul3A_179 = arith.constant 4 : i32
      %mul3A_180 = arith.muli %scan3A_119, %mul3A_179 : i32
      %add3A_181 = arith.constant 2 : i32
      %add3A_182 = arith.addi %mul3A_180, %add3A_181 : i32
      %dma_wait3A_183 = arith.constant 2 : i32
      %dma_wait3A_184 = arith.constant 0 : i32
      %dma_wait3A_185 = arith.constant 0 : i32
      %dma_wait3A_186 = tpu.memref_slice %arg8[%dma_wait3A_183, %dma_wait3A_184, %dma_wait3A_185] : memref<4x128x16xf32, #tpu.memory_space<vmem>> -> memref<1x128x16xf32, #tpu.memory_space<vmem>>
      %dma_wait3A_187 = tpu.memref_squeeze %dma_wait3A_186 : memref<1x128x16xf32, #tpu.memory_space<vmem>> -> memref<128x16xf32, #tpu.memory_space<vmem>>
      %dma_wait3A_188 = arith.constant 0 : i32
      %dma_wait3A_189 = tpu.memref_slice %arg6[%add3A_182, %dma_wait3A_188] : memref<80x128xi32, #tpu.memory_space<vmem>> -> memref<1x128xi32, #tpu.memory_space<vmem>>
      %dma_wait3A_190 = tpu.memref_squeeze %dma_wait3A_189 : memref<1x128xi32, #tpu.memory_space<vmem>> -> memref<128xi32, #tpu.memory_space<vmem>>
      %dma_wait3A_191 = arith.constant 0 : i32
      %dma_wait3A_192 = arith.constant 0 : i32
      %dma_wait3A_193 = tpu.memref_slice %arg2[%dma_wait3A_191, %dma_wait3A_192] : memref<10240x16xf32, #tpu.memory_space<hbm>> -> memref<10240x16xf32, #tpu.memory_space<hbm>>
      tpu.wait_indirect_dma semaphore(%arg13 : memref<!tpu.dma_semaphore, #tpu.memory_space<semaphore_mem>>) src(%dma_wait3A_193 : memref<10240x16xf32, #tpu.memory_space<hbm>>) dst(%dma_wait3A_187 : memref<128x16xf32, #tpu.memory_space<vmem>>)
      %dma_start3A_194 = arith.constant 2 : i32
      %dma_start3A_195 = arith.constant 0 : i32
      %dma_start3A_196 = arith.constant 0 : i32
      %dma_start3A_197 = tpu.memref_slice %arg8[%dma_start3A_194, %dma_start3A_195, %dma_start3A_196] : memref<4x128x16xf32, #tpu.memory_space<vmem>> -> memref<1x128x16xf32, #tpu.memory_space<vmem>>
      %dma_start3A_198 = tpu.memref_squeeze %dma_start3A_197 : memref<1x128x16xf32, #tpu.memory_space<vmem>> -> memref<128x16xf32, #tpu.memory_space<vmem>>
      %dma_start3A_199 = arith.constant 0 : i32
      %dma_start3A_200 = tpu.memref_slice %arg7[%add3A_182, %dma_start3A_199] : memref<80x128xi32, #tpu.memory_space<vmem>> -> memref<1x128xi32, #tpu.memory_space<vmem>>
      %dma_start3A_201 = tpu.memref_squeeze %dma_start3A_200 : memref<1x128xi32, #tpu.memory_space<vmem>> -> memref<128xi32, #tpu.memory_space<vmem>>
      %dma_start3A_202 = arith.constant 0 : i32
      %dma_start3A_203 = arith.constant 0 : i32
      %dma_start3A_204 = tpu.memref_slice %arg10[%dma_start3A_202, %dma_start3A_203] : memref<10240x16xf32, #tpu.memory_space<vmem_shared>> -> memref<10240x16xf32, #tpu.memory_space<vmem_shared>>
      tpu.enqueue_indirect_dma source(%dma_start3A_198 : memref<128x16xf32, #tpu.memory_space<vmem>>) target(%dma_start3A_204 : memref<10240x16xf32, #tpu.memory_space<vmem_shared>>) offsets(%dma_start3A_201 : memref<128xi32, #tpu.memory_space<vmem>>) semaphore(%arg17 : memref<!tpu.dma_semaphore, #tpu.memory_space<semaphore_mem>>) {add = true}
      %lt3A_205 = arith.constant 19 : i32
      %lt3A_206 = arith.cmpi slt, %scan3A_119, %lt3A_205 : i32
      %convert_element_type3A_207 = arith.extui %lt3A_206 : i1 to i32
      %cond3A_208 = arith.constant 0 : i32
      %cond3A_209 = arith.cmpi ne, %convert_element_type3A_207, %cond3A_208 : i32
      scf.if %cond3A_209 {
        %dma_wait3A_241 = arith.constant 2 : i32
        %dma_wait3A_242 = arith.constant 0 : i32
        %dma_wait3A_243 = arith.constant 0 : i32
        %dma_wait3A_244 = tpu.memref_slice %arg8[%dma_wait3A_241, %dma_wait3A_242, %dma_wait3A_243] : memref<4x128x16xf32, #tpu.memory_space<vmem>> -> memref<1x128x16xf32, #tpu.memory_space<vmem>>
        %dma_wait3A_245 = tpu.memref_squeeze %dma_wait3A_244 : memref<1x128x16xf32, #tpu.memory_space<vmem>> -> memref<128x16xf32, #tpu.memory_space<vmem>>
        %dma_wait3A_246 = arith.constant 0 : i32
        %dma_wait3A_247 = tpu.memref_slice %arg7[%add3A_182, %dma_wait3A_246] : memref<80x128xi32, #tpu.memory_space<vmem>> -> memref<1x128xi32, #tpu.memory_space<vmem>>
        %dma_wait3A_248 = tpu.memref_squeeze %dma_wait3A_247 : memref<1x128xi32, #tpu.memory_space<vmem>> -> memref<128xi32, #tpu.memory_space<vmem>>
        %dma_wait3A_249 = arith.constant 0 : i32
        %dma_wait3A_250 = arith.constant 0 : i32
        %dma_wait3A_251 = tpu.memref_slice %arg10[%dma_wait3A_249, %dma_wait3A_250] : memref<10240x16xf32, #tpu.memory_space<vmem_shared>> -> memref<10240x16xf32, #tpu.memory_space<vmem_shared>>
        tpu.wait_indirect_dma semaphore(%arg17 : memref<!tpu.dma_semaphore, #tpu.memory_space<semaphore_mem>>) src(%dma_wait3A_245 : memref<128x16xf32, #tpu.memory_space<vmem>>) dst(%dma_wait3A_251 : memref<10240x16xf32, #tpu.memory_space<vmem_shared>>)
        %add3A_252 = arith.constant 4 : i32
        %add3A_253 = arith.addi %add3A_182, %add3A_252 : i32
        %dma_start3A_254 = arith.constant 2 : i32
        %dma_start3A_255 = arith.constant 0 : i32
        %dma_start3A_256 = arith.constant 0 : i32
        %dma_start3A_257 = tpu.memref_slice %arg8[%dma_start3A_254, %dma_start3A_255, %dma_start3A_256] : memref<4x128x16xf32, #tpu.memory_space<vmem>> -> memref<1x128x16xf32, #tpu.memory_space<vmem>>
        %dma_start3A_258 = tpu.memref_squeeze %dma_start3A_257 : memref<1x128x16xf32, #tpu.memory_space<vmem>> -> memref<128x16xf32, #tpu.memory_space<vmem>>
        %dma_start3A_259 = arith.constant 0 : i32
        %dma_start3A_260 = tpu.memref_slice %arg6[%add3A_253, %dma_start3A_259] : memref<80x128xi32, #tpu.memory_space<vmem>> -> memref<1x128xi32, #tpu.memory_space<vmem>>
        %dma_start3A_261 = tpu.memref_squeeze %dma_start3A_260 : memref<1x128xi32, #tpu.memory_space<vmem>> -> memref<128xi32, #tpu.memory_space<vmem>>
        %dma_start3A_262 = arith.constant 0 : i32
        %dma_start3A_263 = arith.constant 0 : i32
        %dma_start3A_264 = tpu.memref_slice %arg2[%dma_start3A_262, %dma_start3A_263] : memref<10240x16xf32, #tpu.memory_space<hbm>> -> memref<10240x16xf32, #tpu.memory_space<hbm>>
        tpu.enqueue_indirect_dma source(%dma_start3A_264 : memref<10240x16xf32, #tpu.memory_space<hbm>>) target(%dma_start3A_258 : memref<128x16xf32, #tpu.memory_space<vmem>>) offsets(%dma_start3A_261 : memref<128xi32, #tpu.memory_space<vmem>>) semaphore(%arg13 : memref<!tpu.dma_semaphore, #tpu.memory_space<semaphore_mem>>)
      } else {
      }
      %mul3A_210 = arith.constant 4 : i32
      %mul3A_211 = arith.muli %scan3A_119, %mul3A_210 : i32
      %add3A_212 = arith.constant 3 : i32
      %add3A_213 = arith.addi %mul3A_211, %add3A_212 : i32
      %dma_wait3A_214 = arith.constant 3 : i32
      %dma_wait3A_215 = arith.constant 0 : i32
      %dma_wait3A_216 = arith.constant 0 : i32
      %dma_wait3A_217 = tpu.memref_slice %arg8[%dma_wait3A_214, %dma_wait3A_215, %dma_wait3A_216] : memref<4x128x16xf32, #tpu.memory_space<vmem>> -> memref<1x128x16xf32, #tpu.memory_space<vmem>>
      %dma_wait3A_218 = tpu.memref_squeeze %dma_wait3A_217 : memref<1x128x16xf32, #tpu.memory_space<vmem>> -> memref<128x16xf32, #tpu.memory_space<vmem>>
      %dma_wait3A_219 = arith.constant 0 : i32
      %dma_wait3A_220 = tpu.memref_slice %arg6[%add3A_213, %dma_wait3A_219] : memref<80x128xi32, #tpu.memory_space<vmem>> -> memref<1x128xi32, #tpu.memory_space<vmem>>
      %dma_wait3A_221 = tpu.memref_squeeze %dma_wait3A_220 : memref<1x128xi32, #tpu.memory_space<vmem>> -> memref<128xi32, #tpu.memory_space<vmem>>
      %dma_wait3A_222 = arith.constant 0 : i32
      %dma_wait3A_223 = arith.constant 0 : i32
      %dma_wait3A_224 = tpu.memref_slice %arg2[%dma_wait3A_222, %dma_wait3A_223] : memref<10240x16xf32, #tpu.memory_space<hbm>> -> memref<10240x16xf32, #tpu.memory_space<hbm>>
      tpu.wait_indirect_dma semaphore(%arg14 : memref<!tpu.dma_semaphore, #tpu.memory_space<semaphore_mem>>) src(%dma_wait3A_224 : memref<10240x16xf32, #tpu.memory_space<hbm>>) dst(%dma_wait3A_218 : memref<128x16xf32, #tpu.memory_space<vmem>>)
      %dma_start3A_225 = arith.constant 3 : i32
      %dma_start3A_226 = arith.constant 0 : i32
      %dma_start3A_227 = arith.constant 0 : i32
      %dma_start3A_228 = tpu.memref_slice %arg8[%dma_start3A_225, %dma_start3A_226, %dma_start3A_227] : memref<4x128x16xf32, #tpu.memory_space<vmem>> -> memref<1x128x16xf32, #tpu.memory_space<vmem>>
      %dma_start3A_229 = tpu.memref_squeeze %dma_start3A_228 : memref<1x128x16xf32, #tpu.memory_space<vmem>> -> memref<128x16xf32, #tpu.memory_space<vmem>>
      %dma_start3A_230 = arith.constant 0 : i32
      %dma_start3A_231 = tpu.memref_slice %arg7[%add3A_213, %dma_start3A_230] : memref<80x128xi32, #tpu.memory_space<vmem>> -> memref<1x128xi32, #tpu.memory_space<vmem>>
      %dma_start3A_232 = tpu.memref_squeeze %dma_start3A_231 : memref<1x128xi32, #tpu.memory_space<vmem>> -> memref<128xi32, #tpu.memory_space<vmem>>
      %dma_start3A_233 = arith.constant 0 : i32
      %dma_start3A_234 = arith.constant 0 : i32
      %dma_start3A_235 = tpu.memref_slice %arg10[%dma_start3A_233, %dma_start3A_234] : memref<10240x16xf32, #tpu.memory_space<vmem_shared>> -> memref<10240x16xf32, #tpu.memory_space<vmem_shared>>
      tpu.enqueue_indirect_dma source(%dma_start3A_229 : memref<128x16xf32, #tpu.memory_space<vmem>>) target(%dma_start3A_235 : memref<10240x16xf32, #tpu.memory_space<vmem_shared>>) offsets(%dma_start3A_232 : memref<128xi32, #tpu.memory_space<vmem>>) semaphore(%arg18 : memref<!tpu.dma_semaphore, #tpu.memory_space<semaphore_mem>>) {add = true}
      %lt3A_236 = arith.constant 19 : i32
      %lt3A_237 = arith.cmpi slt, %scan3A_119, %lt3A_236 : i32
      %convert_element_type3A_238 = arith.extui %lt3A_237 : i1 to i32
      %cond3A_239 = arith.constant 0 : i32
      %cond3A_240 = arith.cmpi ne, %convert_element_type3A_238, %cond3A_239 : i32
      scf.if %cond3A_240 {
        %dma_wait3A_241 = arith.constant 3 : i32
        %dma_wait3A_242 = arith.constant 0 : i32
        %dma_wait3A_243 = arith.constant 0 : i32
        %dma_wait3A_244 = tpu.memref_slice %arg8[%dma_wait3A_241, %dma_wait3A_242, %dma_wait3A_243] : memref<4x128x16xf32, #tpu.memory_space<vmem>> -> memref<1x128x16xf32, #tpu.memory_space<vmem>>
        %dma_wait3A_245 = tpu.memref_squeeze %dma_wait3A_244 : memref<1x128x16xf32, #tpu.memory_space<vmem>> -> memref<128x16xf32, #tpu.memory_space<vmem>>
        %dma_wait3A_246 = arith.constant 0 : i32
        %dma_wait3A_247 = tpu.memref_slice %arg7[%add3A_213, %dma_wait3A_246] : memref<80x128xi32, #tpu.memory_space<vmem>> -> memref<1x128xi32, #tpu.memory_space<vmem>>
        %dma_wait3A_248 = tpu.memref_squeeze %dma_wait3A_247 : memref<1x128xi32, #tpu.memory_space<vmem>> -> memref<128xi32, #tpu.memory_space<vmem>>
        %dma_wait3A_249 = arith.constant 0 : i32
        %dma_wait3A_250 = arith.constant 0 : i32
        %dma_wait3A_251 = tpu.memref_slice %arg10[%dma_wait3A_249, %dma_wait3A_250] : memref<10240x16xf32, #tpu.memory_space<vmem_shared>> -> memref<10240x16xf32, #tpu.memory_space<vmem_shared>>
        tpu.wait_indirect_dma semaphore(%arg18 : memref<!tpu.dma_semaphore, #tpu.memory_space<semaphore_mem>>) src(%dma_wait3A_245 : memref<128x16xf32, #tpu.memory_space<vmem>>) dst(%dma_wait3A_251 : memref<10240x16xf32, #tpu.memory_space<vmem_shared>>)
        %add3A_252 = arith.constant 4 : i32
        %add3A_253 = arith.addi %add3A_213, %add3A_252 : i32
        %dma_start3A_254 = arith.constant 3 : i32
        %dma_start3A_255 = arith.constant 0 : i32
        %dma_start3A_256 = arith.constant 0 : i32
        %dma_start3A_257 = tpu.memref_slice %arg8[%dma_start3A_254, %dma_start3A_255, %dma_start3A_256] : memref<4x128x16xf32, #tpu.memory_space<vmem>> -> memref<1x128x16xf32, #tpu.memory_space<vmem>>
        %dma_start3A_258 = tpu.memref_squeeze %dma_start3A_257 : memref<1x128x16xf32, #tpu.memory_space<vmem>> -> memref<128x16xf32, #tpu.memory_space<vmem>>
        %dma_start3A_259 = arith.constant 0 : i32
        %dma_start3A_260 = tpu.memref_slice %arg6[%add3A_253, %dma_start3A_259] : memref<80x128xi32, #tpu.memory_space<vmem>> -> memref<1x128xi32, #tpu.memory_space<vmem>>
        %dma_start3A_261 = tpu.memref_squeeze %dma_start3A_260 : memref<1x128xi32, #tpu.memory_space<vmem>> -> memref<128xi32, #tpu.memory_space<vmem>>
        %dma_start3A_262 = arith.constant 0 : i32
        %dma_start3A_263 = arith.constant 0 : i32
        %dma_start3A_264 = tpu.memref_slice %arg2[%dma_start3A_262, %dma_start3A_263] : memref<10240x16xf32, #tpu.memory_space<hbm>> -> memref<10240x16xf32, #tpu.memory_space<hbm>>
        tpu.enqueue_indirect_dma source(%dma_start3A_264 : memref<10240x16xf32, #tpu.memory_space<hbm>>) target(%dma_start3A_258 : memref<128x16xf32, #tpu.memory_space<vmem>>) offsets(%dma_start3A_261 : memref<128xi32, #tpu.memory_space<vmem>>) semaphore(%arg14 : memref<!tpu.dma_semaphore, #tpu.memory_space<semaphore_mem>>)
      } else {
      }
    }
    %scan3A_64 = arith.constant 20 : i32
    %dma_wait3A = arith.constant 0 : i32
    %dma_wait3A_65 = arith.constant 76 : i32
    %dma_wait3A_66 = arith.constant 0 : i32
    %dma_wait3A_67 = arith.constant 0 : i32
    %dma_wait3A_68 = tpu.memref_slice %arg8[%dma_wait3A, %dma_wait3A_66, %dma_wait3A_67] : memref<4x128x16xf32, #tpu.memory_space<vmem>> -> memref<1x128x16xf32, #tpu.memory_space<vmem>>
    %dma_wait3A_69 = tpu.memref_squeeze %dma_wait3A_68 : memref<1x128x16xf32, #tpu.memory_space<vmem>> -> memref<128x16xf32, #tpu.memory_space<vmem>>
    %dma_wait3A_70 = arith.constant 0 : i32
    %dma_wait3A_71 = tpu.memref_slice %arg7[%dma_wait3A_65, %dma_wait3A_70] : memref<80x128xi32, #tpu.memory_space<vmem>> -> memref<1x128xi32, #tpu.memory_space<vmem>>
    %dma_wait3A_72 = tpu.memref_squeeze %dma_wait3A_71 : memref<1x128xi32, #tpu.memory_space<vmem>> -> memref<128xi32, #tpu.memory_space<vmem>>
    %dma_wait3A_73 = arith.constant 0 : i32
    %dma_wait3A_74 = arith.constant 0 : i32
    %dma_wait3A_75 = tpu.memref_slice %arg10[%dma_wait3A_73, %dma_wait3A_74] : memref<10240x16xf32, #tpu.memory_space<vmem_shared>> -> memref<10240x16xf32, #tpu.memory_space<vmem_shared>>
    tpu.wait_indirect_dma semaphore(%arg15 : memref<!tpu.dma_semaphore, #tpu.memory_space<semaphore_mem>>) src(%dma_wait3A_69 : memref<128x16xf32, #tpu.memory_space<vmem>>) dst(%dma_wait3A_75 : memref<10240x16xf32, #tpu.memory_space<vmem_shared>>)
    %dma_wait3A_76 = arith.constant 1 : i32
    %dma_wait3A_77 = arith.constant 77 : i32
    %dma_wait3A_78 = arith.constant 0 : i32
    %dma_wait3A_79 = arith.constant 0 : i32
    %dma_wait3A_80 = tpu.memref_slice %arg8[%dma_wait3A_76, %dma_wait3A_78, %dma_wait3A_79] : memref<4x128x16xf32, #tpu.memory_space<vmem>> -> memref<1x128x16xf32, #tpu.memory_space<vmem>>
    %dma_wait3A_81 = tpu.memref_squeeze %dma_wait3A_80 : memref<1x128x16xf32, #tpu.memory_space<vmem>> -> memref<128x16xf32, #tpu.memory_space<vmem>>
    %dma_wait3A_82 = arith.constant 0 : i32
    %dma_wait3A_83 = tpu.memref_slice %arg7[%dma_wait3A_77, %dma_wait3A_82] : memref<80x128xi32, #tpu.memory_space<vmem>> -> memref<1x128xi32, #tpu.memory_space<vmem>>
    %dma_wait3A_84 = tpu.memref_squeeze %dma_wait3A_83 : memref<1x128xi32, #tpu.memory_space<vmem>> -> memref<128xi32, #tpu.memory_space<vmem>>
    %dma_wait3A_85 = arith.constant 0 : i32
    %dma_wait3A_86 = arith.constant 0 : i32
    %dma_wait3A_87 = tpu.memref_slice %arg10[%dma_wait3A_85, %dma_wait3A_86] : memref<10240x16xf32, #tpu.memory_space<vmem_shared>> -> memref<10240x16xf32, #tpu.memory_space<vmem_shared>>
    tpu.wait_indirect_dma semaphore(%arg16 : memref<!tpu.dma_semaphore, #tpu.memory_space<semaphore_mem>>) src(%dma_wait3A_81 : memref<128x16xf32, #tpu.memory_space<vmem>>) dst(%dma_wait3A_87 : memref<10240x16xf32, #tpu.memory_space<vmem_shared>>)
    %dma_wait3A_88 = arith.constant 2 : i32
    %dma_wait3A_89 = arith.constant 78 : i32
    %dma_wait3A_90 = arith.constant 0 : i32
    %dma_wait3A_91 = arith.constant 0 : i32
    %dma_wait3A_92 = tpu.memref_slice %arg8[%dma_wait3A_88, %dma_wait3A_90, %dma_wait3A_91] : memref<4x128x16xf32, #tpu.memory_space<vmem>> -> memref<1x128x16xf32, #tpu.memory_space<vmem>>
    %dma_wait3A_93 = tpu.memref_squeeze %dma_wait3A_92 : memref<1x128x16xf32, #tpu.memory_space<vmem>> -> memref<128x16xf32, #tpu.memory_space<vmem>>
    %dma_wait3A_94 = arith.constant 0 : i32
    %dma_wait3A_95 = tpu.memref_slice %arg7[%dma_wait3A_89, %dma_wait3A_94] : memref<80x128xi32, #tpu.memory_space<vmem>> -> memref<1x128xi32, #tpu.memory_space<vmem>>
    %dma_wait3A_96 = tpu.memref_squeeze %dma_wait3A_95 : memref<1x128xi32, #tpu.memory_space<vmem>> -> memref<128xi32, #tpu.memory_space<vmem>>
    %dma_wait3A_97 = arith.constant 0 : i32
    %dma_wait3A_98 = arith.constant 0 : i32
    %dma_wait3A_99 = tpu.memref_slice %arg10[%dma_wait3A_97, %dma_wait3A_98] : memref<10240x16xf32, #tpu.memory_space<vmem_shared>> -> memref<10240x16xf32, #tpu.memory_space<vmem_shared>>
    tpu.wait_indirect_dma semaphore(%arg17 : memref<!tpu.dma_semaphore, #tpu.memory_space<semaphore_mem>>) src(%dma_wait3A_93 : memref<128x16xf32, #tpu.memory_space<vmem>>) dst(%dma_wait3A_99 : memref<10240x16xf32, #tpu.memory_space<vmem_shared>>)
    %dma_wait3A_100 = arith.constant 3 : i32
    %dma_wait3A_101 = arith.constant 79 : i32
    %dma_wait3A_102 = arith.constant 0 : i32
    %dma_wait3A_103 = arith.constant 0 : i32
    %dma_wait3A_104 = tpu.memref_slice %arg8[%dma_wait3A_100, %dma_wait3A_102, %dma_wait3A_103] : memref<4x128x16xf32, #tpu.memory_space<vmem>> -> memref<1x128x16xf32, #tpu.memory_space<vmem>>
    %dma_wait3A_105 = tpu.memref_squeeze %dma_wait3A_104 : memref<1x128x16xf32, #tpu.memory_space<vmem>> -> memref<128x16xf32, #tpu.memory_space<vmem>>
    %dma_wait3A_106 = arith.constant 0 : i32
    %dma_wait3A_107 = tpu.memref_slice %arg7[%dma_wait3A_101, %dma_wait3A_106] : memref<80x128xi32, #tpu.memory_space<vmem>> -> memref<1x128xi32, #tpu.memory_space<vmem>>
    %dma_wait3A_108 = tpu.memref_squeeze %dma_wait3A_107 : memref<1x128xi32, #tpu.memory_space<vmem>> -> memref<128xi32, #tpu.memory_space<vmem>>
    %dma_wait3A_109 = arith.constant 0 : i32
    %dma_wait3A_110 = arith.constant 0 : i32
    %dma_wait3A_111 = tpu.memref_slice %arg10[%dma_wait3A_109, %dma_wait3A_110] : memref<10240x16xf32, #tpu.memory_space<vmem_shared>> -> memref<10240x16xf32, #tpu.memory_space<vmem_shared>>
    tpu.wait_indirect_dma semaphore(%arg18 : memref<!tpu.dma_semaphore, #tpu.memory_space<semaphore_mem>>) src(%dma_wait3A_105 : memref<128x16xf32, #tpu.memory_space<vmem>>) dst(%dma_wait3A_111 : memref<10240x16xf32, #tpu.memory_space<vmem_shared>>)
    %barrier3A_112 = arith.constant 0 : index
    tpu.barrier barrier_id(%barrier3A_112)
    %scan3A_113 = arith.constant 0 : i32
    %scan3A_114 = arith.constant 0 : i32
    %scan3A_115 = arith.constant 10 : i32
    %scan3A_116 = arith.addi %scan3A_114, %scan3A_115 : i32
    %scan3A_117 = arith.constant 1 : i32
    scf.for %scan3A_119 = %scan3A_114 to %scan3A_116 step %scan3A_117  : i32 {
      %mul3A_120 = arith.constant 640 : i32
      %mul3A_121 = arith.muli %arg1, %mul3A_120 : i32
      %mul3A_122 = arith.constant 64 : i32
      %mul3A_123 = arith.muli %scan3A_119, %mul3A_122 : i32
      %add3A_124 = arith.addi %mul3A_121, %mul3A_123 : i32
      "tpu.region"() ({
        %run_scoped3A = tpu.sem_alloc : memref<!tpu.dma_semaphore, #tpu.memory_space<semaphore_mem>>
        %dma_start3A_130 = arith.constant 0 : i32
        %dma_start3A_131 = tpu.memref_slice %arg10[%add3A_124, %dma_start3A_130] : memref<10240x16xf32, #tpu.memory_space<vmem_shared>> -> memref<64x16xf32, #tpu.memory_space<vmem_shared>>
        %dma_start3A_132 = arith.constant 0 : i32
        %dma_start3A_133 = tpu.memref_slice %arg10[%add3A_124, %dma_start3A_132] : memref<10240x16xf32, #tpu.memory_space<vmem_shared>> -> memref<64x16xf32, #tpu.memory_space<vmem_shared>>
        tpu.enqueue_dma source(%dma_start3A_133 : memref<64x16xf32, #tpu.memory_space<vmem_shared>>) target(%arg9 : memref<64x16xf32, #tpu.memory_space<vmem>>) target_semaphore(%run_scoped3A : memref<!tpu.dma_semaphore, #tpu.memory_space<semaphore_mem>>)
        %dma_wait3A_134 = arith.constant 0 : i32
        %dma_wait3A_135 = tpu.memref_slice %arg10[%add3A_124, %dma_wait3A_134] : memref<10240x16xf32, #tpu.memory_space<vmem_shared>> -> memref<64x16xf32, #tpu.memory_space<vmem_shared>>
        %dma_wait3A_136 = arith.constant 0 : i32
        %dma_wait3A_137 = tpu.memref_slice %arg10[%add3A_124, %dma_wait3A_136] : memref<10240x16xf32, #tpu.memory_space<vmem_shared>> -> memref<64x16xf32, #tpu.memory_space<vmem_shared>>
        tpu.wait_dma2 semaphore(%run_scoped3A : memref<!tpu.dma_semaphore, #tpu.memory_space<semaphore_mem>>) src(%dma_wait3A_137 : memref<64x16xf32, #tpu.memory_space<vmem_shared>>) dst(%arg9 : memref<64x16xf32, #tpu.memory_space<vmem>>)
        tpu.yield
      }) : () -> ()
      %mul3A_125 = arith.constant 640 : i32
      %mul3A_126 = arith.muli %arg1, %mul3A_125 : i32
      %mul3A_127 = arith.constant 64 : i32
      %mul3A_128 = arith.muli %scan3A_119, %mul3A_127 : i32
      %add3A_129 = arith.addi %mul3A_126, %mul3A_128 : i32
      "tpu.region"() ({
        %run_scoped3A = tpu.sem_alloc : memref<!tpu.dma_semaphore, #tpu.memory_space<semaphore_mem>>
        %dma_start3A_130 = arith.constant 0 : i32
        %dma_start3A_131 = tpu.memref_slice %arg5[%arg0, %add3A_129, %dma_start3A_130] : memref<2x10240x16xf32, #tpu.memory_space<hbm>> -> memref<1x64x16xf32, #tpu.memory_space<hbm>>
        %dma_start3A_132 = tpu.memref_squeeze %dma_start3A_131 : memref<1x64x16xf32, #tpu.memory_space<hbm>> -> memref<64x16xf32, #tpu.memory_space<hbm>>
        %dma_start3A_133 = arith.constant 0 : i32
        %dma_start3A_134 = tpu.memref_slice %arg5[%arg0, %add3A_129, %dma_start3A_133] : memref<2x10240x16xf32, #tpu.memory_space<hbm>> -> memref<1x64x16xf32, #tpu.memory_space<hbm>>
        %dma_start3A_135 = tpu.memref_squeeze %dma_start3A_134 : memref<1x64x16xf32, #tpu.memory_space<hbm>> -> memref<64x16xf32, #tpu.memory_space<hbm>>
        tpu.enqueue_dma source(%arg9 : memref<64x16xf32, #tpu.memory_space<vmem>>) target(%dma_start3A_135 : memref<64x16xf32, #tpu.memory_space<hbm>>) target_semaphore(%run_scoped3A : memref<!tpu.dma_semaphore, #tpu.memory_space<semaphore_mem>>)
        %dma_wait3A_136 = arith.constant 0 : i32
        %dma_wait3A_137 = tpu.memref_slice %arg5[%arg0, %add3A_129, %dma_wait3A_136] : memref<2x10240x16xf32, #tpu.memory_space<hbm>> -> memref<1x64x16xf32, #tpu.memory_space<hbm>>
        %dma_wait3A_138 = tpu.memref_squeeze %dma_wait3A_137 : memref<1x64x16xf32, #tpu.memory_space<hbm>> -> memref<64x16xf32, #tpu.memory_space<hbm>>
        %dma_wait3A_139 = arith.constant 0 : i32
        %dma_wait3A_140 = tpu.memref_slice %arg5[%arg0, %add3A_129, %dma_wait3A_139] : memref<2x10240x16xf32, #tpu.memory_space<hbm>> -> memref<1x64x16xf32, #tpu.memory_space<hbm>>
        %dma_wait3A_141 = tpu.memref_squeeze %dma_wait3A_140 : memref<1x64x16xf32, #tpu.memory_space<hbm>> -> memref<64x16xf32, #tpu.memory_space<hbm>>
        tpu.wait_dma2 semaphore(%run_scoped3A : memref<!tpu.dma_semaphore, #tpu.memory_space<semaphore_mem>>) src(%arg9 : memref<64x16xf32, #tpu.memory_space<vmem>>) dst(%dma_wait3A_141 : memref<64x16xf32, #tpu.memory_space<hbm>>)
        tpu.yield
      }) : () -> ()
    }
    %scan3A_118 = arith.constant 10 : i32
    return
  }
}

module attributes {stable_mosaic.version = 14 : i64} {
  func.func @_tc_prep_body(%arg0: i32, %arg1: memref<1000x128xf32, #tpu.memory_space<vmem>>, %arg2: memref<128x16xf32, #tpu.memory_space<vmem>>, %arg3: memref<2x1000x16xf32, #tpu.memory_space<vmem>>, %arg4: memref<1000x16xf32, #tpu.memory_space<vmem>>, %arg5: memref<1000x16xf32, #tpu.memory_space<vmem>>) attributes {dimension_semantics = [#tpu.dimension_semantics<arbitrary>], iteration_bounds = array<i64: 10>, scalar_prefetch = 0 : i64, scratch_operands = 0 : i64, tpu.core_type = #tpu.core_type<tc>, window_params = [{transform_indices = @transform_0, window_bounds = array<i64: 1000, 128>}, {pipeline_mode = #tpu.pipeline_mode<synchronous>, transform_indices = @transform_1, window_bounds = array<i64: 128, 16>}, {transform_indices = @transform_2, window_bounds = array<i64: 2, 1000, 16>}, {transform_indices = @transform_3, window_bounds = array<i64: 1000, 16>}, {transform_indices = @transform_4, window_bounds = array<i64: 1000, 16>}]} {
    %get3A = arith.constant 0 : index
    %get3A_0 = arith.constant 0 : index
    %get3A_1 = arith.constant 0 : index
    %get3A_2 = vector.load %arg3[%get3A, %get3A_0, %get3A_1] : memref<2x1000x16xf32, #tpu.memory_space<vmem>>, vector<1x1000x16xf32>
    %get3A_3 = vector.shape_cast %get3A_2 : vector<1x1000x16xf32> to vector<1000x16xf32>
    %add3A = arith.constant 1.000000e+00 : f32
    %add3A_4 = vector.broadcast %add3A : f32 to vector<1000x16xf32>
    %add3A_5 = arith.addf %add3A_4, %get3A_3 : vector<1000x16xf32>
    %get3A_6 = arith.constant 1 : index
    %get3A_7 = arith.constant 0 : index
    %get3A_8 = arith.constant 0 : index
    %get3A_9 = vector.load %arg3[%get3A_6, %get3A_7, %get3A_8] : memref<2x1000x16xf32, #tpu.memory_space<vmem>>, vector<1x1000x16xf32>
    %get3A_10 = vector.shape_cast %get3A_9 : vector<1x1000x16xf32> to vector<1000x16xf32>
    %add3A_11 = arith.addf %add3A_5, %get3A_10 : vector<1000x16xf32>
    %rsqrt3A = math.rsqrt %add3A_11 : vector<1000x16xf32>
    %get3A_12 = arith.constant 0 : index
    %get3A_13 = arith.constant 0 : index
    %get3A_14 = vector.load %arg1[%get3A_12, %get3A_13] : memref<1000x128xf32, #tpu.memory_space<vmem>>, vector<1000x128xf32>
    %get3A_15 = arith.constant 0 : index
    %get3A_16 = arith.constant 0 : index
    %get3A_17 = vector.load %arg2[%get3A_15, %get3A_16] : memref<128x16xf32, #tpu.memory_space<vmem>>, vector<128x16xf32>
    %dot_general3A = arith.constant dense<0.000000e+00> : vector<1000x16xf32>
    %dot_general3A_18 = tpu.matmul %get3A_14, %get3A_17, %dot_general3A {dimension_numbers = #tpu.dot_dimension_numbers<[1], [0], [0], [1], [0, 0, 1, 1], [], []>, transpose_lhs_hint = false} : vector<1000x128xf32>, vector<128x16xf32>, vector<1000x16xf32> -> vector<1000x16xf32>
    %mul3A = arith.mulf %dot_general3A_18, %rsqrt3A : vector<1000x16xf32>
    %swap3A = arith.constant 0 : index
    %swap3A_19 = arith.constant 0 : index
    %swap3A_20 = vector.load %arg4[%swap3A, %swap3A_19] : memref<1000x16xf32, #tpu.memory_space<vmem>>, vector<1000x16xf32>
    tpu.vector_store %arg4[%swap3A, %swap3A_19], %mul3A {strides = array<i32>} : memref<1000x16xf32, #tpu.memory_space<vmem>>, vector<1000x16xf32>,
    %swap3A_21 = arith.constant 0 : index
    %swap3A_22 = arith.constant 0 : index
    %swap3A_23 = vector.load %arg5[%swap3A_21, %swap3A_22] : memref<1000x16xf32, #tpu.memory_space<vmem>>, vector<1000x16xf32>
    tpu.vector_store %arg5[%swap3A_21, %swap3A_22], %rsqrt3A {strides = array<i32>} : memref<1000x16xf32, #tpu.memory_space<vmem>>, vector<1000x16xf32>,
    return
  }
  func.func @transform_0(%arg0: i32) -> (i32, i32) {
    %c0_i32 = arith.constant 0 : i32
    %c0_i32_0 = arith.constant 0 : i32
    return %arg0, %c0_i32 : i32, i32
  }
  func.func @transform_1(%arg0: i32) -> (i32, i32) {
    %c0_i32 = arith.constant 0 : i32
    %c0_i32_0 = arith.constant 0 : i32
    %c0_i32_1 = arith.constant 0 : i32
    return %c0_i32, %c0_i32_0 : i32, i32
  }
  func.func @transform_2(%arg0: i32) -> (i32, i32, i32) {
    %c0_i32 = arith.constant 0 : i32
    %c0_i32_0 = arith.constant 0 : i32
    %c0_i32_1 = arith.constant 0 : i32
    return %c0_i32, %arg0, %c0_i32_0 : i32, i32, i32
  }
  func.func @transform_3(%arg0: i32) -> (i32, i32) {
    %c0_i32 = arith.constant 0 : i32
    %c0_i32_0 = arith.constant 0 : i32
    return %arg0, %c0_i32 : i32, i32
  }
  func.func @transform_4(%arg0: i32) -> (i32, i32) {
    %c0_i32 = arith.constant 0 : i32
    %c0_i32_0 = arith.constant 0 : i32
    return %arg0, %c0_i32 : i32, i32
  }
}

module attributes {stable_mosaic.version = 14 : i64} {
  func.func @_tc_mid_body(%arg0: i32, %arg1: memref<2x1000x16xf32, #tpu.memory_space<vmem>>, %arg2: memref<1000x16xf32, #tpu.memory_space<vmem>>, %arg3: memref<1000x16xf32, #tpu.memory_space<vmem>>, %arg4: memref<1x16xf32, #tpu.memory_space<vmem>>, %arg5: memref<1000x16xf32, #tpu.memory_space<vmem>>) attributes {dimension_semantics = [#tpu.dimension_semantics<arbitrary>], iteration_bounds = array<i64: 10>, scalar_prefetch = 0 : i64, scratch_operands = 0 : i64, tpu.core_type = #tpu.core_type<tc>, window_params = [{transform_indices = @transform_0, window_bounds = array<i64: 2, 1000, 16>}, {transform_indices = @transform_1, window_bounds = array<i64: 1000, 16>}, {transform_indices = @transform_2, window_bounds = array<i64: 1000, 16>}, {pipeline_mode = #tpu.pipeline_mode<synchronous>, transform_indices = @transform_3, window_bounds = array<i64: 1, 16>}, {transform_indices = @transform_4, window_bounds = array<i64: 1000, 16>}]} {
    %get3A = arith.constant 0 : index
    %get3A_0 = arith.constant 0 : index
    %get3A_1 = vector.load %arg3[%get3A, %get3A_0] : memref<1000x16xf32, #tpu.memory_space<vmem>>, vector<1000x16xf32>
    %get3A_2 = arith.constant 0 : index
    %get3A_3 = arith.constant 0 : index
    %get3A_4 = arith.constant 0 : index
    %get3A_5 = vector.load %arg1[%get3A_2, %get3A_3, %get3A_4] : memref<2x1000x16xf32, #tpu.memory_space<vmem>>, vector<1x1000x16xf32>
    %get3A_6 = vector.shape_cast %get3A_5 : vector<1x1000x16xf32> to vector<1000x16xf32>
    %get3A_7 = arith.constant 1 : index
    %get3A_8 = arith.constant 0 : index
    %get3A_9 = arith.constant 0 : index
    %get3A_10 = vector.load %arg1[%get3A_7, %get3A_8, %get3A_9] : memref<2x1000x16xf32, #tpu.memory_space<vmem>>, vector<1x1000x16xf32>
    %get3A_11 = vector.shape_cast %get3A_10 : vector<1x1000x16xf32> to vector<1000x16xf32>
    %add3A = arith.addf %get3A_6, %get3A_11 : vector<1000x16xf32>
    %get3A_12 = arith.constant 0 : index
    %get3A_13 = arith.constant 0 : index
    %get3A_14 = vector.load %arg2[%get3A_12, %get3A_13] : memref<1000x16xf32, #tpu.memory_space<vmem>>, vector<1000x16xf32>
    %add3A_15 = arith.addf %add3A, %get3A_14 : vector<1000x16xf32>
    %mul3A = arith.mulf %get3A_1, %add3A_15 : vector<1000x16xf32>
    %get3A_16 = arith.constant 0 : index
    %get3A_17 = arith.constant 0 : index
    %get3A_18 = vector.load %arg4[%get3A_16, %get3A_17] : memref<1x16xf32, #tpu.memory_space<vmem>>, vector<1x16xf32>
    %add3A_19 = vector.broadcast %get3A_18 : vector<1x16xf32> to vector<1000x16xf32>
    %add3A_20 = arith.addf %mul3A, %add3A_19 : vector<1000x16xf32>
    %max3A = arith.constant 0.000000e+00 : f32
    %max3A_21 = vector.broadcast %max3A : f32 to vector<1000x16xf32>
    %max3A_22 = arith.maximumf %add3A_20, %max3A_21 : vector<1000x16xf32>
    %mul3A_23 = arith.mulf %get3A_1, %max3A_22 : vector<1000x16xf32>
    %swap3A = arith.constant 0 : index
    %swap3A_24 = arith.constant 0 : index
    %swap3A_25 = vector.load %arg5[%swap3A, %swap3A_24] : memref<1000x16xf32, #tpu.memory_space<vmem>>, vector<1000x16xf32>
    tpu.vector_store %arg5[%swap3A, %swap3A_24], %mul3A_23 {strides = array<i32>} : memref<1000x16xf32, #tpu.memory_space<vmem>>, vector<1000x16xf32>,
    return
  }
  func.func @transform_0(%arg0: i32) -> (i32, i32, i32) {
    %c0_i32 = arith.constant 0 : i32
    %c0_i32_0 = arith.constant 0 : i32
    %c0_i32_1 = arith.constant 0 : i32
    return %c0_i32, %arg0, %c0_i32_0 : i32, i32, i32
  }
  func.func @transform_1(%arg0: i32) -> (i32, i32) {
    %c0_i32 = arith.constant 0 : i32
    %c0_i32_0 = arith.constant 0 : i32
    return %arg0, %c0_i32 : i32, i32
  }
  func.func @transform_2(%arg0: i32) -> (i32, i32) {
    %c0_i32 = arith.constant 0 : i32
    %c0_i32_0 = arith.constant 0 : i32
    return %arg0, %c0_i32 : i32, i32
  }
  func.func @transform_3(%arg0: i32) -> (i32, i32) {
    %c0_i32 = arith.constant 0 : i32
    %c0_i32_0 = arith.constant 0 : i32
    %c0_i32_1 = arith.constant 0 : i32
    return %c0_i32, %c0_i32_0 : i32, i32
  }
  func.func @transform_4(%arg0: i32) -> (i32, i32) {
    %c0_i32 = arith.constant 0 : i32
    %c0_i32_0 = arith.constant 0 : i32
    return %arg0, %c0_i32 : i32, i32
  }
}

module attributes {stable_mosaic.version = 14 : i64} {
  func.func @_tc_head_body(%arg0: i32, %arg1: memref<2x1000x16xf32, #tpu.memory_space<vmem>>, %arg2: memref<1000x16xf32, #tpu.memory_space<vmem>>, %arg3: memref<1000x16xf32, #tpu.memory_space<vmem>>, %arg4: memref<1000x32xf32, #tpu.memory_space<vmem>>, %arg5: memref<16x256xf32, #tpu.memory_space<vmem>>, %arg6: memref<1x256xf32, #tpu.memory_space<vmem>>, %arg7: memref<256x256xf32, #tpu.memory_space<vmem>>, %arg8: memref<1x256xf32, #tpu.memory_space<vmem>>, %arg9: memref<256x256xf32, #tpu.memory_space<vmem>>, %arg10: memref<1x256xf32, #tpu.memory_space<vmem>>, %arg11: memref<256x64xf32, #tpu.memory_space<vmem>>, %arg12: memref<1x64xf32, #tpu.memory_space<vmem>>, %arg13: memref<1000x32xf32, #tpu.memory_space<vmem>>, %arg14: memref<1000x1xf32, #tpu.memory_space<vmem>>) attributes {dimension_semantics = [#tpu.dimension_semantics<arbitrary>], iteration_bounds = array<i64: 10>, scalar_prefetch = 0 : i64, scratch_operands = 0 : i64, tpu.core_type = #tpu.core_type<tc>, window_params = [{transform_indices = @transform_0, window_bounds = array<i64: 2, 1000, 16>}, {transform_indices = @transform_1, window_bounds = array<i64: 1000, 16>}, {transform_indices = @transform_2, window_bounds = array<i64: 1000, 16>}, {transform_indices = @transform_3, window_bounds = array<i64: 1000, 32>}, {pipeline_mode = #tpu.pipeline_mode<synchronous>, transform_indices = @transform_4, window_bounds = array<i64: 16, 256>}, {pipeline_mode = #tpu.pipeline_mode<synchronous>, transform_indices = @transform_5, window_bounds = array<i64: 1, 256>}, {pipeline_mode = #tpu.pipeline_mode<synchronous>, transform_indices = @transform_6, window_bounds = array<i64: 256, 256>}, {pipeline_mode = #tpu.pipeline_mode<synchronous>, transform_indices = @transform_7, window_bounds = array<i64: 1, 256>}, {pipeline_mode = #tpu.pipeline_mode<synchronous>, transform_indices = @transform_8, window_bounds = array<i64: 256, 256>}, {pipeline_mode = #tpu.pipeline_mode<synchronous>, transform_indices = @transform_9, window_bounds = array<i64: 1, 256>}, {pipeline_mode = #tpu.pipeline_mode<synchronous>, transform_indices = @transform_10, window_bounds = array<i64: 256, 64>}, {pipeline_mode = #tpu.pipeline_mode<synchronous>, transform_indices = @transform_11, window_bounds = array<i64: 1, 64>}, {transform_indices = @transform_12, window_bounds = array<i64: 1000, 32>}, {transform_indices = @transform_13, window_bounds = array<i64: 1000, 1>}]} {
    %get3A = arith.constant 0 : index
    %get3A_0 = arith.constant 0 : index
    %get3A_1 = vector.load %arg3[%get3A, %get3A_0] : memref<1000x16xf32, #tpu.memory_space<vmem>>, vector<1000x16xf32>
    %get3A_2 = arith.constant 0 : index
    %get3A_3 = arith.constant 0 : index
    %get3A_4 = arith.constant 0 : index
    %get3A_5 = vector.load %arg1[%get3A_2, %get3A_3, %get3A_4] : memref<2x1000x16xf32, #tpu.memory_space<vmem>>, vector<1x1000x16xf32>
    %get3A_6 = vector.shape_cast %get3A_5 : vector<1x1000x16xf32> to vector<1000x16xf32>
    %get3A_7 = arith.constant 1 : index
    %get3A_8 = arith.constant 0 : index
    %get3A_9 = arith.constant 0 : index
    %get3A_10 = vector.load %arg1[%get3A_7, %get3A_8, %get3A_9] : memref<2x1000x16xf32, #tpu.memory_space<vmem>>, vector<1x1000x16xf32>
    %get3A_11 = vector.shape_cast %get3A_10 : vector<1x1000x16xf32> to vector<1000x16xf32>
    %add3A = arith.addf %get3A_6, %get3A_11 : vector<1000x16xf32>
    %get3A_12 = arith.constant 0 : index
    %get3A_13 = arith.constant 0 : index
    %get3A_14 = vector.load %arg2[%get3A_12, %get3A_13] : memref<1000x16xf32, #tpu.memory_space<vmem>>, vector<1000x16xf32>
    %add3A_15 = arith.addf %add3A, %get3A_14 : vector<1000x16xf32>
    %mul3A = arith.mulf %get3A_1, %add3A_15 : vector<1000x16xf32>
    %convert_element_type3A = arith.truncf %mul3A : vector<1000x16xf32> to vector<1000x16xbf16>
    %get3A_16 = arith.constant 0 : index
    %get3A_17 = arith.constant 0 : index
    %get3A_18 = vector.load %arg5[%get3A_16, %get3A_17] : memref<16x256xf32, #tpu.memory_space<vmem>>, vector<16x256xf32>
    %convert_element_type3A_19 = arith.truncf %get3A_18 : vector<16x256xf32> to vector<16x256xbf16>
    %dot_general3A = arith.constant dense<0.000000e+00> : vector<1000x256xf32>
    %dot_general3A_20 = tpu.matmul %convert_element_type3A, %convert_element_type3A_19, %dot_general3A {dimension_numbers = #tpu.dot_dimension_numbers<[1], [0], [0], [1], [0, 0, 1, 1], [], []>, transpose_lhs_hint = false} : vector<1000x16xbf16>, vector<16x256xbf16>, vector<1000x256xf32> -> vector<1000x256xf32>
    %get3A_21 = arith.constant 0 : index
    %get3A_22 = arith.constant 0 : index
    %get3A_23 = vector.load %arg6[%get3A_21, %get3A_22] : memref<1x256xf32, #tpu.memory_space<vmem>>, vector<1x256xf32>
    %add3A_24 = vector.broadcast %get3A_23 : vector<1x256xf32> to vector<1000x256xf32>
    %add3A_25 = arith.addf %dot_general3A_20, %add3A_24 : vector<1000x256xf32>
    %convert_element_type3A_26 = arith.truncf %add3A_25 : vector<1000x256xf32> to vector<1000x256xbf16>
    %get3A_27 = arith.constant 0 : index
    %get3A_28 = arith.constant 0 : index
    %get3A_29 = vector.load %arg7[%get3A_27, %get3A_28] : memref<256x256xf32, #tpu.memory_space<vmem>>, vector<256x256xf32>
    %convert_element_type3A_30 = arith.truncf %get3A_29 : vector<256x256xf32> to vector<256x256xbf16>
    %dot_general3A_31 = arith.constant dense<0.000000e+00> : vector<1000x256xf32>
    %dot_general3A_32 = tpu.matmul %convert_element_type3A_26, %convert_element_type3A_30, %dot_general3A_31 {dimension_numbers = #tpu.dot_dimension_numbers<[1], [0], [0], [1], [0, 0, 1, 1], [], []>, transpose_lhs_hint = false} : vector<1000x256xbf16>, vector<256x256xbf16>, vector<1000x256xf32> -> vector<1000x256xf32>
    %get3A_33 = arith.constant 0 : index
    %get3A_34 = arith.constant 0 : index
    %get3A_35 = vector.load %arg8[%get3A_33, %get3A_34] : memref<1x256xf32, #tpu.memory_space<vmem>>, vector<1x256xf32>
    %add3A_36 = vector.broadcast %get3A_35 : vector<1x256xf32> to vector<1000x256xf32>
    %add3A_37 = arith.addf %dot_general3A_32, %add3A_36 : vector<1000x256xf32>
    %max3A = arith.constant 0.000000e+00 : f32
    %max3A_38 = vector.broadcast %max3A : f32 to vector<1000x256xf32>
    %max3A_39 = arith.maximumf %add3A_37, %max3A_38 : vector<1000x256xf32>
    %convert_element_type3A_40 = arith.truncf %max3A_39 : vector<1000x256xf32> to vector<1000x256xbf16>
    %get3A_41 = arith.constant 0 : index
    %get3A_42 = arith.constant 0 : index
    %get3A_43 = vector.load %arg9[%get3A_41, %get3A_42] : memref<256x256xf32, #tpu.memory_space<vmem>>, vector<256x256xf32>
    %convert_element_type3A_44 = arith.truncf %get3A_43 : vector<256x256xf32> to vector<256x256xbf16>
    %dot_general3A_45 = arith.constant dense<0.000000e+00> : vector<1000x256xf32>
    %dot_general3A_46 = tpu.matmul %convert_element_type3A_40, %convert_element_type3A_44, %dot_general3A_45 {dimension_numbers = #tpu.dot_dimension_numbers<[1], [0], [0], [1], [0, 0, 1, 1], [], []>, transpose_lhs_hint = false} : vector<1000x256xbf16>, vector<256x256xbf16>, vector<1000x256xf32> -> vector<1000x256xf32>
    %get3A_47 = arith.constant 0 : index
    %get3A_48 = arith.constant 0 : index
    %get3A_49 = vector.load %arg10[%get3A_47, %get3A_48] : memref<1x256xf32, #tpu.memory_space<vmem>>, vector<1x256xf32>
    %add3A_50 = vector.broadcast %get3A_49 : vector<1x256xf32> to vector<1000x256xf32>
    %add3A_51 = arith.addf %dot_general3A_46, %add3A_50 : vector<1000x256xf32>
    %max3A_52 = arith.constant 0.000000e+00 : f32
    %max3A_53 = vector.broadcast %max3A_52 : f32 to vector<1000x256xf32>
    %max3A_54 = arith.maximumf %add3A_51, %max3A_53 : vector<1000x256xf32>
    %convert_element_type3A_55 = arith.truncf %max3A_54 : vector<1000x256xf32> to vector<1000x256xbf16>
    %get3A_56 = arith.constant 0 : index
    %get3A_57 = arith.constant 0 : index
    %get3A_58 = vector.load %arg11[%get3A_56, %get3A_57] : memref<256x64xf32, #tpu.memory_space<vmem>>, vector<256x64xf32>
    %convert_element_type3A_59 = arith.truncf %get3A_58 : vector<256x64xf32> to vector<256x64xbf16>
    %dot_general3A_60 = arith.constant dense<0.000000e+00> : vector<1000x64xf32>
    %dot_general3A_61 = tpu.matmul %convert_element_type3A_55, %convert_element_type3A_59, %dot_general3A_60 {dimension_numbers = #tpu.dot_dimension_numbers<[1], [0], [0], [1], [0, 0, 1, 1], [], []>, transpose_lhs_hint = false} : vector<1000x256xbf16>, vector<256x64xbf16>, vector<1000x64xf32> -> vector<1000x64xf32>
    %get3A_62 = arith.constant 0 : index
    %get3A_63 = arith.constant 0 : index
    %get3A_64 = vector.load %arg12[%get3A_62, %get3A_63] : memref<1x64xf32, #tpu.memory_space<vmem>>, vector<1x64xf32>
    %add3A_65 = vector.broadcast %get3A_64 : vector<1x64xf32> to vector<1000x64xf32>
    %add3A_66 = arith.addf %dot_general3A_61, %add3A_65 : vector<1000x64xf32>
    %slice3A = vector.extract_strided_slice %add3A_66 {offsets = [0, 0], sizes = [1000, 32], strides = [1, 1]} : vector<1000x64xf32> to vector<1000x32xf32>
    %slice3A_67 = vector.extract_strided_slice %add3A_66 {offsets = [0, 32], sizes = [1000, 32], strides = [1, 1]} : vector<1000x64xf32> to vector<1000x32xf32>
    %jit3A = arith.constant -2.000000e+01 : f32
    %jit3A_68 = arith.constant 2.000000e+00 : f32
    %max3A_69 = vector.broadcast %jit3A : f32 to vector<1000x32xf32>
    %max3A_70 = arith.maximumf %max3A_69, %slice3A_67 : vector<1000x32xf32>
    %min3A = vector.broadcast %jit3A_68 : f32 to vector<1000x32xf32>
    %min3A_71 = arith.minimumf %min3A, %max3A_70 : vector<1000x32xf32>
    %exp3A = math.exp %min3A_71 : vector<1000x32xf32>
    %get3A_72 = arith.constant 0 : index
    %get3A_73 = arith.constant 0 : index
    %get3A_74 = vector.load %arg4[%get3A_72, %get3A_73] : memref<1000x32xf32, #tpu.memory_space<vmem>>, vector<1000x32xf32>
    %mul3A_75 = arith.mulf %exp3A, %get3A_74 : vector<1000x32xf32>
    %add3A_76 = arith.addf %slice3A, %mul3A_75 : vector<1000x32xf32>
    %tanh3A = math.tanh %add3A_76 : vector<1000x32xf32>
    %swap3A = arith.constant 0 : index
    %swap3A_77 = arith.constant 0 : index
    %swap3A_78 = vector.load %arg13[%swap3A, %swap3A_77] : memref<1000x32xf32, #tpu.memory_space<vmem>>, vector<1000x32xf32>
    tpu.vector_store %arg13[%swap3A, %swap3A_77], %tanh3A {strides = array<i32>} : memref<1000x32xf32, #tpu.memory_space<vmem>>, vector<1000x32xf32>,
    %mul3A_79 = arith.constant 2.000000e+00 : f32
    %mul3A_80 = vector.broadcast %mul3A_79 : f32 to vector<1000x32xf32>
    %mul3A_81 = arith.mulf %mul3A_80, %add3A_76 : vector<1000x32xf32>
    %abs3A = math.absf %mul3A_81 : vector<1000x32xf32>
    %mul3A_82 = arith.constant -5.000000e-01 : f32
    %mul3A_83 = vector.broadcast %mul3A_82 : f32 to vector<1000x32xf32>
    %mul3A_84 = arith.mulf %mul3A_83, %get3A_74 : vector<1000x32xf32>
    %mul3A_85 = arith.mulf %mul3A_84, %get3A_74 : vector<1000x32xf32>
    %sub3A = arith.subf %mul3A_85, %min3A_71 : vector<1000x32xf32>
    %sub3A_86 = arith.constant 0.918938517 : f32
    %sub3A_87 = vector.broadcast %sub3A_86 : f32 to vector<1000x32xf32>
    %sub3A_88 = arith.subf %sub3A, %sub3A_87 : vector<1000x32xf32>
    %sub3A_89 = arith.constant 1.38629436 : f32
    %sub3A_90 = vector.broadcast %sub3A_89 : f32 to vector<1000x32xf32>
    %sub3A_91 = arith.subf %sub3A_88, %sub3A_90 : vector<1000x32xf32>
    %add3A_92 = arith.addf %sub3A_91, %abs3A : vector<1000x32xf32>
    %neg3A = arith.constant 0.000000e+00 : f32
    %neg3A_93 = vector.broadcast %neg3A : f32 to vector<1000x32xf32>
    %neg3A_94 = arith.subf %neg3A_93, %abs3A : vector<1000x32xf32>
    %exp3A_95 = math.exp %neg3A_94 : vector<1000x32xf32>
    %log1p3A = math.log1p %exp3A_95 : vector<1000x32xf32>
    %mul3A_96 = arith.constant 2.000000e+00 : f32
    %mul3A_97 = vector.broadcast %mul3A_96 : f32 to vector<1000x32xf32>
    %mul3A_98 = arith.mulf %mul3A_97, %log1p3A : vector<1000x32xf32>
    %add3A_99 = arith.addf %add3A_92, %mul3A_98 : vector<1000x32xf32>
    %reduce_sum3A = arith.constant dense<0.000000e+00> : vector<1000xf32>
    %reduce_sum3A_100 = vector.multi_reduction <add>, %add3A_99, %reduce_sum3A [1] : vector<1000x32xf32> to vector<1000xf32>
    %broadcast_in_dim3A = vector.shape_cast %reduce_sum3A_100 : vector<1000xf32> to vector<1000x1xf32>
    %swap3A_101 = arith.constant 0 : index
    %swap3A_102 = arith.constant 0 : index
    %swap3A_103 = vector.load %arg14[%swap3A_101, %swap3A_102] : memref<1000x1xf32, #tpu.memory_space<vmem>>, vector<1000x1xf32>
    tpu.vector_store %arg14[%swap3A_101, %swap3A_102], %broadcast_in_dim3A {strides = array<i32>} : memref<1000x1xf32, #tpu.memory_space<vmem>>, vector<1000x1xf32>,
    return
  }
  func.func @transform_0(%arg0: i32) -> (i32, i32, i32) {
    %c0_i32 = arith.constant 0 : i32
    %c0_i32_0 = arith.constant 0 : i32
    %c0_i32_1 = arith.constant 0 : i32
    return %c0_i32, %arg0, %c0_i32_0 : i32, i32, i32
  }
  func.func @transform_1(%arg0: i32) -> (i32, i32) {
    %c0_i32 = arith.constant 0 : i32
    %c0_i32_0 = arith.constant 0 : i32
    return %arg0, %c0_i32 : i32, i32
  }
  func.func @transform_2(%arg0: i32) -> (i32, i32) {
    %c0_i32 = arith.constant 0 : i32
    %c0_i32_0 = arith.constant 0 : i32
    return %arg0, %c0_i32 : i32, i32
  }
  func.func @transform_3(%arg0: i32) -> (i32, i32) {
    %c0_i32 = arith.constant 0 : i32
    %c0_i32_0 = arith.constant 0 : i32
    return %arg0, %c0_i32 : i32, i32
  }
  func.func @transform_4(%arg0: i32) -> (i32, i32) {
    %c0_i32 = arith.constant 0 : i32
    %c0_i32_0 = arith.constant 0 : i32
    %c0_i32_1 = arith.constant 0 : i32
    return %c0_i32, %c0_i32_0 : i32, i32
  }
  func.func @transform_5(%arg0: i32) -> (i32, i32) {
    %c0_i32 = arith.constant 0 : i32
    %c0_i32_0 = arith.constant 0 : i32
    %c0_i32_1 = arith.constant 0 : i32
    return %c0_i32, %c0_i32_0 : i32, i32
  }
  func.func @transform_6(%arg0: i32) -> (i32, i32) {
    %c0_i32 = arith.constant 0 : i32
    %c0_i32_0 = arith.constant 0 : i32
    %c0_i32_1 = arith.constant 0 : i32
    return %c0_i32, %c0_i32_0 : i32, i32
  }
  func.func @transform_7(%arg0: i32) -> (i32, i32) {
    %c0_i32 = arith.constant 0 : i32
    %c0_i32_0 = arith.constant 0 : i32
    %c0_i32_1 = arith.constant 0 : i32
    return %c0_i32, %c0_i32_0 : i32, i32
  }
  func.func @transform_8(%arg0: i32) -> (i32, i32) {
    %c0_i32 = arith.constant 0 : i32
    %c0_i32_0 = arith.constant 0 : i32
    %c0_i32_1 = arith.constant 0 : i32
    return %c0_i32, %c0_i32_0 : i32, i32
  }
  func.func @transform_9(%arg0: i32) -> (i32, i32) {
    %c0_i32 = arith.constant 0 : i32
    %c0_i32_0 = arith.constant 0 : i32
    %c0_i32_1 = arith.constant 0 : i32
    return %c0_i32, %c0_i32_0 : i32, i32
  }
  func.func @transform_10(%arg0: i32) -> (i32, i32) {
    %c0_i32 = arith.constant 0 : i32
    %c0_i32_0 = arith.constant 0 : i32
    %c0_i32_1 = arith.constant 0 : i32
    return %c0_i32, %c0_i32_0 : i32, i32
  }
  func.func @transform_11(%arg0: i32) -> (i32, i32) {
    %c0_i32 = arith.constant 0 : i32
    %c0_i32_0 = arith.constant 0 : i32
    %c0_i32_1 = arith.constant 0 : i32
    return %c0_i32, %c0_i32_0 : i32, i32
  }
  func.func @transform_12(%arg0: i32) -> (i32, i32) {
    %c0_i32 = arith.constant 0 : i32
    %c0_i32_0 = arith.constant 0 : i32
    return %arg0, %c0_i32 : i32, i32
  }
  func.func @transform_13(%arg0: i32) -> (i32, i32) {
    %c0_i32 = arith.constant 0 : i32
    %c0_i32_0 = arith.constant 0 : i32
    return %arg0, %c0_i32 : i32, i32
  }
}

</mosaic_0001>

<sc_bundles>
// kernel: kernel.11.cloned.1.call-start
scs
__scs_entry_jumppad:
0x0: {  	(pc) =	sbr.rel $0x88, $3  }
0x1: {  	(tag) =	ssettag $0x0;
	lr =	simm.s32 $0x1  }
0x2: {  	[smem:$0x3F94] =	sst lr;
	_ =	strace $0xD0000000  }
0x3: {  	_ = 	snop  }
0x4: {  	_ = 	snop  }
0x5: {  	_ = 	snop  }
0x6: {  	_ = 	snop  }
0x7: {  	_ = 	snop  }
__scs_overlays_trampoline_lowered:
0x8: {  	[smem:$0x3FA3] =	sst s0  }
0x9: {  	[smem:$0x3FA4] =	sst s1  }
0xa: {  	[smem:$0x3FA5] =	sst s2  }
0xb: {  	[smem:$0x3FA6] =	sst s3  }
0xc: {  	[smem:$0x3FA7] =	sst s4  }
0xd: {  	[smem:$0x3FA8] =	sst s5  }
0xe: {  	[smem:$0x3FA9] =	sst s6  }
0xf: {  	[smem:$0x3FAA] =	sst s7  }
0x10: {  	[smem:$0x3FAB] =	sst s8  }
0x11: {  	[smem:$0x3FAC] =	sst s9;
	s0 =	simm.s32 @!p0 $0x0  }
0x12: {  	s1 =	sld [smem:$0x3F92];
	s0 =	simm.s32 @p0 $0x1  }
0x13: {  	[smem:$0x3FAD] =	sst s0;
	s0 =	simm.s32 @!p1 $0x0  }
0x14: {  	s2 =	sld [smem:$0x3F91];
	s0 =	simm.s32 @p1 $0x1  }
0x15: {  	[smem:$0x3FAE] =	sst s0;
	s0 =	simm.s32 @!p2 $0x0  }
0x16: {  	s3 =	sld [smem:$0x3FDB];
	s0 =	simm.s32 @p2 $0x1  }
0x17: {  	s4 =	simm.s32 $0x1BF5;
	[smem:$0x3FB0] =	sst s0  }
0x18: {  	s0 =	sld [smem:$0x3F93];
	_ =	swait.ge [sflag:s4], $0x0  }
0x19: {  	s7 =	sld [smem:$0x3F94]  }
0x1a: {  	s8 =	sadd.s32 $0xFFFFE003, lr  }
0x1b: {  	s9 =	sadd.s32 $0xFFFFFEF7, lr;
	s5 =	simm.s32 $0xFFFFFFFF;
	p2 =	slt.u32 s8, $0xFFFFF086  }
0x1c: {  	p1 =	slt.u32 s9, $0xF7A;
	s5 =	simm.s32 @!p2 $0x0  }
0x1d: {  	s5 =	simm.s32 @p1 $0x1;
	p0 =	seq.s32 s7, s2  }
0x1e: {  	s7 =	smul.u32 @!p0 $0xF7A, s2;
	p2 =	seq.s32 @!p0 s5, $0x0  }
0x1f: {  	s9 =	smul.u32 $0xF7A, s1;
	s8 =	simm.s32 @!p0 $0x1BF5;
	p2 =	por !p2, p0  }
0x20: {  	[sflag:s8] =	ssyncset.s32 @!p0 $0xFFFFF086;
	s6 =	sadd.s32 @!p0 s3, s7;
	s7 =	simm.s32 @!p0 $0x108  }
0x21: {  	s3 =	sadd.s32 s3, s9;
	s6 =	sadd.s32 @!p0 $0x88, s6;
	s7 =	simm.s32 @p2 $0x1082  }
0x22: {  	[simem:s7], [sflag:s8] =	dma.local @!p0 [hbm:s6], $0xF7A  }
0x23: {  	s9 =	sor.u32 $0xD0000000, s2;
	s6 =	simm.s32 $0x108;
	_ =	swait.ge @!p0 [sflag:s8], $0x0  }
0x24: {  	s3 =	sadd.s32 $0x88, s3;
	s6 =	simm.s32 @!p1 $0x1082;
	[sflag:s4] =	ssyncset.s32 $0xFFFFF086  }
0x25: {  	[simem:s6], [sflag:s4] =	dma.local [hbm:s3], $0xF7A  }
0x26: {  	[smem:$0x3F94] =	sst s1;
	(tag) =	ssettag s2;
	_ =	strace s9  }
0x27: {  	s1 =	sld [smem:$0x3FA4]  }
0x28: {  	s2 =	sld [smem:$0x3FA5]  }
0x29: {  	s4 =	sld [smem:$0x3FA7]  }
0x2a: {  	p0 =	seq.s32 s5, $0x0;
	s5 =	sld [smem:$0x3FA8]  }
0x2b: {  	s6 =	sld [smem:$0x3FA9]  }
0x2c: {  	s7 =	sld [smem:$0x3FAA]  }
0x2d: {  	s3 =	simm.s32 $0x108;
	s8 =	sld [smem:$0x3FAB]  }
0x2e: {  	s3 =	simm.s32 @!p0 $0x1082;
	s9 =	sld [smem:$0x3FAC]  }
0x2f: {  	lr =	sadd.s32 s0, s3;
	s0 =	sld [smem:$0x3FA3]  }
0x30: {  	s3 =	sld [smem:$0x3FA6]  }
0x31: {  	[smem:$0x3FAF] =	sst s10  }
0x32: {  	s10 =	sld [smem:$0x3FAD];
	_ =	sdelay $0x3  }
0x33: {  	p0 =	seq.s32 s10, $0x1;
	s10 =	sld [smem:$0x3FAF];
	_ =	sdelay $0x3  }
0x34: {  	[smem:$0x3FAF] =	sst s10  }
0x35: {  	s10 =	sld [smem:$0x3FAE];
	_ =	sdelay $0x3  }
0x36: {  	p1 =	seq.s32 s10, $0x1;
	s10 =	sld [smem:$0x3FAF];
	_ =	sdelay $0x3  }
0x37: {  	[smem:$0x3FAF] =	sst s10  }
0x38: {  	s10 =	sld [smem:$0x3FB0]  }
0x39: {  	_ = 	snop;
	(pc) =	sbr.ind lr, $3  }
0x3a: {  	_ = 	snop  }
0x3b: {  	_ = 	snop  }
0x3c: {  	p2 =	seq.s32 s10, $0x1;
	s10 =	sld [smem:$0x3FAF]  }
0x3d: {  	_ =	shalt  }
0x3e: {  	_ =	shalt  }
0x3f: {  	_ =	shalt  }
0x40: {  	_ =	shalt  }
0x41: {  	_ =	shalt  }
0x42: {  	_ =	shalt  }
0x43: {  	_ =	shalt  }
0x44: {  	_ =	shalt  }
0x45: {  	_ =	shalt  }
0x46: {  	_ =	shalt  }
0x47: {  	_ =	shalt  }
0x48: {  	_ =	shalt  }
0x49: {  	_ =	shalt  }
0x4a: {  	_ =	shalt  }
0x4b: {  	_ =	shalt  }
0x4c: {  	_ =	shalt  }
0x4d: {  	_ =	shalt  }
0x4e: {  	_ =	shalt  }
0x4f: {  	_ =	shalt  }
0x50: {  	_ =	shalt  }
0x51: {  	_ =	shalt  }
0x52: {  	_ =	shalt  }
0x53: {  	_ =	shalt  }
0x54: {  	_ =	shalt  }
0x55: {  	_ =	shalt  }
0x56: {  	_ =	shalt  }
0x57: {  	_ =	shalt  }
0x58: {  	_ =	shalt  }
0x59: {  	_ =	shalt  }
0x5a: {  	_ =	shalt  }
0x5b: {  	_ =	shalt  }
0x5c: {  	_ =	shalt  }
0x5d: {  	_ =	shalt  }
0x5e: {  	_ =	shalt  }
0x5f: {  	_ =	shalt  }
0x60: {  	_ =	shalt  }
0x61: {  	_ =	shalt  }
0x62: {  	_ =	shalt  }
0x63: {  	_ =	shalt  }
0x64: {  	_ =	shalt  }
0x65: {  	_ =	shalt  }
0x66: {  	_ =	shalt  }
0x67: {  	_ =	shalt  }
0x68: {  	_ =	shalt  }
0x69: {  	_ =	shalt  }
0x6a: {  	_ =	shalt  }
0x6b: {  	_ =	shalt  }
0x6c: {  	_ =	shalt  }
0x6d: {  	_ =	shalt  }
0x6e: {  	_ =	shalt  }
0x6f: {  	_ =	shalt  }
0x70: {  	_ =	shalt  }
0x71: {  	_ =	shalt  }
0x72: {  	_ =	shalt  }
0x73: {  	_ =	shalt  }
0x74: {  	_ =	shalt  }
0x75: {  	_ =	shalt  }
0x76: {  	_ =	shalt  }
0x77: {  	_ =	shalt  }
0x78: {  	_ =	shalt  }
0x79: {  	_ =	shalt  }
0x7a: {  	_ =	shalt  }
0x7b: {  	_ =	shalt  }
0x7c: {  	_ =	shalt  }
0x7d: {  	_ =	shalt  }
0x7e: {  	_ =	shalt  }
0x7f: {  	_ =	shalt  }
0x80: {  	_ =	shalt  }
0x81: {  	_ =	shalt  }
0x82: {  	_ =	shalt  }
0x83: {  	_ =	shalt  }
0x84: {  	_ =	shalt  }
0x85: {  	_ =	shalt  }
0x86: {  	_ =	shalt  }
0x87: {  	_ =	shalt  }
.Lfunc_end0:
.L_simem_size_0:
called_computation.1_lowered:
.L_overlay_start_0:
0x88: {  	s2 =	sld [smem:$0x3FD9]  }
0x89: {  	s3 =	sld [smem:$0x3FFE];
	_ =	sdelay $0x1  }
0x8a: {  	s1 =	srdreg.scid  }
0x8b: {  	s0 =	sand.u32 $0x1, s1  }
0x8c: {  	s14 =	sshll.u32 s0, $0xA;
	s2 =	sadd.s32 s3, s2  }
0x8d: {  	s2 =	sadd.s32 s2, s14  }
0x8e: {  	[smem:$0x3FBB] =	sst s2  }
0x8f: {  	_ = 	snop  }
0x90: {  	s2 =	sld [smem:$0x3FD0];
	_ =	sdelay $0x2  }
0x91: {  	s15 =	simm.s32 $0xA;
	s4 =	simm.s32 $0x10  }
0x92: {  	[smem:s4], [sflag:s15] =	dma.local [hbm:s2], $0x1  }
0x93: {  	_ =	swait.eq [sflag:s15], $0x1  }
0x94: {  	[sflag:s15] =	ssyncset.done $0x0  }
0x95: {  	[sflag:s15] =	ssyncadd.s32 $0xFFFFFFFF  }
0x96: {  	s16 =	sld [smem:$0x10];
	(tm) =	ssettm $0x1  }
0x97: {  	s17 =	sld [smem:$0x3FFB];
	_ =	sdelay $0x3  }
0x98: {  	_ =	strace s17  }
0x99: {  	s3 =	sld [smem:$0x3FFC];
	_ =	sdelay $0x3  }
0x9a: {  	_ =	strace s3  }
0x9b: {  	s3 =	sld [smem:$0x3FFD];
	_ =	sdelay $0x3  }
0x9c: {  	_ =	strace s3  }
0x9d: {  	_ =	strace $0x8FFFFFFF  }
0x9e: {  	s18 =	sld [smem:$0x3FDB];
	_ =	sdelay $0x1  }
0x9f: {  	s19 =	simm.s32 $_scs_section_size  }
0xa0: {  	s5 =	simm.s32 $_size__tile_overlayer_lowered;
	s6 =	simm.s32 $_tile_overlayer_lowered  }
0xa1: {  	s22 =	simm.s32 $0x1BFF;
	s21 =	sshll.u32 s6, $0x1;
	s3 =	sadd.s32 s19, s18  }
0xa2: {  	s7 =	simm.s32 $0x0;
	s20 =	sshll.u32 s5, $0x1;
	s5 =	sadd.s32 s21, s3  }
0xa3: {  	[timem:s7], [sflag:s22] =	dma.local [hbm:s5], s20  }
0xa4: {  	_ =	swait.ge [sflag:s22], s20  }
0xa5: {  	s4 =	ssub.s32 $0x0, s20;
	[sflag:s22] =	ssyncset.done $0x0  }
0xa6: {  	[sflag:s22] =	ssyncadd.s32 s4;
	_ =	sdelay $0x1  }
0xa7: {  	s23 =	simm.s32 $0x1B8B  }
0xa8: {  	_ =	swait.ge [sflag:s23], $0x1  }
0xa9: {  	[sflag:s23] =	ssyncset.done $0x0  }
0xaa: {  	s25 =	simm.s32 $0x1B8E;
	s24 =	sld [smem:$0x3FFE];
	[sflag:s23] =	ssyncadd.s32 $0xFFFFFFFF  }
0xab: {  	s26 =	simm.s32 $execute0_lowered;
	[smem:$0x3FD2] =	sst s25  }
0xac: {  	s5 =	sshll.u32 s26, $0x1;
	_ =	strace $0x80000049;
	[dreg:$0x1] =	wrdreg $0xFFFFFFFF  }
0xad: {  	s28 =	simm.s32 $_size_execute0_lowered;
	s3 =	sadd.s32 s3, s5;
	[dreg:$0x0] =	wrdreg $0x0  }
0xae: {  	s5 =	sshll.u32 s28, $0x1;
	[dreg:$0x2] =	wrdreg s3  }
0xaf: {  	[dreg:$0x3] =	wrdreg s5  }
0xb0: {  	[dreg:$0x4] =	wrdreg $0xC0  }
0xb1: {  	_ =	task [dreg:s7], $0x5FFFF  }
0xb2: {  	[dreg:$0x1] =	wrdreg $0xFFFFFFFF  }
0xb3: {  	[dreg:$0x0] =	wrdreg $0x60  }
0xb4: {  	[dreg:$0x2] =	wrdreg s16  }
0xb5: {  	[dreg:$0x3] =	wrdreg s24  }
0xb6: {  	[dreg:$0x4] =	wrdreg $0x74000  }
0xb7: {  	[dreg:$0x5] =	wrdreg $0x9  }
0xb8: {  	_ =	task.clear_ibuf [dreg:s7], $0x6FFFF;
	_ =	strace $0x90000049  }
0xb9: {  	s29 =	simm.s32 $0x9;
	_ =	strace $0x8000004B  }
0xba: {  	_ =	swait.ge [sflag:s29], $0x1  }
0xbb: {  	[sflag:s29] =	ssyncadd.s32 $0xFFFFFFFF  }
0xbc: {  	_ =	strace $0x9000004B  }
0xbd: {  	_ =	sfence  }
0xbe: {  	s30 =	sld [smem:$0x0];
	_ =	sdelay $0x2  }
0xbf: {  	s31 =	sshll.u32 s1, $0xD;
	s1 =	sshrl.u32 s1, $0x2  }
0xc0: {  	s3 =	sand.u32 $0x4000, s31;
	s1 =	sadd.s32 s1, s30  }
0xc1: {  	s0 =	sor.u32 s3, s0;
	s1 =	sshll.u32 s1, $0x11  }
0xc2: {  	s0 =	sor.u32 s1, s0  }
0xc3: {  	s0 =	sadd.s32 $0x8F2B, s0  }
0xc4: {  	[sflag:s0] =	ssyncadd.remote.s32 $0x1  }
0xc5: {  	_ =	sfence.sel $0xFFFF  }
0xc6: {  	[dreg:$0x0] =	wrdreg $0xFFFFFFFF;
	(pc) =	sbr.abs _section_cstart, $3  }
0xc7: {  	[dreg:$0x1] =	wrdreg $0xFFFFFFFF  }
0xc8: {  	_ =	task.clear_ibuf [dreg:s7], $0x2FFFF;
	_ =	strace $0x9FFFFFFF  }
0xc9: {  	(tm) =	ssettm $0x7FFFFFFF  }
tec
execute0_lowered:
.L_overlay_start_1:
0x0: {  	(tag) =	ssettag $0x1  }
0x1: {  	s0 =	srdreg.scid  }
0x2: {  	s8 =	stileid.u32;
	s1 =	rddreg [dreg:$0x0]  }
0x3: {  	s4 =	rddreg [dreg:$0x1];
	s0 =	sand.u32 $0x1, s0;
	s5 =	smul.u32 $0x2800, s8  }
0x4: {  	s2 =	sshll.u32 s0, $0x4;
	s6 =	ssub.s32 $0x2, s0;
	s0 =	smul.u32 $0x28000, s0  }
0x5: {  	s3 =	sor.u32 s8, s2;
	s2 =	simm.s32 $0x0;
	s7 =	sshrl.u32 s6, $0x1  }
0x6: {  	s8 =	smul.u32 $0xA000, s8;
	s9 =	sor.u32 $0x400, s5;
	s11 =	sadd.s32 $0xC00, s5  }
0x7: {  	s13 =	sadd.s32 $0x1000, s5;
	s14 =	sadd.s32 $0x1400, s5;
	s16 =	sadd.s32 $0x1800, s5  }
0x8: {  	s3 =	smul.u32 $0x500, s3;
	[smem:$0x7FF] =	sst s2;
	s6 =	ssub.s32 s6, s7  }
0x9: {  	s17 =	sadd.s32 s0, s5;
	s10 =	sadd.s32 s0, s9;
	s12 =	sadd.s32 s0, s11  }
0xa: {  	s21 =	sadd.s32 s0, s13;
	s23 =	sadd.s32 s0, s14;
	s24 =	sadd.s32 s0, s16  }
0xb: {  	s8 =	sshrl.u32 s8, $0x2;
	s7 =	sshrl.u32 s17, $0x3;
	s18 =	sshrl.u32 s10, $0x3  }
0xc: {  	s10 =	sadd.s32 $0x800, s5;
	s3 =	sadd.s32 s3, s4;
	s4 =	sadd.s32 $0xC800, s4  }
0xd: {  	s20 =	sshrl.u32 s12, $0x3;
	s22 =	sshrl.u32 s21, $0x3;
	s7 =	sadd.s32 s4, s7  }
0xe: {  	s19 =	sadd.s32 s0, s10;
	[dreg:$0x4] =	wrdreg s7;
	s7 =	sadd.s32 s4, s18  }
0xf: {  	s17 =	sadd.s32 $0x1C00, s5;
	[dreg:$0x5] =	wrdreg s7;
	s7 =	sshrl.u32 s19, $0x3  }
0x10: {  	s25 =	sshrl.u32 s24, $0x3;
	s12 =	rddreg [dreg:$0x2];
	s7 =	sadd.s32 s4, s7  }
0x11: {  	s26 =	sadd.s32 s0, s17;
	[dreg:$0x6] =	wrdreg s7;
	s7 =	sadd.s32 s4, s20  }
0x12: {  	s28 =	sshrl.u32 s26, $0x3;
	[dreg:$0x7] =	wrdreg s7;
	s7 =	sadd.s32 s4, s22  }
0x13: {  	s18 =	sadd.s32 $0x2000, s5;
	[dreg:$0x8] =	wrdreg s7;
	s7 =	sshrl.u32 s23, $0x3  }
0x14: {  	s29 =	sadd.s32 s0, s18;
	s19 =	sadd.s32 $0x2400, s5;
	s7 =	sadd.s32 s4, s7  }
0x15: {  	s0 =	sadd.s32 s0, s19;
	[dreg:$0x9] =	wrdreg s7;
	s7 =	sadd.s32 s4, s25  }
0x16: {  	s0 =	sshrl.u32 s0, $0x3;
	[dreg:$0xa] =	wrdreg s7;
	s7 =	sadd.s32 s4, s28  }
0x17: {  	s0 =	sadd.s32 s4, s0;
	[dreg:$0xb] =	wrdreg s7;
	s7 =	sshrl.u32 s29, $0x3  }
0x18: {  	s15 =	sadd.s32 s8, s12;
	[dreg:$0xd] =	wrdreg s0;
	s7 =	sadd.s32 s4, s7  }
0x19: {  	s8 =	smax.u32 s6, $0x1;
	s30 =	sadd.s32 $0x16800, s3;
	[dreg:$0xc] =	wrdreg s7  }
0x1a: {  	s4 =	sadd.s32 $0x2800, s3;
	_ =	strace $0x8000004A;
	[dreg:$0xe] =	wrdreg s30  }
0x1b: {  	s21 =	sadd.s32 s10, s12;
	s7 =	sadd.s32 s5, s12;
	[dreg:$0xf] =	wrdreg s4  }
0x1c: {  	s24 =	sadd.s32 s14, s12;
	s10 =	simm.s32 $0x80;
	[dreg:$0x10] =	wrdreg s7  }
0x1d: {  	s14 =	simm.s32 $0x5800;
	s20 =	sadd.s32 s9, s12;
	[dreg:$0x11] =	wrdreg s8  }
0x1e: {  	s26 =	sadd.s32 s17, s12;
	s31 =	sadd.s32 $0x800, s15;
	[dreg:$0x12] =	wrdreg s20  }
0x1f: {  	s6 =	sadd.s32 $0x2000, s15;
	s22 =	sadd.s32 s11, s12;
	[dreg:$0x13] =	wrdreg s21  }
0x20: {  	s17 =	simm.s32 $0x6800;
	s23 =	sadd.s32 s13, s12;
	[dreg:$0x14] =	wrdreg s22  }
0x21: {  	s9 =	simm.s32 $0x9;
	s11 =	sadd.s32 $0xC00, s15;
	[dreg:$0x15] =	wrdreg s23  }
0x22: {  	s0 =	sadd.s32 $0x1000, s15;
	s25 =	sadd.s32 s16, s12;
	[dreg:$0x16] =	wrdreg s24  }
0x23: {  	s13 =	simm.s32 $0x5000;
	s16 =	simm.s32 $0x6000;
	[dreg:$0x17] =	wrdreg s25  }
0x24: {  	s28 =	sadd.s32 s18, s12;
	s18 =	simm.s32 $0x1;
	[dreg:$0x18] =	wrdreg s26  }
0x25: {  	s29 =	sadd.s32 s19, s12;
	s19 =	simm.s32 $0x5;
	[dreg:$0x19] =	wrdreg s28  }
0x26: {  	s3 =	sadd.s32 $0x1400, s15;
	s5 =	sadd.s32 $0x1C00, s15;
	[dreg:$0x1a] =	wrdreg s29  }
0x27: {  	s30 =	sadd.s32 $0x400, s15;
	s4 =	sadd.s32 $0x1800, s15;
	s7 =	sadd.s32 $0x2400, s15  }
0x28: {  	s8 =	simm.s32 $0x7000;
	s20 =	simm.s32 $0x2;
	s21 =	simm.s32 $0x6  }
0x29: {  	s22 =	simm.s32 $0x3;
	s23 =	simm.s32 $0x7;
	s24 =	simm.s32 $0x4  }
0x2a: {  	v0 =	vimm.f32 $0.0e+00;
	s25 =	simm.s32 $0x8;
	s26 =	simm.s32 $0x0;
	[dreg:$0x1b] =	wrdreg s30  }
.LBB2_1:
0x2b: {  	s28 =	simm.s32 $0x40;
	s29 =	simm.s32 $0x0  }
.LBB2_2:
0x2c: {  	p0 =	sne.s32 s28, $0xFC0;
	[tilespmem:s29+$0x7000] =	vst v0;
	s29 =	smov.u32 s28;
	s28 =	sadd.s32 $0x40, s28  }
.Ltmp0:
0x2d: {  	(pc) =	sbr.rel @p0 .LBB2_2-.Ltmp0, $2  }
0x2e: {  	_ =	sdelay $0x2  }
0x2f: {  	s29 =	sshra.s32 s29, $0x2  }
0x30: {  	[tilespmem:s29+$0x7000] =	vst v0  }
0x31: {  	[spmem:s15] =	stream.linear.scatter [tilespmem:s8], [sflag:$0x9], $0x400, $0x38;
	[tilespmem:$0x9C00] =	vst v63  }
0x32: {  	_ =	swait.ge [sflag:s9], $0x400  }
0x33: {  	[sflag:s9] =	ssyncset.done $0x0  }
0x34: {  	s28 =	rddreg [dreg:$0x1b];
	[sflag:s9] =	ssyncadd.s32 $0xFFFFFC00  }
0x35: {  	[spmem:s28] =	stream.linear.scatter [tilespmem:s8], [sflag:$0x9], $0x400, $0x38;
	[tilespmem:$0x9C00] =	vst v63  }
0x36: {  	_ =	swait.ge [sflag:s9], $0x400  }
0x37: {  	[sflag:s9] =	ssyncset.done $0x0  }
0x38: {  	[sflag:s9] =	ssyncadd.s32 $0xFFFFFC00  }
0x39: {  	[spmem:s31] =	stream.linear.scatter [tilespmem:s8], [sflag:$0x9], $0x400, $0x38;
	[tilespmem:$0x9C00] =	vst v63  }
0x3a: {  	_ =	swait.ge [sflag:s9], $0x400  }
0x3b: {  	[sflag:s9] =	ssyncset.done $0x0  }
0x3c: {  	[sflag:s9] =	ssyncadd.s32 $0xFFFFFC00  }
0x3d: {  	[spmem:s11] =	stream.linear.scatter [tilespmem:s8], [sflag:$0x9], $0x400, $0x38;
	[tilespmem:$0x9C00] =	vst v63  }
0x3e: {  	_ =	swait.ge [sflag:s9], $0x400  }
0x3f: {  	[sflag:s9] =	ssyncset.done $0x0  }
0x40: {  	[sflag:s9] =	ssyncadd.s32 $0xFFFFFC00  }
0x41: {  	[spmem:s0] =	stream.linear.scatter [tilespmem:s8], [sflag:$0x9], $0x400, $0x38;
	[tilespmem:$0x9C00] =	vst v63  }
0x42: {  	_ =	swait.ge [sflag:s9], $0x400  }
0x43: {  	[sflag:s9] =	ssyncset.done $0x0  }
0x44: {  	[sflag:s9] =	ssyncadd.s32 $0xFFFFFC00  }
0x45: {  	[spmem:s3] =	stream.linear.scatter [tilespmem:s8], [sflag:$0x9], $0x400, $0x38;
	[tilespmem:$0x9C00] =	vst v63  }
0x46: {  	_ =	swait.ge [sflag:s9], $0x400  }
0x47: {  	[sflag:s9] =	ssyncset.done $0x0  }
0x48: {  	[sflag:s9] =	ssyncadd.s32 $0xFFFFFC00  }
0x49: {  	[spmem:s4] =	stream.linear.scatter [tilespmem:s8], [sflag:$0x9], $0x400, $0x38;
	[tilespmem:$0x9C00] =	vst v63  }
0x4a: {  	_ =	swait.ge [sflag:s9], $0x400  }
0x4b: {  	[sflag:s9] =	ssyncset.done $0x0  }
0x4c: {  	[sflag:s9] =	ssyncadd.s32 $0xFFFFFC00  }
0x4d: {  	[spmem:s5] =	stream.linear.scatter [tilespmem:s8], [sflag:$0x9], $0x400, $0x38;
	[tilespmem:$0x9C00] =	vst v63  }
0x4e: {  	_ =	swait.ge [sflag:s9], $0x400  }
0x4f: {  	[sflag:s9] =	ssyncset.done $0x0  }
0x50: {  	[sflag:s9] =	ssyncadd.s32 $0xFFFFFC00  }
0x51: {  	[spmem:s6] =	stream.linear.scatter [tilespmem:s8], [sflag:$0x9], $0x400, $0x38;
	[tilespmem:$0x9C00] =	vst v63  }
0x52: {  	_ =	swait.ge [sflag:s9], $0x400  }
0x53: {  	[sflag:s9] =	ssyncset.done $0x0  }
0x54: {  	[sflag:s9] =	ssyncadd.s32 $0xFFFFFC00  }
0x55: {  	[spmem:s7] =	stream.linear.scatter [tilespmem:s8], [sflag:$0x9], $0x400, $0x38;
	[tilespmem:$0x9C00] =	vst v63  }
0x56: {  	_ =	swait.ge [sflag:s9], $0x400  }
0x57: {  	[sflag:s9] =	ssyncset.done $0x0  }
0x58: {  	s28 =	simm.s32 $0x0;
	s29 =	rddreg [dreg:$0xe];
	[sflag:s9] =	ssyncadd.s32 $0xFFFFFC00  }
0x59: {  	[tilespmem:s28], [sflag:$0x9] =	stream.linear.gather [hbm4b:s29+s28], $0x2800, $0x38;
	[tilespmem:$0x9C00] =	vst v63  }
0x5a: {  	_ =	swait.ge [sflag:s9], $0x2800  }
0x5b: {  	[sflag:s9] =	ssyncset.done $0x0  }
0x5c: {  	s30 =	simm.s32 $0x2800;
	s29 =	rddreg [dreg:$0xf];
	[sflag:s9] =	ssyncadd.s32 $0xFFFFD800  }
0x5d: {  	[tilespmem:s30], [sflag:$0x9] =	stream.linear.gather [hbm4b:s29+s28], $0x2800, $0x38;
	[tilespmem:$0x9C00] =	vst v63  }
0x5e: {  	_ =	swait.ge [sflag:s9], $0x2800  }
0x5f: {  	[sflag:s9] =	ssyncset.done $0x0  }
0x60: {  	[sflag:s9] =	ssyncadd.s32 $0xFFFFD800  }
0x61: {  	[bflag:$0x0] =	sbarrier.arrive $0xFFFF  }
0x62: {  	[tilespmem:s13], [sflag:$0x1] =	stream.indirect.gather [hbm4b:s1+s10], $0x10, s28, s10, $0xb8;
	[tilespmem:$0x9C00] =	vst v63  }
0x63: {  	_ = 	snop  }
0x64: {  	[tilespmem:s14], [sflag:$0x2] =	stream.indirect.gather [hbm4b:s1+s10], $0x10, s10, s10, $0xb8;
	[tilespmem:$0x9C00] =	vst v63  }
0x65: {  	s28 =	simm.s32 $0x100  }
0x66: {  	[tilespmem:s16], [sflag:$0x3] =	stream.indirect.gather [hbm4b:s1+s10], $0x10, s28, s10, $0xb8;
	[tilespmem:$0x9C00] =	vst v63  }
0x67: {  	s28 =	simm.s32 $0x180  }
0x68: {  	[tilespmem:s17], [sflag:$0x4] =	stream.indirect.gather [hbm4b:s1+s10], $0x10, s28, s10, $0xb8;
	[tilespmem:$0x9C00] =	vst v63  }
0x69: {  	_ =	swait.ge [sflag:s18], $0x800  }
0x6a: {  	[sflag:s18] =	ssyncset.done $0x0  }
0x6b: {  	s28 =	simm.s32 $0x2800;
	[sflag:s18] =	ssyncadd.s32 $0xFFFFF800  }
0x6c: {  	[spmem:s12] =	stream.indirect.scatter.add.f32 [tilespmem:s13], [sflag:$0x5], $0x10, s28, s10, $0xb8;
	[tilespmem:$0x9C00] =	vst v63  }
0x6d: {  	_ =	swait.ge [sflag:s19], $0x800  }
0x6e: {  	[sflag:s19] =	ssyncset.done $0x0  }
0x6f: {  	s28 =	simm.s32 $0x200;
	[sflag:s19] =	ssyncadd.s32 $0xFFFFF800  }
0x70: {  	[tilespmem:s13], [sflag:$0x1] =	stream.indirect.gather [hbm4b:s1+s10], $0x10, s28, s10, $0xb8;
	[tilespmem:$0x9C00] =	vst v63  }
0x71: {  	_ =	swait.ge [sflag:s20], $0x800  }
0x72: {  	[sflag:s20] =	ssyncset.done $0x0  }
0x73: {  	s28 =	simm.s32 $0x2880;
	[sflag:s20] =	ssyncadd.s32 $0xFFFFF800  }
0x74: {  	[spmem:s12] =	stream.indirect.scatter.add.f32 [tilespmem:s14], [sflag:$0x6], $0x10, s28, s10, $0xb8;
	[tilespmem:$0x9C00] =	vst v63  }
0x75: {  	_ =	swait.ge [sflag:s21], $0x800  }
0x76: {  	[sflag:s21] =	ssyncset.done $0x0  }
0x77: {  	s28 =	simm.s32 $0x280;
	[sflag:s21] =	ssyncadd.s32 $0xFFFFF800  }
0x78: {  	[tilespmem:s14], [sflag:$0x2] =	stream.indirect.gather [hbm4b:s1+s10], $0x10, s28, s10, $0xb8;
	[tilespmem:$0x9C00] =	vst v63  }
0x79: {  	_ =	swait.ge [sflag:s22], $0x800  }
0x7a: {  	[sflag:s22] =	ssyncset.done $0x0  }
0x7b: {  	s28 =	simm.s32 $0x2900;
	[sflag:s22] =	ssyncadd.s32 $0xFFFFF800  }
0x7c: {  	[spmem:s12] =	stream.indirect.scatter.add.f32 [tilespmem:s16], [sflag:$0x7], $0x10, s28, s10, $0xb8;
	[tilespmem:$0x9C00] =	vst v63  }
0x7d: {  	_ =	swait.ge [sflag:s23], $0x800  }
0x7e: {  	[sflag:s23] =	ssyncset.done $0x0  }
0x7f: {  	s28 =	simm.s32 $0x300;
	[sflag:s23] =	ssyncadd.s32 $0xFFFFF800  }
0x80: {  	[tilespmem:s16], [sflag:$0x3] =	stream.indirect.gather [hbm4b:s1+s10], $0x10, s28, s10, $0xb8;
	[tilespmem:$0x9C00] =	vst v63  }
0x81: {  	_ =	swait.ge [sflag:s24], $0x800  }
0x82: {  	[sflag:s24] =	ssyncset.done $0x0  }
0x83: {  	s28 =	simm.s32 $0x2980;
	[sflag:s24] =	ssyncadd.s32 $0xFFFFF800  }
0x84: {  	[spmem:s12] =	stream.indirect.scatter.add.f32 [tilespmem:s17], [sflag:$0x8], $0x10, s28, s10, $0xb8;
	[tilespmem:$0x9C00] =	vst v63  }
0x85: {  	_ =	swait.ge [sflag:s25], $0x800  }
0x86: {  	[sflag:s25] =	ssyncset.done $0x0  }
0x87: {  	s29 =	simm.s32 $0x380;
	s28 =	simm.s32 $0x800;
	[sflag:s25] =	ssyncadd.s32 $0xFFFFF800  }
.LBB2_4:
0x88: {  	[tilespmem:s17], [sflag:$0x4] =	stream.indirect.gather [hbm4b:s1+s10], $0x10, s29, s10, $0xb8;
	[tilespmem:$0x9C00] =	vst v63  }
0x89: {  	s29 =	smov.u32 s28  }
0x8a: {  	p0 =	sne.s32 s28, $0x9000;
	s28 =	sadd.s32 $0x800, s28;
	_ =	swait.ge [sflag:s18], $0x800  }
0x8b: {  	s29 =	sshra.s32 s29, $0x2;
	[sflag:s18] =	ssyncset.done $0x0  }
0x8c: {  	s30 =	sadd.s32 $0x2800, s29;
	[sflag:s18] =	ssyncadd.s32 $0xFFFFF800  }
0x8d: {  	[spmem:s12] =	stream.indirect.scatter.add.f32 [tilespmem:s13], [sflag:$0x5], $0x10, s30, s10, $0xb8;
	[tilespmem:$0x9C00] =	vst v63  }
0x8e: {  	_ =	swait.ge [sflag:s19], $0x800  }
0x8f: {  	[sflag:s19] =	ssyncset.done $0x0  }
0x90: {  	s30 =	sadd.s32 $0x200, s29;
	[sflag:s19] =	ssyncadd.s32 $0xFFFFF800  }
0x91: {  	[tilespmem:s13], [sflag:$0x1] =	stream.indirect.gather [hbm4b:s1+s10], $0x10, s30, s10, $0xb8;
	[tilespmem:$0x9C00] =	vst v63  }
0x92: {  	_ =	swait.ge [sflag:s20], $0x800  }
0x93: {  	[sflag:s20] =	ssyncset.done $0x0  }
0x94: {  	s30 =	sadd.s32 $0x2880, s29;
	[sflag:s20] =	ssyncadd.s32 $0xFFFFF800  }
0x95: {  	[spmem:s12] =	stream.indirect.scatter.add.f32 [tilespmem:s14], [sflag:$0x6], $0x10, s30, s10, $0xb8;
	[tilespmem:$0x9C00] =	vst v63  }
0x96: {  	_ =	swait.ge [sflag:s21], $0x800  }
0x97: {  	[sflag:s21] =	ssyncset.done $0x0  }
0x98: {  	s30 =	sadd.s32 $0x280, s29;
	[sflag:s21] =	ssyncadd.s32 $0xFFFFF800  }
0x99: {  	[tilespmem:s14], [sflag:$0x2] =	stream.indirect.gather [hbm4b:s1+s10], $0x10, s30, s10, $0xb8;
	[tilespmem:$0x9C00] =	vst v63  }
0x9a: {  	_ =	swait.ge [sflag:s22], $0x800  }
0x9b: {  	[sflag:s22] =	ssyncset.done $0x0  }
0x9c: {  	s30 =	sadd.s32 $0x2900, s29;
	[sflag:s22] =	ssyncadd.s32 $0xFFFFF800  }
0x9d: {  	[spmem:s12] =	stream.indirect.scatter.add.f32 [tilespmem:s16], [sflag:$0x7], $0x10, s30, s10, $0xb8;
	[tilespmem:$0x9C00] =	vst v63  }
0x9e: {  	_ =	swait.ge [sflag:s23], $0x800  }
0x9f: {  	[sflag:s23] =	ssyncset.done $0x0  }
0xa0: {  	s30 =	sadd.s32 $0x300, s29;
	[sflag:s23] =	ssyncadd.s32 $0xFFFFF800  }
0xa1: {  	[tilespmem:s16], [sflag:$0x3] =	stream.indirect.gather [hbm4b:s1+s10], $0x10, s30, s10, $0xb8;
	[tilespmem:$0x9C00] =	vst v63  }
0xa2: {  	_ =	swait.ge [sflag:s24], $0x800  }
0xa3: {  	[sflag:s24] =	ssyncset.done $0x0  }
.Ltmp1:
0xa4: {  	s30 =	sadd.s32 $0x2980, s29;
	[sflag:s24] =	ssyncadd.s32 $0xFFFFF800;
	(pc) =	sbr.rel @p0 .LBB2_4-.Ltmp1, $4  }
0xa5: {  	[spmem:s12] =	stream.indirect.scatter.add.f32 [tilespmem:s17], [sflag:$0x8], $0x10, s30, s10, $0xb8;
	[tilespmem:$0x9C00] =	vst v63  }
0xa6: {  	_ =	swait.ge [sflag:s25], $0x800  }
0xa7: {  	[sflag:s25] =	ssyncset.done $0x0  }
0xa8: {  	s29 =	sadd.s32 $0x380, s29;
	[sflag:s25] =	ssyncadd.s32 $0xFFFFF800  }
0xa9: {  	[tilespmem:s17], [sflag:$0x4] =	stream.indirect.gather [hbm4b:s1+s10], $0x10, s29, s10, $0xb8;
	[tilespmem:$0x9C00] =	vst v63  }
0xaa: {  	_ =	swait.ge [sflag:s18], $0x800  }
0xab: {  	[sflag:s18] =	ssyncset.done $0x0  }
0xac: {  	s28 =	simm.s32 $0x4E00;
	[sflag:s18] =	ssyncadd.s32 $0xFFFFF800  }
0xad: {  	[spmem:s12] =	stream.indirect.scatter.add.f32 [tilespmem:s13], [sflag:$0x5], $0x10, s28, s10, $0xb8;
	[tilespmem:$0x9C00] =	vst v63  }
0xae: {  	_ =	swait.ge [sflag:s20], $0x800  }
0xaf: {  	[sflag:s20] =	ssyncset.done $0x0  }
0xb0: {  	s29 =	simm.s32 $0x4E80;
	[sflag:s20] =	ssyncadd.s32 $0xFFFFF800  }
0xb1: {  	[spmem:s12] =	stream.indirect.scatter.add.f32 [tilespmem:s14], [sflag:$0x6], $0x10, s29, s10, $0xb8;
	[tilespmem:$0x9C00] =	vst v63  }
0xb2: {  	_ =	swait.ge [sflag:s22], $0x800  }
0xb3: {  	[sflag:s22] =	ssyncset.done $0x0  }
0xb4: {  	s30 =	simm.s32 $0x4F00;
	[sflag:s22] =	ssyncadd.s32 $0xFFFFF800  }
0xb5: {  	[spmem:s12] =	stream.indirect.scatter.add.f32 [tilespmem:s16], [sflag:$0x7], $0x10, s30, s10, $0xb8;
	[tilespmem:$0x9C00] =	vst v63  }
0xb6: {  	_ =	swait.ge [sflag:s24], $0x800  }
0xb7: {  	[sflag:s24] =	ssyncset.done $0x0  }
0xb8: {  	s29 =	simm.s32 $0x4F80;
	[sflag:s24] =	ssyncadd.s32 $0xFFFFF800  }
0xb9: {  	[spmem:s12] =	stream.indirect.scatter.add.f32 [tilespmem:s17], [sflag:$0x8], $0x10, s29, s10, $0xb8;
	[tilespmem:$0x9C00] =	vst v63  }
0xba: {  	_ =	swait.ge [sflag:s19], $0x800  }
0xbb: {  	[sflag:s19] =	ssyncset.done $0x0  }
0xbc: {  	[sflag:s19] =	ssyncadd.s32 $0xFFFFF800  }
0xbd: {  	_ =	swait.ge [sflag:s21], $0x800  }
0xbe: {  	[sflag:s21] =	ssyncset.done $0x0  }
0xbf: {  	[sflag:s21] =	ssyncadd.s32 $0xFFFFF800  }
0xc0: {  	_ =	swait.ge [sflag:s23], $0x800  }
0xc1: {  	[sflag:s23] =	ssyncset.done $0x0  }
0xc2: {  	[sflag:s23] =	ssyncadd.s32 $0xFFFFF800  }
0xc3: {  	_ =	swait.ge [sflag:s25], $0x800  }
0xc4: {  	[sflag:s25] =	ssyncset.done $0x0  }
0xc5: {  	[sflag:s25] =	ssyncadd.s32 $0xFFFFF800  }
0xc6: {  	[bflag:$0x0] =	sbarrier.arrive $0xFFFF  }
0xc7: {  	s30 =	rddreg [dreg:$0x10]  }
0xc8: {  	[tilespmem:s8], [sflag:$0x9] =	stream.linear.gather [spmem:s30], $0x400, $0x38;
	[tilespmem:$0x9C00] =	vst v63  }
0xc9: {  	_ =	swait.ge [sflag:s9], $0x400  }
0xca: {  	[sflag:s9] =	ssyncset.done $0x0  }
0xcb: {  	s29 =	rddreg [dreg:$0x4];
	[sflag:s9] =	ssyncadd.s32 $0xFFFFFC00  }
0xcc: {  	[hbm4b:s29+s2] =	stream.linear.scatter [tilespmem:s8], [sflag:$0x9], $0x400, $0x38;
	[tilespmem:$0x9C00] =	vst v63  }
0xcd: {  	_ =	swait.ge [sflag:s9], $0x400  }
0xce: {  	[sflag:s9] =	ssyncset.done $0x0  }
0xcf: {  	s30 =	rddreg [dreg:$0x12];
	[sflag:s9] =	ssyncadd.s32 $0xFFFFFC00  }
0xd0: {  	[tilespmem:s8], [sflag:$0x9] =	stream.linear.gather [spmem:s30], $0x400, $0x38;
	[tilespmem:$0x9C00] =	vst v63  }
0xd1: {  	_ =	swait.ge [sflag:s9], $0x400  }
0xd2: {  	[sflag:s9] =	ssyncset.done $0x0  }
0xd3: {  	s29 =	rddreg [dreg:$0x5];
	[sflag:s9] =	ssyncadd.s32 $0xFFFFFC00  }
0xd4: {  	[hbm4b:s29+s2] =	stream.linear.scatter [tilespmem:s8], [sflag:$0x9], $0x400, $0x38;
	[tilespmem:$0x9C00] =	vst v63  }
0xd5: {  	_ =	swait.ge [sflag:s9], $0x400  }
0xd6: {  	[sflag:s9] =	ssyncset.done $0x0  }
0xd7: {  	s30 =	rddreg [dreg:$0x13];
	[sflag:s9] =	ssyncadd.s32 $0xFFFFFC00  }
0xd8: {  	[tilespmem:s8], [sflag:$0x9] =	stream.linear.gather [spmem:s30], $0x400, $0x38;
	[tilespmem:$0x9C00] =	vst v63  }
0xd9: {  	_ =	swait.ge [sflag:s9], $0x400  }
0xda: {  	[sflag:s9] =	ssyncset.done $0x0  }
0xdb: {  	s29 =	rddreg [dreg:$0x6];
	[sflag:s9] =	ssyncadd.s32 $0xFFFFFC00  }
0xdc: {  	[hbm4b:s29+s2] =	stream.linear.scatter [tilespmem:s8], [sflag:$0x9], $0x400, $0x38;
	[tilespmem:$0x9C00] =	vst v63  }
0xdd: {  	_ =	swait.ge [sflag:s9], $0x400  }
0xde: {  	[sflag:s9] =	ssyncset.done $0x0  }
0xdf: {  	s30 =	rddreg [dreg:$0x14];
	[sflag:s9] =	ssyncadd.s32 $0xFFFFFC00  }
0xe0: {  	[tilespmem:s8], [sflag:$0x9] =	stream.linear.gather [spmem:s30], $0x400, $0x38;
	[tilespmem:$0x9C00] =	vst v63  }
0xe1: {  	_ =	swait.ge [sflag:s9], $0x400  }
0xe2: {  	[sflag:s9] =	ssyncset.done $0x0  }
0xe3: {  	s29 =	rddreg [dreg:$0x7];
	[sflag:s9] =	ssyncadd.s32 $0xFFFFFC00  }
0xe4: {  	[hbm4b:s29+s2] =	stream.linear.scatter [tilespmem:s8], [sflag:$0x9], $0x400, $0x38;
	[tilespmem:$0x9C00] =	vst v63  }
0xe5: {  	_ =	swait.ge [sflag:s9], $0x400  }
0xe6: {  	[sflag:s9] =	ssyncset.done $0x0  }
0xe7: {  	s30 =	rddreg [dreg:$0x15];
	[sflag:s9] =	ssyncadd.s32 $0xFFFFFC00  }
0xe8: {  	[tilespmem:s8], [sflag:$0x9] =	stream.linear.gather [spmem:s30], $0x400, $0x38;
	[tilespmem:$0x9C00] =	vst v63  }
0xe9: {  	_ =	swait.ge [sflag:s9], $0x400  }
0xea: {  	[sflag:s9] =	ssyncset.done $0x0  }
0xeb: {  	s29 =	rddreg [dreg:$0x8];
	[sflag:s9] =	ssyncadd.s32 $0xFFFFFC00  }
0xec: {  	[hbm4b:s29+s2] =	stream.linear.scatter [tilespmem:s8], [sflag:$0x9], $0x400, $0x38;
	[tilespmem:$0x9C00] =	vst v63  }
0xed: {  	_ =	swait.ge [sflag:s9], $0x400  }
0xee: {  	[sflag:s9] =	ssyncset.done $0x0  }
0xef: {  	s30 =	rddreg [dreg:$0x16];
	[sflag:s9] =	ssyncadd.s32 $0xFFFFFC00  }
0xf0: {  	[tilespmem:s8], [sflag:$0x9] =	stream.linear.gather [spmem:s30], $0x400, $0x38;
	[tilespmem:$0x9C00] =	vst v63  }
0xf1: {  	_ =	swait.ge [sflag:s9], $0x400  }
0xf2: {  	[sflag:s9] =	ssyncset.done $0x0  }
0xf3: {  	s29 =	rddreg [dreg:$0x9];
	[sflag:s9] =	ssyncadd.s32 $0xFFFFFC00  }
0xf4: {  	[hbm4b:s29+s2] =	stream.linear.scatter [tilespmem:s8], [sflag:$0x9], $0x400, $0x38;
	[tilespmem:$0x9C00] =	vst v63  }
0xf5: {  	_ =	swait.ge [sflag:s9], $0x400  }
0xf6: {  	[sflag:s9] =	ssyncset.done $0x0  }
0xf7: {  	s30 =	rddreg [dreg:$0x17];
	[sflag:s9] =	ssyncadd.s32 $0xFFFFFC00  }
0xf8: {  	[tilespmem:s8], [sflag:$0x9] =	stream.linear.gather [spmem:s30], $0x400, $0x38;
	[tilespmem:$0x9C00] =	vst v63  }
0xf9: {  	_ =	swait.ge [sflag:s9], $0x400  }
0xfa: {  	[sflag:s9] =	ssyncset.done $0x0  }
0xfb: {  	s29 =	rddreg [dreg:$0xa];
	[sflag:s9] =	ssyncadd.s32 $0xFFFFFC00  }
0xfc: {  	[hbm4b:s29+s2] =	stream.linear.scatter [tilespmem:s8], [sflag:$0x9], $0x400, $0x38;
	[tilespmem:$0x9C00] =	vst v63  }
0xfd: {  	_ =	swait.ge [sflag:s9], $0x400  }
0xfe: {  	[sflag:s9] =	ssyncset.done $0x0  }
0xff: {  	s30 =	rddreg [dreg:$0x18];
	[sflag:s9] =	ssyncadd.s32 $0xFFFFFC00  }
0x100: {  	[tilespmem:s8], [sflag:$0x9] =	stream.linear.gather [spmem:s30], $0x400, $0x38;
	[tilespmem:$0x9C00] =	vst v63  }
0x101: {  	_ =	swait.ge [sflag:s9], $0x400  }
0x102: {  	[sflag:s9] =	ssyncset.done $0x0  }
0x103: {  	s29 =	rddreg [dreg:$0xb];
	[sflag:s9] =	ssyncadd.s32 $0xFFFFFC00  }
0x104: {  	[hbm4b:s29+s2] =	stream.linear.scatter [tilespmem:s8], [sflag:$0x9], $0x400, $0x38;
	[tilespmem:$0x9C00] =	vst v63  }
0x105: {  	_ =	swait.ge [sflag:s9], $0x400  }
0x106: {  	[sflag:s9] =	ssyncset.done $0x0  }
0x107: {  	s30 =	rddreg [dreg:$0x19];
	[sflag:s9] =	ssyncadd.s32 $0xFFFFFC00  }
0x108: {  	[tilespmem:s8], [sflag:$0x9] =	stream.linear.gather [spmem:s30], $0x400, $0x38;
	[tilespmem:$0x9C00] =	vst v63  }
0x109: {  	_ =	swait.ge [sflag:s9], $0x400  }
0x10a: {  	[sflag:s9] =	ssyncset.done $0x0  }
0x10b: {  	s29 =	rddreg [dreg:$0xc];
	[sflag:s9] =	ssyncadd.s32 $0xFFFFFC00  }
0x10c: {  	[hbm4b:s29+s2] =	stream.linear.scatter [tilespmem:s8], [sflag:$0x9], $0x400, $0x38;
	[tilespmem:$0x9C00] =	vst v63  }
0x10d: {  	_ =	swait.ge [sflag:s9], $0x400  }
0x10e: {  	[sflag:s9] =	ssyncset.done $0x0  }
0x10f: {  	s30 =	rddreg [dreg:$0x1a];
	[sflag:s9] =	ssyncadd.s32 $0xFFFFFC00  }
0x110: {  	[tilespmem:s8], [sflag:$0x9] =	stream.linear.gather [spmem:s30], $0x400, $0x38;
	[tilespmem:$0x9C00] =	vst v63  }
0x111: {  	_ =	swait.ge [sflag:s9], $0x400  }
0x112: {  	[sflag:s9] =	ssyncset.done $0x0  }
0x113: {  	s29 =	rddreg [dreg:$0xd];
	[sflag:s9] =	ssyncadd.s32 $0xFFFFFC00  }
0x114: {  	[hbm4b:s29+s2] =	stream.linear.scatter [tilespmem:s8], [sflag:$0x9], $0x400, $0x38;
	[tilespmem:$0x9C00] =	vst v63  }
0x115: {  	_ =	swait.ge [sflag:s9], $0x400  }
0x116: {  	s26 =	sadd.s32 $0x1, s26;
	s30 =	rddreg [dreg:$0x11]  }
0x117: {  	p0 =	sne.s32 s26, s30  }
.Ltmp2:
0x118: {  	_ = 	snop;
	(pc) =	sbr.rel @p0 .LBB2_1-.Ltmp2, $3  }
0x119: {  	_ =	sdelay $0x1  }
0x11a: {  	[sflag:s9] =	ssyncset.done $0x0  }
0x11b: {  	[sflag:s9] =	ssyncadd.s32 $0xFFFFFC00  }
0x11c: {  	_ =	sfence.sel $0x180000  }
0x11d: {  	[bflag:$0x0] =	sbarrier.arrive $0xFFFF  }
0x11e: {  	_ =	strace $0x9000004A  }
0x11f: {  	s0 =	stileid.u32;
	[bflag:$0x2] =	sbarrier.arrive $0xFFFF  }
0x120: {  	p0 =	sne.s32 s0, $0x0;
	s0 =	rddreg [dreg:$0x3]  }
0x121: {  	s0 =	sadd.s32 @!p0 $0x100000, s0  }
0x122: {  	[sflag:s0] =	ssyncadd.tile.s32 @!p0 $0x1;
	_ =	shalt  }
.Lfunc_end2:
_tile_overlayer_lowered:
.L_overlay_start_2:
0x123: {  	(tag) =	ssettag $0x2  }
0x124: {  	s0 =	rddreg [dreg:$0x0];
	s2 =	stileid.u32  }
0x125: {  	s1 =	rddreg [dreg:$0x1];
	p0 =	sne.s32 s2, $0x0  }
0x126: {  	s3 =	rddreg [dreg:$0x2];
	[bflag:$0x3] =	sbarrier.arrive $0xFFFF;
	s2 =	simm.s32 @!p0 $0x1C09  }
0x127: {  	[timem:s3], [sflag:s2] =	dma.local @!p0 [hbm:s0], s1  }
0x128: {  	s0 =	simm.s32 @!p0 $0x9  }
0x129: {  	_ =	swait.ge @!p0 [sflag:s0], s1  }
0x12a: {  	s1 =	ssub.s32 @!p0 $0x0, s1;
	[sflag:s0] =	ssyncset.done @!p0 $0x0  }
0x12b: {  	[sflag:s0] =	ssyncadd.s32 @!p0 s1  }
0x12c: {  	[bflag:$0x3] =	sbarrier.arrive $0xFFFF  }
0x12d: {  	_ =	shalt  }

// kernel: kernel.14.cloned.1.call-start
scs
__scs_entry_jumppad:
0x0: {  	(pc) =	sbr.rel $0x88, $3  }
0x1: {  	(tag) =	ssettag $0x0;
	lr =	simm.s32 $0x1  }
0x2: {  	[smem:$0x3F94] =	sst lr;
	_ =	strace $0xD0000000  }
0x3: {  	_ = 	snop  }
0x4: {  	_ = 	snop  }
0x5: {  	_ = 	snop  }
0x6: {  	_ = 	snop  }
0x7: {  	_ = 	snop  }
__scs_overlays_trampoline_lowered:
0x8: {  	[smem:$0x3FA3] =	sst s0  }
0x9: {  	[smem:$0x3FA4] =	sst s1  }
0xa: {  	[smem:$0x3FA5] =	sst s2  }
0xb: {  	[smem:$0x3FA6] =	sst s3  }
0xc: {  	[smem:$0x3FA7] =	sst s4  }
0xd: {  	[smem:$0x3FA8] =	sst s5  }
0xe: {  	[smem:$0x3FA9] =	sst s6  }
0xf: {  	[smem:$0x3FAA] =	sst s7  }
0x10: {  	[smem:$0x3FAB] =	sst s8  }
0x11: {  	[smem:$0x3FAC] =	sst s9;
	s0 =	simm.s32 @!p0 $0x0  }
0x12: {  	s1 =	sld [smem:$0x3F92];
	s0 =	simm.s32 @p0 $0x1  }
0x13: {  	[smem:$0x3FAD] =	sst s0;
	s0 =	simm.s32 @!p1 $0x0  }
0x14: {  	s2 =	sld [smem:$0x3F91];
	s0 =	simm.s32 @p1 $0x1  }
0x15: {  	[smem:$0x3FAE] =	sst s0;
	s0 =	simm.s32 @!p2 $0x0  }
0x16: {  	s3 =	sld [smem:$0x3FDB];
	s0 =	simm.s32 @p2 $0x1  }
0x17: {  	s4 =	simm.s32 $0x1BF5;
	[smem:$0x3FB0] =	sst s0  }
0x18: {  	s0 =	sld [smem:$0x3F93];
	_ =	swait.ge [sflag:s4], $0x0  }
0x19: {  	s7 =	sld [smem:$0x3F94]  }
0x1a: {  	s8 =	sadd.s32 $0xFFFFE003, lr  }
0x1b: {  	s9 =	sadd.s32 $0xFFFFFEF7, lr;
	s5 =	simm.s32 $0xFFFFFFFF;
	p2 =	slt.u32 s8, $0xFFFFF086  }
0x1c: {  	p1 =	slt.u32 s9, $0xF7A;
	s5 =	simm.s32 @!p2 $0x0  }
0x1d: {  	s5 =	simm.s32 @p1 $0x1;
	p0 =	seq.s32 s7, s2  }
0x1e: {  	s7 =	smul.u32 @!p0 $0xF7A, s2;
	p2 =	seq.s32 @!p0 s5, $0x0  }
0x1f: {  	s9 =	smul.u32 $0xF7A, s1;
	s8 =	simm.s32 @!p0 $0x1BF5;
	p2 =	por !p2, p0  }
0x20: {  	[sflag:s8] =	ssyncset.s32 @!p0 $0xFFFFF086;
	s6 =	sadd.s32 @!p0 s3, s7;
	s7 =	simm.s32 @!p0 $0x108  }
0x21: {  	s3 =	sadd.s32 s3, s9;
	s6 =	sadd.s32 @!p0 $0x88, s6;
	s7 =	simm.s32 @p2 $0x1082  }
0x22: {  	[simem:s7], [sflag:s8] =	dma.local @!p0 [hbm:s6], $0xF7A  }
0x23: {  	s9 =	sor.u32 $0xD0000000, s2;
	s6 =	simm.s32 $0x108;
	_ =	swait.ge @!p0 [sflag:s8], $0x0  }
0x24: {  	s3 =	sadd.s32 $0x88, s3;
	s6 =	simm.s32 @!p1 $0x1082;
	[sflag:s4] =	ssyncset.s32 $0xFFFFF086  }
0x25: {  	[simem:s6], [sflag:s4] =	dma.local [hbm:s3], $0xF7A  }
0x26: {  	[smem:$0x3F94] =	sst s1;
	(tag) =	ssettag s2;
	_ =	strace s9  }
0x27: {  	s1 =	sld [smem:$0x3FA4]  }
0x28: {  	s2 =	sld [smem:$0x3FA5]  }
0x29: {  	s4 =	sld [smem:$0x3FA7]  }
0x2a: {  	p0 =	seq.s32 s5, $0x0;
	s5 =	sld [smem:$0x3FA8]  }
0x2b: {  	s6 =	sld [smem:$0x3FA9]  }
0x2c: {  	s7 =	sld [smem:$0x3FAA]  }
0x2d: {  	s3 =	simm.s32 $0x108;
	s8 =	sld [smem:$0x3FAB]  }
0x2e: {  	s3 =	simm.s32 @!p0 $0x1082;
	s9 =	sld [smem:$0x3FAC]  }
0x2f: {  	lr =	sadd.s32 s0, s3;
	s0 =	sld [smem:$0x3FA3]  }
0x30: {  	s3 =	sld [smem:$0x3FA6]  }
0x31: {  	[smem:$0x3FAF] =	sst s10  }
0x32: {  	s10 =	sld [smem:$0x3FAD];
	_ =	sdelay $0x3  }
0x33: {  	p0 =	seq.s32 s10, $0x1;
	s10 =	sld [smem:$0x3FAF];
	_ =	sdelay $0x3  }
0x34: {  	[smem:$0x3FAF] =	sst s10  }
0x35: {  	s10 =	sld [smem:$0x3FAE];
	_ =	sdelay $0x3  }
0x36: {  	p1 =	seq.s32 s10, $0x1;
	s10 =	sld [smem:$0x3FAF];
	_ =	sdelay $0x3  }
0x37: {  	[smem:$0x3FAF] =	sst s10  }
0x38: {  	s10 =	sld [smem:$0x3FB0]  }
0x39: {  	_ = 	snop;
	(pc) =	sbr.ind lr, $3  }
0x3a: {  	_ = 	snop  }
0x3b: {  	_ = 	snop  }
0x3c: {  	p2 =	seq.s32 s10, $0x1;
	s10 =	sld [smem:$0x3FAF]  }
0x3d: {  	_ =	shalt  }
0x3e: {  	_ =	shalt  }
0x3f: {  	_ =	shalt  }
0x40: {  	_ =	shalt  }
0x41: {  	_ =	shalt  }
0x42: {  	_ =	shalt  }
0x43: {  	_ =	shalt  }
0x44: {  	_ =	shalt  }
0x45: {  	_ =	shalt  }
0x46: {  	_ =	shalt  }
0x47: {  	_ =	shalt  }
0x48: {  	_ =	shalt  }
0x49: {  	_ =	shalt  }
0x4a: {  	_ =	shalt  }
0x4b: {  	_ =	shalt  }
0x4c: {  	_ =	shalt  }
0x4d: {  	_ =	shalt  }
0x4e: {  	_ =	shalt  }
0x4f: {  	_ =	shalt  }
0x50: {  	_ =	shalt  }
0x51: {  	_ =	shalt  }
0x52: {  	_ =	shalt  }
0x53: {  	_ =	shalt  }
0x54: {  	_ =	shalt  }
0x55: {  	_ =	shalt  }
0x56: {  	_ =	shalt  }
0x57: {  	_ =	shalt  }
0x58: {  	_ =	shalt  }
0x59: {  	_ =	shalt  }
0x5a: {  	_ =	shalt  }
0x5b: {  	_ =	shalt  }
0x5c: {  	_ =	shalt  }
0x5d: {  	_ =	shalt  }
0x5e: {  	_ =	shalt  }
0x5f: {  	_ =	shalt  }
0x60: {  	_ =	shalt  }
0x61: {  	_ =	shalt  }
0x62: {  	_ =	shalt  }
0x63: {  	_ =	shalt  }
0x64: {  	_ =	shalt  }
0x65: {  	_ =	shalt  }
0x66: {  	_ =	shalt  }
0x67: {  	_ =	shalt  }
0x68: {  	_ =	shalt  }
0x69: {  	_ =	shalt  }
0x6a: {  	_ =	shalt  }
0x6b: {  	_ =	shalt  }
0x6c: {  	_ =	shalt  }
0x6d: {  	_ =	shalt  }
0x6e: {  	_ =	shalt  }
0x6f: {  	_ =	shalt  }
0x70: {  	_ =	shalt  }
0x71: {  	_ =	shalt  }
0x72: {  	_ =	shalt  }
0x73: {  	_ =	shalt  }
0x74: {  	_ =	shalt  }
0x75: {  	_ =	shalt  }
0x76: {  	_ =	shalt  }
0x77: {  	_ =	shalt  }
0x78: {  	_ =	shalt  }
0x79: {  	_ =	shalt  }
0x7a: {  	_ =	shalt  }
0x7b: {  	_ =	shalt  }
0x7c: {  	_ =	shalt  }
0x7d: {  	_ =	shalt  }
0x7e: {  	_ =	shalt  }
0x7f: {  	_ =	shalt  }
0x80: {  	_ =	shalt  }
0x81: {  	_ =	shalt  }
0x82: {  	_ =	shalt  }
0x83: {  	_ =	shalt  }
0x84: {  	_ =	shalt  }
0x85: {  	_ =	shalt  }
0x86: {  	_ =	shalt  }
0x87: {  	_ =	shalt  }
.Lfunc_end0:
.L_simem_size_0:
called_computation.2_lowered:
.L_overlay_start_0:
0x88: {  	s2 =	sld [smem:$0x3FD9]  }
0x89: {  	s3 =	sld [smem:$0x3FFE];
	_ =	sdelay $0x1  }
0x8a: {  	s1 =	srdreg.scid  }
0x8b: {  	s0 =	sand.u32 $0x1, s1  }
0x8c: {  	s14 =	sshll.u32 s0, $0xA;
	s2 =	sadd.s32 s3, s2  }
0x8d: {  	s2 =	sadd.s32 s2, s14  }
0x8e: {  	[smem:$0x3FBB] =	sst s2  }
0x8f: {  	_ = 	snop  }
0x90: {  	s2 =	sld [smem:$0x3FD0];
	_ =	sdelay $0x2  }
0x91: {  	s15 =	simm.s32 $0xA;
	s4 =	simm.s32 $0x10  }
0x92: {  	[smem:s4], [sflag:s15] =	dma.local [hbm:s2], $0x1  }
0x93: {  	_ =	swait.eq [sflag:s15], $0x1  }
0x94: {  	[sflag:s15] =	ssyncset.done $0x0  }
0x95: {  	[sflag:s15] =	ssyncadd.s32 $0xFFFFFFFF  }
0x96: {  	s16 =	sld [smem:$0x10];
	(tm) =	ssettm $0x1  }
0x97: {  	s17 =	sld [smem:$0x3FFB];
	_ =	sdelay $0x3  }
0x98: {  	_ =	strace s17  }
0x99: {  	s3 =	sld [smem:$0x3FFC];
	_ =	sdelay $0x3  }
0x9a: {  	_ =	strace s3  }
0x9b: {  	s3 =	sld [smem:$0x3FFD];
	_ =	sdelay $0x3  }
0x9c: {  	_ =	strace s3  }
0x9d: {  	_ =	strace $0x8FFFFFFF  }
0x9e: {  	s18 =	sld [smem:$0x3FDB];
	_ =	sdelay $0x1  }
0x9f: {  	s19 =	simm.s32 $_scs_section_size  }
0xa0: {  	s5 =	simm.s32 $_size__tile_overlayer_lowered;
	s6 =	simm.s32 $_tile_overlayer_lowered  }
0xa1: {  	s22 =	simm.s32 $0x1BFF;
	s21 =	sshll.u32 s6, $0x1;
	s3 =	sadd.s32 s19, s18  }
0xa2: {  	s7 =	simm.s32 $0x0;
	s20 =	sshll.u32 s5, $0x1;
	s5 =	sadd.s32 s21, s3  }
0xa3: {  	[timem:s7], [sflag:s22] =	dma.local [hbm:s5], s20  }
0xa4: {  	_ =	swait.ge [sflag:s22], s20  }
0xa5: {  	s4 =	ssub.s32 $0x0, s20;
	[sflag:s22] =	ssyncset.done $0x0  }
0xa6: {  	[sflag:s22] =	ssyncadd.s32 s4;
	_ =	sdelay $0x1  }
0xa7: {  	s23 =	simm.s32 $0x1B8B  }
0xa8: {  	_ =	swait.ge [sflag:s23], $0x1  }
0xa9: {  	[sflag:s23] =	ssyncset.done $0x0  }
0xaa: {  	s25 =	simm.s32 $0x1B8E;
	s24 =	sld [smem:$0x3FFE];
	[sflag:s23] =	ssyncadd.s32 $0xFFFFFFFF  }
0xab: {  	s26 =	simm.s32 $execute0_lowered;
	[smem:$0x3FD2] =	sst s25  }
0xac: {  	s5 =	sshll.u32 s26, $0x1;
	_ =	strace $0x8000004C;
	[dreg:$0x1] =	wrdreg $0xFFFFFFFF  }
0xad: {  	s28 =	simm.s32 $_size_execute0_lowered;
	s3 =	sadd.s32 s3, s5;
	[dreg:$0x0] =	wrdreg $0x0  }
0xae: {  	s5 =	sshll.u32 s28, $0x1;
	[dreg:$0x2] =	wrdreg s3  }
0xaf: {  	[dreg:$0x3] =	wrdreg s5  }
0xb0: {  	[dreg:$0x4] =	wrdreg $0xC0  }
0xb1: {  	_ =	task [dreg:s7], $0x5FFFF  }
0xb2: {  	[dreg:$0x1] =	wrdreg $0xFFFFFFFF  }
0xb3: {  	[dreg:$0x0] =	wrdreg $0x60  }
0xb4: {  	[dreg:$0x2] =	wrdreg s16  }
0xb5: {  	[dreg:$0x3] =	wrdreg s24  }
0xb6: {  	[dreg:$0x4] =	wrdreg $0x74000  }
0xb7: {  	[dreg:$0x5] =	wrdreg $0x9  }
0xb8: {  	_ =	task.clear_ibuf [dreg:s7], $0x6FFFF;
	_ =	strace $0x9000004C  }
0xb9: {  	s29 =	simm.s32 $0x9;
	_ =	strace $0x8000004E  }
0xba: {  	_ =	swait.ge [sflag:s29], $0x1  }
0xbb: {  	[sflag:s29] =	ssyncadd.s32 $0xFFFFFFFF  }
0xbc: {  	_ =	strace $0x9000004E  }
0xbd: {  	_ =	sfence  }
0xbe: {  	s30 =	sld [smem:$0x0];
	_ =	sdelay $0x2  }
0xbf: {  	s31 =	sshll.u32 s1, $0xD;
	s1 =	sshrl.u32 s1, $0x2  }
0xc0: {  	s3 =	sand.u32 $0x4000, s31;
	s1 =	sadd.s32 s1, s30  }
0xc1: {  	s0 =	sor.u32 s3, s0;
	s1 =	sshll.u32 s1, $0x11  }
0xc2: {  	s0 =	sor.u32 s1, s0  }
0xc3: {  	s0 =	sadd.s32 $0x8F2B, s0  }
0xc4: {  	[sflag:s0] =	ssyncadd.remote.s32 $0x1  }
0xc5: {  	_ =	sfence.sel $0xFFFF  }
0xc6: {  	[dreg:$0x0] =	wrdreg $0xFFFFFFFF;
	(pc) =	sbr.abs _section_cstart, $3  }
0xc7: {  	[dreg:$0x1] =	wrdreg $0xFFFFFFFF  }
0xc8: {  	_ =	task.clear_ibuf [dreg:s7], $0x2FFFF;
	_ =	strace $0x9FFFFFFF  }
0xc9: {  	(tm) =	ssettm $0x7FFFFFFF  }
tec
execute0_lowered:
.L_overlay_start_1:
0x0: {  	(tag) =	ssettag $0x1  }
0x1: {  	s0 =	srdreg.scid  }
0x2: {  	s8 =	stileid.u32;
	s1 =	rddreg [dreg:$0x0]  }
0x3: {  	s4 =	rddreg [dreg:$0x1];
	s0 =	sand.u32 $0x1, s0;
	s5 =	smul.u32 $0x2800, s8  }
0x4: {  	s2 =	sshll.u32 s0, $0x4;
	s6 =	ssub.s32 $0x2, s0;
	s0 =	smul.u32 $0x28000, s0  }
0x5: {  	s3 =	sor.u32 s8, s2;
	s2 =	simm.s32 $0x0;
	s7 =	sshrl.u32 s6, $0x1  }
0x6: {  	s8 =	smul.u32 $0xA000, s8;
	s9 =	sor.u32 $0x400, s5;
	s11 =	sadd.s32 $0xC00, s5  }
0x7: {  	s13 =	sadd.s32 $0x1000, s5;
	s14 =	sadd.s32 $0x1400, s5;
	s16 =	sadd.s32 $0x1800, s5  }
0x8: {  	s3 =	smul.u32 $0x500, s3;
	[smem:$0x7FF] =	sst s2;
	s6 =	ssub.s32 s6, s7  }
0x9: {  	s17 =	sadd.s32 s0, s5;
	s10 =	sadd.s32 s0, s9;
	s12 =	sadd.s32 s0, s11  }
0xa: {  	s21 =	sadd.s32 s0, s13;
	s23 =	sadd.s32 s0, s14;
	s24 =	sadd.s32 s0, s16  }
0xb: {  	s8 =	sshrl.u32 s8, $0x2;
	s7 =	sshrl.u32 s17, $0x3;
	s18 =	sshrl.u32 s10, $0x3  }
0xc: {  	s10 =	sadd.s32 $0x800, s5;
	s3 =	sadd.s32 s3, s4;
	s4 =	sadd.s32 $0xC800, s4  }
0xd: {  	s20 =	sshrl.u32 s12, $0x3;
	s22 =	sshrl.u32 s21, $0x3;
	s7 =	sadd.s32 s4, s7  }
0xe: {  	s19 =	sadd.s32 s0, s10;
	[dreg:$0x4] =	wrdreg s7;
	s7 =	sadd.s32 s4, s18  }
0xf: {  	s17 =	sadd.s32 $0x1C00, s5;
	[dreg:$0x5] =	wrdreg s7;
	s7 =	sshrl.u32 s19, $0x3  }
0x10: {  	s25 =	sshrl.u32 s24, $0x3;
	s12 =	rddreg [dreg:$0x2];
	s7 =	sadd.s32 s4, s7  }
0x11: {  	s26 =	sadd.s32 s0, s17;
	[dreg:$0x6] =	wrdreg s7;
	s7 =	sadd.s32 s4, s20  }
0x12: {  	s28 =	sshrl.u32 s26, $0x3;
	[dreg:$0x7] =	wrdreg s7;
	s7 =	sadd.s32 s4, s22  }
0x13: {  	s18 =	sadd.s32 $0x2000, s5;
	[dreg:$0x8] =	wrdreg s7;
	s7 =	sshrl.u32 s23, $0x3  }
0x14: {  	s29 =	sadd.s32 s0, s18;
	s19 =	sadd.s32 $0x2400, s5;
	s7 =	sadd.s32 s4, s7  }
0x15: {  	s0 =	sadd.s32 s0, s19;
	[dreg:$0x9] =	wrdreg s7;
	s7 =	sadd.s32 s4, s25  }
0x16: {  	s0 =	sshrl.u32 s0, $0x3;
	[dreg:$0xa] =	wrdreg s7;
	s7 =	sadd.s32 s4, s28  }
0x17: {  	s0 =	sadd.s32 s4, s0;
	[dreg:$0xb] =	wrdreg s7;
	s7 =	sshrl.u32 s29, $0x3  }
0x18: {  	s15 =	sadd.s32 s8, s12;
	[dreg:$0xd] =	wrdreg s0;
	s7 =	sadd.s32 s4, s7  }
0x19: {  	s8 =	smax.u32 s6, $0x1;
	s30 =	sadd.s32 $0x16800, s3;
	[dreg:$0xc] =	wrdreg s7  }
0x1a: {  	s4 =	sadd.s32 $0x2800, s3;
	_ =	strace $0x8000004D;
	[dreg:$0xe] =	wrdreg s30  }
0x1b: {  	s21 =	sadd.s32 s10, s12;
	s7 =	sadd.s32 s5, s12;
	[dreg:$0xf] =	wrdreg s4  }
0x1c: {  	s24 =	sadd.s32 s14, s12;
	s10 =	simm.s32 $0x80;
	[dreg:$0x10] =	wrdreg s7  }
0x1d: {  	s14 =	simm.s32 $0x5800;
	s20 =	sadd.s32 s9, s12;
	[dreg:$0x11] =	wrdreg s8  }
0x1e: {  	s26 =	sadd.s32 s17, s12;
	s31 =	sadd.s32 $0x800, s15;
	[dreg:$0x12] =	wrdreg s20  }
0x1f: {  	s6 =	sadd.s32 $0x2000, s15;
	s22 =	sadd.s32 s11, s12;
	[dreg:$0x13] =	wrdreg s21  }
0x20: {  	s17 =	simm.s32 $0x6800;
	s23 =	sadd.s32 s13, s12;
	[dreg:$0x14] =	wrdreg s22  }
0x21: {  	s9 =	simm.s32 $0x9;
	s11 =	sadd.s32 $0xC00, s15;
	[dreg:$0x15] =	wrdreg s23  }
0x22: {  	s0 =	sadd.s32 $0x1000, s15;
	s25 =	sadd.s32 s16, s12;
	[dreg:$0x16] =	wrdreg s24  }
0x23: {  	s13 =	simm.s32 $0x5000;
	s16 =	simm.s32 $0x6000;
	[dreg:$0x17] =	wrdreg s25  }
0x24: {  	s28 =	sadd.s32 s18, s12;
	s18 =	simm.s32 $0x1;
	[dreg:$0x18] =	wrdreg s26  }
0x25: {  	s29 =	sadd.s32 s19, s12;
	s19 =	simm.s32 $0x5;
	[dreg:$0x19] =	wrdreg s28  }
0x26: {  	s3 =	sadd.s32 $0x1400, s15;
	s5 =	sadd.s32 $0x1C00, s15;
	[dreg:$0x1a] =	wrdreg s29  }
0x27: {  	s30 =	sadd.s32 $0x400, s15;
	s4 =	sadd.s32 $0x1800, s15;
	s7 =	sadd.s32 $0x2400, s15  }
0x28: {  	s8 =	simm.s32 $0x7000;
	s20 =	simm.s32 $0x2;
	s21 =	simm.s32 $0x6  }
0x29: {  	s22 =	simm.s32 $0x3;
	s23 =	simm.s32 $0x7;
	s24 =	simm.s32 $0x4  }
0x2a: {  	v0 =	vimm.f32 $0.0e+00;
	s25 =	simm.s32 $0x8;
	s26 =	simm.s32 $0x0;
	[dreg:$0x1b] =	wrdreg s30  }
.LBB2_1:
0x2b: {  	s28 =	simm.s32 $0x40;
	s29 =	simm.s32 $0x0  }
.LBB2_2:
0x2c: {  	p0 =	sne.s32 s28, $0xFC0;
	[tilespmem:s29+$0x7000] =	vst v0;
	s29 =	smov.u32 s28;
	s28 =	sadd.s32 $0x40, s28  }
.Ltmp0:
0x2d: {  	(pc) =	sbr.rel @p0 .LBB2_2-.Ltmp0, $2  }
0x2e: {  	_ =	sdelay $0x2  }
0x2f: {  	s29 =	sshra.s32 s29, $0x2  }
0x30: {  	[tilespmem:s29+$0x7000] =	vst v0  }
0x31: {  	[spmem:s15] =	stream.linear.scatter [tilespmem:s8], [sflag:$0x9], $0x400, $0x38;
	[tilespmem:$0x9C00] =	vst v63  }
0x32: {  	_ =	swait.ge [sflag:s9], $0x400  }
0x33: {  	[sflag:s9] =	ssyncset.done $0x0  }
0x34: {  	s28 =	rddreg [dreg:$0x1b];
	[sflag:s9] =	ssyncadd.s32 $0xFFFFFC00  }
0x35: {  	[spmem:s28] =	stream.linear.scatter [tilespmem:s8], [sflag:$0x9], $0x400, $0x38;
	[tilespmem:$0x9C00] =	vst v63  }
0x36: {  	_ =	swait.ge [sflag:s9], $0x400  }
0x37: {  	[sflag:s9] =	ssyncset.done $0x0  }
0x38: {  	[sflag:s9] =	ssyncadd.s32 $0xFFFFFC00  }
0x39: {  	[spmem:s31] =	stream.linear.scatter [tilespmem:s8], [sflag:$0x9], $0x400, $0x38;
	[tilespmem:$0x9C00] =	vst v63  }
0x3a: {  	_ =	swait.ge [sflag:s9], $0x400  }
0x3b: {  	[sflag:s9] =	ssyncset.done $0x0  }
0x3c: {  	[sflag:s9] =	ssyncadd.s32 $0xFFFFFC00  }
0x3d: {  	[spmem:s11] =	stream.linear.scatter [tilespmem:s8], [sflag:$0x9], $0x400, $0x38;
	[tilespmem:$0x9C00] =	vst v63  }
0x3e: {  	_ =	swait.ge [sflag:s9], $0x400  }
0x3f: {  	[sflag:s9] =	ssyncset.done $0x0  }
0x40: {  	[sflag:s9] =	ssyncadd.s32 $0xFFFFFC00  }
0x41: {  	[spmem:s0] =	stream.linear.scatter [tilespmem:s8], [sflag:$0x9], $0x400, $0x38;
	[tilespmem:$0x9C00] =	vst v63  }
0x42: {  	_ =	swait.ge [sflag:s9], $0x400  }
0x43: {  	[sflag:s9] =	ssyncset.done $0x0  }
0x44: {  	[sflag:s9] =	ssyncadd.s32 $0xFFFFFC00  }
0x45: {  	[spmem:s3] =	stream.linear.scatter [tilespmem:s8], [sflag:$0x9], $0x400, $0x38;
	[tilespmem:$0x9C00] =	vst v63  }
0x46: {  	_ =	swait.ge [sflag:s9], $0x400  }
0x47: {  	[sflag:s9] =	ssyncset.done $0x0  }
0x48: {  	[sflag:s9] =	ssyncadd.s32 $0xFFFFFC00  }
0x49: {  	[spmem:s4] =	stream.linear.scatter [tilespmem:s8], [sflag:$0x9], $0x400, $0x38;
	[tilespmem:$0x9C00] =	vst v63  }
0x4a: {  	_ =	swait.ge [sflag:s9], $0x400  }
0x4b: {  	[sflag:s9] =	ssyncset.done $0x0  }
0x4c: {  	[sflag:s9] =	ssyncadd.s32 $0xFFFFFC00  }
0x4d: {  	[spmem:s5] =	stream.linear.scatter [tilespmem:s8], [sflag:$0x9], $0x400, $0x38;
	[tilespmem:$0x9C00] =	vst v63  }
0x4e: {  	_ =	swait.ge [sflag:s9], $0x400  }
0x4f: {  	[sflag:s9] =	ssyncset.done $0x0  }
0x50: {  	[sflag:s9] =	ssyncadd.s32 $0xFFFFFC00  }
0x51: {  	[spmem:s6] =	stream.linear.scatter [tilespmem:s8], [sflag:$0x9], $0x400, $0x38;
	[tilespmem:$0x9C00] =	vst v63  }
0x52: {  	_ =	swait.ge [sflag:s9], $0x400  }
0x53: {  	[sflag:s9] =	ssyncset.done $0x0  }
0x54: {  	[sflag:s9] =	ssyncadd.s32 $0xFFFFFC00  }
0x55: {  	[spmem:s7] =	stream.linear.scatter [tilespmem:s8], [sflag:$0x9], $0x400, $0x38;
	[tilespmem:$0x9C00] =	vst v63  }
0x56: {  	_ =	swait.ge [sflag:s9], $0x400  }
0x57: {  	[sflag:s9] =	ssyncset.done $0x0  }
0x58: {  	s28 =	simm.s32 $0x0;
	s29 =	rddreg [dreg:$0xe];
	[sflag:s9] =	ssyncadd.s32 $0xFFFFFC00  }
0x59: {  	[tilespmem:s28], [sflag:$0x9] =	stream.linear.gather [hbm4b:s29+s28], $0x2800, $0x38;
	[tilespmem:$0x9C00] =	vst v63  }
0x5a: {  	_ =	swait.ge [sflag:s9], $0x2800  }
0x5b: {  	[sflag:s9] =	ssyncset.done $0x0  }
0x5c: {  	s30 =	simm.s32 $0x2800;
	s29 =	rddreg [dreg:$0xf];
	[sflag:s9] =	ssyncadd.s32 $0xFFFFD800  }
0x5d: {  	[tilespmem:s30], [sflag:$0x9] =	stream.linear.gather [hbm4b:s29+s28], $0x2800, $0x38;
	[tilespmem:$0x9C00] =	vst v63  }
0x5e: {  	_ =	swait.ge [sflag:s9], $0x2800  }
0x5f: {  	[sflag:s9] =	ssyncset.done $0x0  }
0x60: {  	[sflag:s9] =	ssyncadd.s32 $0xFFFFD800  }
0x61: {  	[bflag:$0x0] =	sbarrier.arrive $0xFFFF  }
0x62: {  	[tilespmem:s13], [sflag:$0x1] =	stream.indirect.gather [hbm4b:s1+s10], $0x10, s28, s10, $0xb8;
	[tilespmem:$0x9C00] =	vst v63  }
0x63: {  	_ = 	snop  }
0x64: {  	[tilespmem:s14], [sflag:$0x2] =	stream.indirect.gather [hbm4b:s1+s10], $0x10, s10, s10, $0xb8;
	[tilespmem:$0x9C00] =	vst v63  }
0x65: {  	s28 =	simm.s32 $0x100  }
0x66: {  	[tilespmem:s16], [sflag:$0x3] =	stream.indirect.gather [hbm4b:s1+s10], $0x10, s28, s10, $0xb8;
	[tilespmem:$0x9C00] =	vst v63  }
0x67: {  	s28 =	simm.s32 $0x180  }
0x68: {  	[tilespmem:s17], [sflag:$0x4] =	stream.indirect.gather [hbm4b:s1+s10], $0x10, s28, s10, $0xb8;
	[tilespmem:$0x9C00] =	vst v63  }
0x69: {  	_ =	swait.ge [sflag:s18], $0x800  }
0x6a: {  	[sflag:s18] =	ssyncset.done $0x0  }
0x6b: {  	s28 =	simm.s32 $0x2800;
	[sflag:s18] =	ssyncadd.s32 $0xFFFFF800  }
0x6c: {  	[spmem:s12] =	stream.indirect.scatter.add.f32 [tilespmem:s13], [sflag:$0x5], $0x10, s28, s10, $0xb8;
	[tilespmem:$0x9C00] =	vst v63  }
0x6d: {  	_ =	swait.ge [sflag:s19], $0x800  }
0x6e: {  	[sflag:s19] =	ssyncset.done $0x0  }
0x6f: {  	s28 =	simm.s32 $0x200;
	[sflag:s19] =	ssyncadd.s32 $0xFFFFF800  }
0x70: {  	[tilespmem:s13], [sflag:$0x1] =	stream.indirect.gather [hbm4b:s1+s10], $0x10, s28, s10, $0xb8;
	[tilespmem:$0x9C00] =	vst v63  }
0x71: {  	_ =	swait.ge [sflag:s20], $0x800  }
0x72: {  	[sflag:s20] =	ssyncset.done $0x0  }
0x73: {  	s28 =	simm.s32 $0x2880;
	[sflag:s20] =	ssyncadd.s32 $0xFFFFF800  }
0x74: {  	[spmem:s12] =	stream.indirect.scatter.add.f32 [tilespmem:s14], [sflag:$0x6], $0x10, s28, s10, $0xb8;
	[tilespmem:$0x9C00] =	vst v63  }
0x75: {  	_ =	swait.ge [sflag:s21], $0x800  }
0x76: {  	[sflag:s21] =	ssyncset.done $0x0  }
0x77: {  	s28 =	simm.s32 $0x280;
	[sflag:s21] =	ssyncadd.s32 $0xFFFFF800  }
0x78: {  	[tilespmem:s14], [sflag:$0x2] =	stream.indirect.gather [hbm4b:s1+s10], $0x10, s28, s10, $0xb8;
	[tilespmem:$0x9C00] =	vst v63  }
0x79: {  	_ =	swait.ge [sflag:s22], $0x800  }
0x7a: {  	[sflag:s22] =	ssyncset.done $0x0  }
0x7b: {  	s28 =	simm.s32 $0x2900;
	[sflag:s22] =	ssyncadd.s32 $0xFFFFF800  }
0x7c: {  	[spmem:s12] =	stream.indirect.scatter.add.f32 [tilespmem:s16], [sflag:$0x7], $0x10, s28, s10, $0xb8;
	[tilespmem:$0x9C00] =	vst v63  }
0x7d: {  	_ =	swait.ge [sflag:s23], $0x800  }
0x7e: {  	[sflag:s23] =	ssyncset.done $0x0  }
0x7f: {  	s28 =	simm.s32 $0x300;
	[sflag:s23] =	ssyncadd.s32 $0xFFFFF800  }
0x80: {  	[tilespmem:s16], [sflag:$0x3] =	stream.indirect.gather [hbm4b:s1+s10], $0x10, s28, s10, $0xb8;
	[tilespmem:$0x9C00] =	vst v63  }
0x81: {  	_ =	swait.ge [sflag:s24], $0x800  }
0x82: {  	[sflag:s24] =	ssyncset.done $0x0  }
0x83: {  	s28 =	simm.s32 $0x2980;
	[sflag:s24] =	ssyncadd.s32 $0xFFFFF800  }
0x84: {  	[spmem:s12] =	stream.indirect.scatter.add.f32 [tilespmem:s17], [sflag:$0x8], $0x10, s28, s10, $0xb8;
	[tilespmem:$0x9C00] =	vst v63  }
0x85: {  	_ =	swait.ge [sflag:s25], $0x800  }
0x86: {  	[sflag:s25] =	ssyncset.done $0x0  }
0x87: {  	s29 =	simm.s32 $0x380;
	s28 =	simm.s32 $0x800;
	[sflag:s25] =	ssyncadd.s32 $0xFFFFF800  }
.LBB2_4:
0x88: {  	[tilespmem:s17], [sflag:$0x4] =	stream.indirect.gather [hbm4b:s1+s10], $0x10, s29, s10, $0xb8;
	[tilespmem:$0x9C00] =	vst v63  }
0x89: {  	s29 =	smov.u32 s28  }
0x8a: {  	p0 =	sne.s32 s28, $0x9000;
	s28 =	sadd.s32 $0x800, s28;
	_ =	swait.ge [sflag:s18], $0x800  }
0x8b: {  	s29 =	sshra.s32 s29, $0x2;
	[sflag:s18] =	ssyncset.done $0x0  }
0x8c: {  	s30 =	sadd.s32 $0x2800, s29;
	[sflag:s18] =	ssyncadd.s32 $0xFFFFF800  }
0x8d: {  	[spmem:s12] =	stream.indirect.scatter.add.f32 [tilespmem:s13], [sflag:$0x5], $0x10, s30, s10, $0xb8;
	[tilespmem:$0x9C00] =	vst v63  }
0x8e: {  	_ =	swait.ge [sflag:s19], $0x800  }
0x8f: {  	[sflag:s19] =	ssyncset.done $0x0  }
0x90: {  	s30 =	sadd.s32 $0x200, s29;
	[sflag:s19] =	ssyncadd.s32 $0xFFFFF800  }
0x91: {  	[tilespmem:s13], [sflag:$0x1] =	stream.indirect.gather [hbm4b:s1+s10], $0x10, s30, s10, $0xb8;
	[tilespmem:$0x9C00] =	vst v63  }
0x92: {  	_ =	swait.ge [sflag:s20], $0x800  }
0x93: {  	[sflag:s20] =	ssyncset.done $0x0  }
0x94: {  	s30 =	sadd.s32 $0x2880, s29;
	[sflag:s20] =	ssyncadd.s32 $0xFFFFF800  }
0x95: {  	[spmem:s12] =	stream.indirect.scatter.add.f32 [tilespmem:s14], [sflag:$0x6], $0x10, s30, s10, $0xb8;
	[tilespmem:$0x9C00] =	vst v63  }
0x96: {  	_ =	swait.ge [sflag:s21], $0x800  }
0x97: {  	[sflag:s21] =	ssyncset.done $0x0  }
0x98: {  	s30 =	sadd.s32 $0x280, s29;
	[sflag:s21] =	ssyncadd.s32 $0xFFFFF800  }
0x99: {  	[tilespmem:s14], [sflag:$0x2] =	stream.indirect.gather [hbm4b:s1+s10], $0x10, s30, s10, $0xb8;
	[tilespmem:$0x9C00] =	vst v63  }
0x9a: {  	_ =	swait.ge [sflag:s22], $0x800  }
0x9b: {  	[sflag:s22] =	ssyncset.done $0x0  }
0x9c: {  	s30 =	sadd.s32 $0x2900, s29;
	[sflag:s22] =	ssyncadd.s32 $0xFFFFF800  }
0x9d: {  	[spmem:s12] =	stream.indirect.scatter.add.f32 [tilespmem:s16], [sflag:$0x7], $0x10, s30, s10, $0xb8;
	[tilespmem:$0x9C00] =	vst v63  }
0x9e: {  	_ =	swait.ge [sflag:s23], $0x800  }
0x9f: {  	[sflag:s23] =	ssyncset.done $0x0  }
0xa0: {  	s30 =	sadd.s32 $0x300, s29;
	[sflag:s23] =	ssyncadd.s32 $0xFFFFF800  }
0xa1: {  	[tilespmem:s16], [sflag:$0x3] =	stream.indirect.gather [hbm4b:s1+s10], $0x10, s30, s10, $0xb8;
	[tilespmem:$0x9C00] =	vst v63  }
0xa2: {  	_ =	swait.ge [sflag:s24], $0x800  }
0xa3: {  	[sflag:s24] =	ssyncset.done $0x0  }
.Ltmp1:
0xa4: {  	s30 =	sadd.s32 $0x2980, s29;
	[sflag:s24] =	ssyncadd.s32 $0xFFFFF800;
	(pc) =	sbr.rel @p0 .LBB2_4-.Ltmp1, $4  }
0xa5: {  	[spmem:s12] =	stream.indirect.scatter.add.f32 [tilespmem:s17], [sflag:$0x8], $0x10, s30, s10, $0xb8;
	[tilespmem:$0x9C00] =	vst v63  }
0xa6: {  	_ =	swait.ge [sflag:s25], $0x800  }
0xa7: {  	[sflag:s25] =	ssyncset.done $0x0  }
0xa8: {  	s29 =	sadd.s32 $0x380, s29;
	[sflag:s25] =	ssyncadd.s32 $0xFFFFF800  }
0xa9: {  	[tilespmem:s17], [sflag:$0x4] =	stream.indirect.gather [hbm4b:s1+s10], $0x10, s29, s10, $0xb8;
	[tilespmem:$0x9C00] =	vst v63  }
0xaa: {  	_ =	swait.ge [sflag:s18], $0x800  }
0xab: {  	[sflag:s18] =	ssyncset.done $0x0  }
0xac: {  	s28 =	simm.s32 $0x4E00;
	[sflag:s18] =	ssyncadd.s32 $0xFFFFF800  }
0xad: {  	[spmem:s12] =	stream.indirect.scatter.add.f32 [tilespmem:s13], [sflag:$0x5], $0x10, s28, s10, $0xb8;
	[tilespmem:$0x9C00] =	vst v63  }
0xae: {  	_ =	swait.ge [sflag:s20], $0x800  }
0xaf: {  	[sflag:s20] =	ssyncset.done $0x0  }
0xb0: {  	s29 =	simm.s32 $0x4E80;
	[sflag:s20] =	ssyncadd.s32 $0xFFFFF800  }
0xb1: {  	[spmem:s12] =	stream.indirect.scatter.add.f32 [tilespmem:s14], [sflag:$0x6], $0x10, s29, s10, $0xb8;
	[tilespmem:$0x9C00] =	vst v63  }
0xb2: {  	_ =	swait.ge [sflag:s22], $0x800  }
0xb3: {  	[sflag:s22] =	ssyncset.done $0x0  }
0xb4: {  	s30 =	simm.s32 $0x4F00;
	[sflag:s22] =	ssyncadd.s32 $0xFFFFF800  }
0xb5: {  	[spmem:s12] =	stream.indirect.scatter.add.f32 [tilespmem:s16], [sflag:$0x7], $0x10, s30, s10, $0xb8;
	[tilespmem:$0x9C00] =	vst v63  }
0xb6: {  	_ =	swait.ge [sflag:s24], $0x800  }
0xb7: {  	[sflag:s24] =	ssyncset.done $0x0  }
0xb8: {  	s29 =	simm.s32 $0x4F80;
	[sflag:s24] =	ssyncadd.s32 $0xFFFFF800  }
0xb9: {  	[spmem:s12] =	stream.indirect.scatter.add.f32 [tilespmem:s17], [sflag:$0x8], $0x10, s29, s10, $0xb8;
	[tilespmem:$0x9C00] =	vst v63  }
0xba: {  	_ =	swait.ge [sflag:s19], $0x800  }
0xbb: {  	[sflag:s19] =	ssyncset.done $0x0  }
0xbc: {  	[sflag:s19] =	ssyncadd.s32 $0xFFFFF800  }
0xbd: {  	_ =	swait.ge [sflag:s21], $0x800  }
0xbe: {  	[sflag:s21] =	ssyncset.done $0x0  }
0xbf: {  	[sflag:s21] =	ssyncadd.s32 $0xFFFFF800  }
0xc0: {  	_ =	swait.ge [sflag:s23], $0x800  }
0xc1: {  	[sflag:s23] =	ssyncset.done $0x0  }
0xc2: {  	[sflag:s23] =	ssyncadd.s32 $0xFFFFF800  }
0xc3: {  	_ =	swait.ge [sflag:s25], $0x800  }
0xc4: {  	[sflag:s25] =	ssyncset.done $0x0  }
0xc5: {  	[sflag:s25] =	ssyncadd.s32 $0xFFFFF800  }
0xc6: {  	[bflag:$0x0] =	sbarrier.arrive $0xFFFF  }
0xc7: {  	s30 =	rddreg [dreg:$0x10]  }
0xc8: {  	[tilespmem:s8], [sflag:$0x9] =	stream.linear.gather [spmem:s30], $0x400, $0x38;
	[tilespmem:$0x9C00] =	vst v63  }
0xc9: {  	_ =	swait.ge [sflag:s9], $0x400  }
0xca: {  	[sflag:s9] =	ssyncset.done $0x0  }
0xcb: {  	s29 =	rddreg [dreg:$0x4];
	[sflag:s9] =	ssyncadd.s32 $0xFFFFFC00  }
0xcc: {  	[hbm4b:s29+s2] =	stream.linear.scatter [tilespmem:s8], [sflag:$0x9], $0x400, $0x38;
	[tilespmem:$0x9C00] =	vst v63  }
0xcd: {  	_ =	swait.ge [sflag:s9], $0x400  }
0xce: {  	[sflag:s9] =	ssyncset.done $0x0  }
0xcf: {  	s30 =	rddreg [dreg:$0x12];
	[sflag:s9] =	ssyncadd.s32 $0xFFFFFC00  }
0xd0: {  	[tilespmem:s8], [sflag:$0x9] =	stream.linear.gather [spmem:s30], $0x400, $0x38;
	[tilespmem:$0x9C00] =	vst v63  }
0xd1: {  	_ =	swait.ge [sflag:s9], $0x400  }
0xd2: {  	[sflag:s9] =	ssyncset.done $0x0  }
0xd3: {  	s29 =	rddreg [dreg:$0x5];
	[sflag:s9] =	ssyncadd.s32 $0xFFFFFC00  }
0xd4: {  	[hbm4b:s29+s2] =	stream.linear.scatter [tilespmem:s8], [sflag:$0x9], $0x400, $0x38;
	[tilespmem:$0x9C00] =	vst v63  }
0xd5: {  	_ =	swait.ge [sflag:s9], $0x400  }
0xd6: {  	[sflag:s9] =	ssyncset.done $0x0  }
0xd7: {  	s30 =	rddreg [dreg:$0x13];
	[sflag:s9] =	ssyncadd.s32 $0xFFFFFC00  }
0xd8: {  	[tilespmem:s8], [sflag:$0x9] =	stream.linear.gather [spmem:s30], $0x400, $0x38;
	[tilespmem:$0x9C00] =	vst v63  }
0xd9: {  	_ =	swait.ge [sflag:s9], $0x400  }
0xda: {  	[sflag:s9] =	ssyncset.done $0x0  }
0xdb: {  	s29 =	rddreg [dreg:$0x6];
	[sflag:s9] =	ssyncadd.s32 $0xFFFFFC00  }
0xdc: {  	[hbm4b:s29+s2] =	stream.linear.scatter [tilespmem:s8], [sflag:$0x9], $0x400, $0x38;
	[tilespmem:$0x9C00] =	vst v63  }
0xdd: {  	_ =	swait.ge [sflag:s9], $0x400  }
0xde: {  	[sflag:s9] =	ssyncset.done $0x0  }
0xdf: {  	s30 =	rddreg [dreg:$0x14];
	[sflag:s9] =	ssyncadd.s32 $0xFFFFFC00  }
0xe0: {  	[tilespmem:s8], [sflag:$0x9] =	stream.linear.gather [spmem:s30], $0x400, $0x38;
	[tilespmem:$0x9C00] =	vst v63  }
0xe1: {  	_ =	swait.ge [sflag:s9], $0x400  }
0xe2: {  	[sflag:s9] =	ssyncset.done $0x0  }
0xe3: {  	s29 =	rddreg [dreg:$0x7];
	[sflag:s9] =	ssyncadd.s32 $0xFFFFFC00  }
0xe4: {  	[hbm4b:s29+s2] =	stream.linear.scatter [tilespmem:s8], [sflag:$0x9], $0x400, $0x38;
	[tilespmem:$0x9C00] =	vst v63  }
0xe5: {  	_ =	swait.ge [sflag:s9], $0x400  }
0xe6: {  	[sflag:s9] =	ssyncset.done $0x0  }
0xe7: {  	s30 =	rddreg [dreg:$0x15];
	[sflag:s9] =	ssyncadd.s32 $0xFFFFFC00  }
0xe8: {  	[tilespmem:s8], [sflag:$0x9] =	stream.linear.gather [spmem:s30], $0x400, $0x38;
	[tilespmem:$0x9C00] =	vst v63  }
0xe9: {  	_ =	swait.ge [sflag:s9], $0x400  }
0xea: {  	[sflag:s9] =	ssyncset.done $0x0  }
0xeb: {  	s29 =	rddreg [dreg:$0x8];
	[sflag:s9] =	ssyncadd.s32 $0xFFFFFC00  }
0xec: {  	[hbm4b:s29+s2] =	stream.linear.scatter [tilespmem:s8], [sflag:$0x9], $0x400, $0x38;
	[tilespmem:$0x9C00] =	vst v63  }
0xed: {  	_ =	swait.ge [sflag:s9], $0x400  }
0xee: {  	[sflag:s9] =	ssyncset.done $0x0  }
0xef: {  	s30 =	rddreg [dreg:$0x16];
	[sflag:s9] =	ssyncadd.s32 $0xFFFFFC00  }
0xf0: {  	[tilespmem:s8], [sflag:$0x9] =	stream.linear.gather [spmem:s30], $0x400, $0x38;
	[tilespmem:$0x9C00] =	vst v63  }
0xf1: {  	_ =	swait.ge [sflag:s9], $0x400  }
0xf2: {  	[sflag:s9] =	ssyncset.done $0x0  }
0xf3: {  	s29 =	rddreg [dreg:$0x9];
	[sflag:s9] =	ssyncadd.s32 $0xFFFFFC00  }
0xf4: {  	[hbm4b:s29+s2] =	stream.linear.scatter [tilespmem:s8], [sflag:$0x9], $0x400, $0x38;
	[tilespmem:$0x9C00] =	vst v63  }
0xf5: {  	_ =	swait.ge [sflag:s9], $0x400  }
0xf6: {  	[sflag:s9] =	ssyncset.done $0x0  }
0xf7: {  	s30 =	rddreg [dreg:$0x17];
	[sflag:s9] =	ssyncadd.s32 $0xFFFFFC00  }
0xf8: {  	[tilespmem:s8], [sflag:$0x9] =	stream.linear.gather [spmem:s30], $0x400, $0x38;
	[tilespmem:$0x9C00] =	vst v63  }
0xf9: {  	_ =	swait.ge [sflag:s9], $0x400  }
0xfa: {  	[sflag:s9] =	ssyncset.done $0x0  }
0xfb: {  	s29 =	rddreg [dreg:$0xa];
	[sflag:s9] =	ssyncadd.s32 $0xFFFFFC00  }
0xfc: {  	[hbm4b:s29+s2] =	stream.linear.scatter [tilespmem:s8], [sflag:$0x9], $0x400, $0x38;
	[tilespmem:$0x9C00] =	vst v63  }
0xfd: {  	_ =	swait.ge [sflag:s9], $0x400  }
0xfe: {  	[sflag:s9] =	ssyncset.done $0x0  }
0xff: {  	s30 =	rddreg [dreg:$0x18];
	[sflag:s9] =	ssyncadd.s32 $0xFFFFFC00  }
0x100: {  	[tilespmem:s8], [sflag:$0x9] =	stream.linear.gather [spmem:s30], $0x400, $0x38;
	[tilespmem:$0x9C00] =	vst v63  }
0x101: {  	_ =	swait.ge [sflag:s9], $0x400  }
0x102: {  	[sflag:s9] =	ssyncset.done $0x0  }
0x103: {  	s29 =	rddreg [dreg:$0xb];
	[sflag:s9] =	ssyncadd.s32 $0xFFFFFC00  }
0x104: {  	[hbm4b:s29+s2] =	stream.linear.scatter [tilespmem:s8], [sflag:$0x9], $0x400, $0x38;
	[tilespmem:$0x9C00] =	vst v63  }
0x105: {  	_ =	swait.ge [sflag:s9], $0x400  }
0x106: {  	[sflag:s9] =	ssyncset.done $0x0  }
0x107: {  	s30 =	rddreg [dreg:$0x19];
	[sflag:s9] =	ssyncadd.s32 $0xFFFFFC00  }
0x108: {  	[tilespmem:s8], [sflag:$0x9] =	stream.linear.gather [spmem:s30], $0x400, $0x38;
	[tilespmem:$0x9C00] =	vst v63  }
0x109: {  	_ =	swait.ge [sflag:s9], $0x400  }
0x10a: {  	[sflag:s9] =	ssyncset.done $0x0  }
0x10b: {  	s29 =	rddreg [dreg:$0xc];
	[sflag:s9] =	ssyncadd.s32 $0xFFFFFC00  }
0x10c: {  	[hbm4b:s29+s2] =	stream.linear.scatter [tilespmem:s8], [sflag:$0x9], $0x400, $0x38;
	[tilespmem:$0x9C00] =	vst v63  }
0x10d: {  	_ =	swait.ge [sflag:s9], $0x400  }
0x10e: {  	[sflag:s9] =	ssyncset.done $0x0  }
0x10f: {  	s30 =	rddreg [dreg:$0x1a];
	[sflag:s9] =	ssyncadd.s32 $0xFFFFFC00  }
0x110: {  	[tilespmem:s8], [sflag:$0x9] =	stream.linear.gather [spmem:s30], $0x400, $0x38;
	[tilespmem:$0x9C00] =	vst v63  }
0x111: {  	_ =	swait.ge [sflag:s9], $0x400  }
0x112: {  	[sflag:s9] =	ssyncset.done $0x0  }
0x113: {  	s29 =	rddreg [dreg:$0xd];
	[sflag:s9] =	ssyncadd.s32 $0xFFFFFC00  }
0x114: {  	[hbm4b:s29+s2] =	stream.linear.scatter [tilespmem:s8], [sflag:$0x9], $0x400, $0x38;
	[tilespmem:$0x9C00] =	vst v63  }
0x115: {  	_ =	swait.ge [sflag:s9], $0x400  }
0x116: {  	s26 =	sadd.s32 $0x1, s26;
	s30 =	rddreg [dreg:$0x11]  }
0x117: {  	p0 =	sne.s32 s26, s30  }
.Ltmp2:
0x118: {  	_ = 	snop;
	(pc) =	sbr.rel @p0 .LBB2_1-.Ltmp2, $3  }
0x119: {  	_ =	sdelay $0x1  }
0x11a: {  	[sflag:s9] =	ssyncset.done $0x0  }
0x11b: {  	[sflag:s9] =	ssyncadd.s32 $0xFFFFFC00  }
0x11c: {  	_ =	sfence.sel $0x180000  }
0x11d: {  	[bflag:$0x0] =	sbarrier.arrive $0xFFFF  }
0x11e: {  	_ =	strace $0x9000004D  }
0x11f: {  	s0 =	stileid.u32;
	[bflag:$0x2] =	sbarrier.arrive $0xFFFF  }
0x120: {  	p0 =	sne.s32 s0, $0x0;
	s0 =	rddreg [dreg:$0x3]  }
0x121: {  	s0 =	sadd.s32 @!p0 $0x100000, s0  }
0x122: {  	[sflag:s0] =	ssyncadd.tile.s32 @!p0 $0x1;
	_ =	shalt  }
.Lfunc_end2:
_tile_overlayer_lowered:
.L_overlay_start_2:
0x123: {  	(tag) =	ssettag $0x2  }
0x124: {  	s0 =	rddreg [dreg:$0x0];
	s2 =	stileid.u32  }
0x125: {  	s1 =	rddreg [dreg:$0x1];
	p0 =	sne.s32 s2, $0x0  }
0x126: {  	s3 =	rddreg [dreg:$0x2];
	[bflag:$0x3] =	sbarrier.arrive $0xFFFF;
	s2 =	simm.s32 @!p0 $0x1C09  }
0x127: {  	[timem:s3], [sflag:s2] =	dma.local @!p0 [hbm:s0], s1  }
0x128: {  	s0 =	simm.s32 @!p0 $0x9  }
0x129: {  	_ =	swait.ge @!p0 [sflag:s0], s1  }
0x12a: {  	s1 =	ssub.s32 @!p0 $0x0, s1;
	[sflag:s0] =	ssyncset.done @!p0 $0x0  }
0x12b: {  	[sflag:s0] =	ssyncadd.s32 @!p0 s1  }
0x12c: {  	[bflag:$0x3] =	sbarrier.arrive $0xFFFF  }
0x12d: {  	_ =	shalt  }

// kernel: kernel.8.cloned.1.call-start
scs
__scs_entry_jumppad:
0x0: {  	(pc) =	sbr.rel $0x88, $3  }
0x1: {  	(tag) =	ssettag $0x0;
	lr =	simm.s32 $0x1  }
0x2: {  	[smem:$0x3F94] =	sst lr;
	_ =	strace $0xD0000000  }
0x3: {  	_ = 	snop  }
0x4: {  	_ = 	snop  }
0x5: {  	_ = 	snop  }
0x6: {  	_ = 	snop  }
0x7: {  	_ = 	snop  }
__scs_overlays_trampoline_lowered:
0x8: {  	[smem:$0x3FA3] =	sst s0  }
0x9: {  	[smem:$0x3FA4] =	sst s1  }
0xa: {  	[smem:$0x3FA5] =	sst s2  }
0xb: {  	[smem:$0x3FA6] =	sst s3  }
0xc: {  	[smem:$0x3FA7] =	sst s4  }
0xd: {  	[smem:$0x3FA8] =	sst s5  }
0xe: {  	[smem:$0x3FA9] =	sst s6  }
0xf: {  	[smem:$0x3FAA] =	sst s7  }
0x10: {  	[smem:$0x3FAB] =	sst s8  }
0x11: {  	[smem:$0x3FAC] =	sst s9;
	s0 =	simm.s32 @!p0 $0x0  }
0x12: {  	s1 =	sld [smem:$0x3F92];
	s0 =	simm.s32 @p0 $0x1  }
0x13: {  	[smem:$0x3FAD] =	sst s0;
	s0 =	simm.s32 @!p1 $0x0  }
0x14: {  	s2 =	sld [smem:$0x3F91];
	s0 =	simm.s32 @p1 $0x1  }
0x15: {  	[smem:$0x3FAE] =	sst s0;
	s0 =	simm.s32 @!p2 $0x0  }
0x16: {  	s3 =	sld [smem:$0x3FDB];
	s0 =	simm.s32 @p2 $0x1  }
0x17: {  	s4 =	simm.s32 $0x1BF5;
	[smem:$0x3FB0] =	sst s0  }
0x18: {  	s0 =	sld [smem:$0x3F93];
	_ =	swait.ge [sflag:s4], $0x0  }
0x19: {  	s7 =	sld [smem:$0x3F94]  }
0x1a: {  	s8 =	sadd.s32 $0xFFFFE003, lr  }
0x1b: {  	s9 =	sadd.s32 $0xFFFFFEF7, lr;
	s5 =	simm.s32 $0xFFFFFFFF;
	p2 =	slt.u32 s8, $0xFFFFF086  }
0x1c: {  	p1 =	slt.u32 s9, $0xF7A;
	s5 =	simm.s32 @!p2 $0x0  }
0x1d: {  	s5 =	simm.s32 @p1 $0x1;
	p0 =	seq.s32 s7, s2  }
0x1e: {  	s7 =	smul.u32 @!p0 $0xF7A, s2;
	p2 =	seq.s32 @!p0 s5, $0x0  }
0x1f: {  	s9 =	smul.u32 $0xF7A, s1;
	s8 =	simm.s32 @!p0 $0x1BF5;
	p2 =	por !p2, p0  }
0x20: {  	[sflag:s8] =	ssyncset.s32 @!p0 $0xFFFFF086;
	s6 =	sadd.s32 @!p0 s3, s7;
	s7 =	simm.s32 @!p0 $0x108  }
0x21: {  	s3 =	sadd.s32 s3, s9;
	s6 =	sadd.s32 @!p0 $0x88, s6;
	s7 =	simm.s32 @p2 $0x1082  }
0x22: {  	[simem:s7], [sflag:s8] =	dma.local @!p0 [hbm:s6], $0xF7A  }
0x23: {  	s9 =	sor.u32 $0xD0000000, s2;
	s6 =	simm.s32 $0x108;
	_ =	swait.ge @!p0 [sflag:s8], $0x0  }
0x24: {  	s3 =	sadd.s32 $0x88, s3;
	s6 =	simm.s32 @!p1 $0x1082;
	[sflag:s4] =	ssyncset.s32 $0xFFFFF086  }
0x25: {  	[simem:s6], [sflag:s4] =	dma.local [hbm:s3], $0xF7A  }
0x26: {  	[smem:$0x3F94] =	sst s1;
	(tag) =	ssettag s2;
	_ =	strace s9  }
0x27: {  	s1 =	sld [smem:$0x3FA4]  }
0x28: {  	s2 =	sld [smem:$0x3FA5]  }
0x29: {  	s4 =	sld [smem:$0x3FA7]  }
0x2a: {  	p0 =	seq.s32 s5, $0x0;
	s5 =	sld [smem:$0x3FA8]  }
0x2b: {  	s6 =	sld [smem:$0x3FA9]  }
0x2c: {  	s7 =	sld [smem:$0x3FAA]  }
0x2d: {  	s3 =	simm.s32 $0x108;
	s8 =	sld [smem:$0x3FAB]  }
0x2e: {  	s3 =	simm.s32 @!p0 $0x1082;
	s9 =	sld [smem:$0x3FAC]  }
0x2f: {  	lr =	sadd.s32 s0, s3;
	s0 =	sld [smem:$0x3FA3]  }
0x30: {  	s3 =	sld [smem:$0x3FA6]  }
0x31: {  	[smem:$0x3FAF] =	sst s10  }
0x32: {  	s10 =	sld [smem:$0x3FAD];
	_ =	sdelay $0x3  }
0x33: {  	p0 =	seq.s32 s10, $0x1;
	s10 =	sld [smem:$0x3FAF];
	_ =	sdelay $0x3  }
0x34: {  	[smem:$0x3FAF] =	sst s10  }
0x35: {  	s10 =	sld [smem:$0x3FAE];
	_ =	sdelay $0x3  }
0x36: {  	p1 =	seq.s32 s10, $0x1;
	s10 =	sld [smem:$0x3FAF];
	_ =	sdelay $0x3  }
0x37: {  	[smem:$0x3FAF] =	sst s10  }
0x38: {  	s10 =	sld [smem:$0x3FB0]  }
0x39: {  	_ = 	snop;
	(pc) =	sbr.ind lr, $3  }
0x3a: {  	_ = 	snop  }
0x3b: {  	_ = 	snop  }
0x3c: {  	p2 =	seq.s32 s10, $0x1;
	s10 =	sld [smem:$0x3FAF]  }
0x3d: {  	_ =	shalt  }
0x3e: {  	_ =	shalt  }
0x3f: {  	_ =	shalt  }
0x40: {  	_ =	shalt  }
0x41: {  	_ =	shalt  }
0x42: {  	_ =	shalt  }
0x43: {  	_ =	shalt  }
0x44: {  	_ =	shalt  }
0x45: {  	_ =	shalt  }
0x46: {  	_ =	shalt  }
0x47: {  	_ =	shalt  }
0x48: {  	_ =	shalt  }
0x49: {  	_ =	shalt  }
0x4a: {  	_ =	shalt  }
0x4b: {  	_ =	shalt  }
0x4c: {  	_ =	shalt  }
0x4d: {  	_ =	shalt  }
0x4e: {  	_ =	shalt  }
0x4f: {  	_ =	shalt  }
0x50: {  	_ =	shalt  }
0x51: {  	_ =	shalt  }
0x52: {  	_ =	shalt  }
0x53: {  	_ =	shalt  }
0x54: {  	_ =	shalt  }
0x55: {  	_ =	shalt  }
0x56: {  	_ =	shalt  }
0x57: {  	_ =	shalt  }
0x58: {  	_ =	shalt  }
0x59: {  	_ =	shalt  }
0x5a: {  	_ =	shalt  }
0x5b: {  	_ =	shalt  }
0x5c: {  	_ =	shalt  }
0x5d: {  	_ =	shalt  }
0x5e: {  	_ =	shalt  }
0x5f: {  	_ =	shalt  }
0x60: {  	_ =	shalt  }
0x61: {  	_ =	shalt  }
0x62: {  	_ =	shalt  }
0x63: {  	_ =	shalt  }
0x64: {  	_ =	shalt  }
0x65: {  	_ =	shalt  }
0x66: {  	_ =	shalt  }
0x67: {  	_ =	shalt  }
0x68: {  	_ =	shalt  }
0x69: {  	_ =	shalt  }
0x6a: {  	_ =	shalt  }
0x6b: {  	_ =	shalt  }
0x6c: {  	_ =	shalt  }
0x6d: {  	_ =	shalt  }
0x6e: {  	_ =	shalt  }
0x6f: {  	_ =	shalt  }
0x70: {  	_ =	shalt  }
0x71: {  	_ =	shalt  }
0x72: {  	_ =	shalt  }
0x73: {  	_ =	shalt  }
0x74: {  	_ =	shalt  }
0x75: {  	_ =	shalt  }
0x76: {  	_ =	shalt  }
0x77: {  	_ =	shalt  }
0x78: {  	_ =	shalt  }
0x79: {  	_ =	shalt  }
0x7a: {  	_ =	shalt  }
0x7b: {  	_ =	shalt  }
0x7c: {  	_ =	shalt  }
0x7d: {  	_ =	shalt  }
0x7e: {  	_ =	shalt  }
0x7f: {  	_ =	shalt  }
0x80: {  	_ =	shalt  }
0x81: {  	_ =	shalt  }
0x82: {  	_ =	shalt  }
0x83: {  	_ =	shalt  }
0x84: {  	_ =	shalt  }
0x85: {  	_ =	shalt  }
0x86: {  	_ =	shalt  }
0x87: {  	_ =	shalt  }
.Lfunc_end0:
.L_simem_size_0:
called_computation_lowered:
.L_overlay_start_0:
0x88: {  	s2 =	sld [smem:$0x3FD9]  }
0x89: {  	s3 =	sld [smem:$0x3FFE];
	_ =	sdelay $0x1  }
0x8a: {  	s1 =	srdreg.scid  }
0x8b: {  	s0 =	sand.u32 $0x1, s1  }
0x8c: {  	s16 =	sshll.u32 s0, $0xA;
	s2 =	sadd.s32 s3, s2  }
0x8d: {  	s2 =	sadd.s32 s2, s16  }
0x8e: {  	[smem:$0x3FBB] =	sst s2  }
0x8f: {  	_ = 	snop  }
0x90: {  	(tm) =	ssettm $0x1  }
0x91: {  	s17 =	sld [smem:$0x3FFB];
	_ =	sdelay $0x3  }
0x92: {  	_ =	strace s17  }
0x93: {  	s2 =	sld [smem:$0x3FFC];
	_ =	sdelay $0x3  }
0x94: {  	_ =	strace s2  }
0x95: {  	s2 =	sld [smem:$0x3FFD];
	_ =	sdelay $0x3  }
0x96: {  	_ =	strace s2  }
0x97: {  	_ =	strace $0x8FFFFFFF  }
0x98: {  	s18 =	sld [smem:$0x3FDB];
	_ =	sdelay $0x1  }
0x99: {  	s19 =	simm.s32 $_scs_section_size  }
0x9a: {  	s4 =	simm.s32 $_size__tile_overlayer_lowered;
	s5 =	simm.s32 $_tile_overlayer_lowered  }
0x9b: {  	s22 =	simm.s32 $0x1BFF;
	s21 =	sshll.u32 s5, $0x1;
	s2 =	sadd.s32 s19, s18  }
0x9c: {  	s6 =	simm.s32 $0x0;
	s20 =	sshll.u32 s4, $0x1;
	s4 =	sadd.s32 s21, s2  }
0x9d: {  	[timem:s6], [sflag:s22] =	dma.local [hbm:s4], s20  }
0x9e: {  	_ =	swait.ge [sflag:s22], s20  }
0x9f: {  	s3 =	ssub.s32 $0x0, s20;
	[sflag:s22] =	ssyncset.done $0x0  }
0xa0: {  	[sflag:s22] =	ssyncadd.s32 s3;
	_ =	sdelay $0x1  }
0xa1: {  	s23 =	simm.s32 $0x1B8B  }
0xa2: {  	_ =	swait.ge [sflag:s23], $0x1  }
0xa3: {  	[sflag:s23] =	ssyncset.done $0x0  }
0xa4: {  	s25 =	simm.s32 $0x1B8E;
	s24 =	sld [smem:$0x3FFE];
	[sflag:s23] =	ssyncadd.s32 $0xFFFFFFFF  }
0xa5: {  	s26 =	simm.s32 $execute0_lowered;
	[smem:$0x3FD2] =	sst s25  }
0xa6: {  	s4 =	sshll.u32 s26, $0x1;
	_ =	strace $0x80000046;
	[dreg:$0x1] =	wrdreg $0xFFFFFFFF  }
0xa7: {  	s28 =	simm.s32 $_size_execute0_lowered;
	s2 =	sadd.s32 s2, s4;
	[dreg:$0x0] =	wrdreg $0x0  }
0xa8: {  	s4 =	sshll.u32 s28, $0x1;
	[dreg:$0x2] =	wrdreg s2  }
0xa9: {  	[dreg:$0x3] =	wrdreg s4  }
0xaa: {  	[dreg:$0x4] =	wrdreg $0xC0  }
0xab: {  	_ =	task [dreg:s6], $0x5FFFF  }
0xac: {  	[dreg:$0x1] =	wrdreg $0xFFFFFFFF  }
0xad: {  	[dreg:$0x0] =	wrdreg $0x60  }
0xae: {  	[dreg:$0x2] =	wrdreg s24  }
0xaf: {  	[dreg:$0x3] =	wrdreg $0x34000  }
0xb0: {  	[dreg:$0x4] =	wrdreg $0x9  }
0xb1: {  	_ =	task.clear_ibuf [dreg:s6], $0x5FFFF;
	_ =	strace $0x90000046  }
0xb2: {  	s29 =	simm.s32 $0x9;
	_ =	strace $0x80000048  }
0xb3: {  	_ =	swait.ge [sflag:s29], $0x1  }
0xb4: {  	[sflag:s29] =	ssyncadd.s32 $0xFFFFFFFF  }
0xb5: {  	_ =	strace $0x90000048  }
0xb6: {  	_ =	sfence  }
0xb7: {  	s30 =	sld [smem:$0x0];
	_ =	sdelay $0x2  }
0xb8: {  	s31 =	sshll.u32 s1, $0xD;
	s1 =	sshrl.u32 s1, $0x2  }
0xb9: {  	s3 =	sand.u32 $0x4000, s31;
	s1 =	sadd.s32 s1, s30  }
0xba: {  	s0 =	sor.u32 s3, s0;
	s1 =	sshll.u32 s1, $0x11  }
0xbb: {  	s0 =	sor.u32 s1, s0  }
0xbc: {  	s0 =	sadd.s32 $0x8F2B, s0  }
0xbd: {  	[sflag:s0] =	ssyncadd.remote.s32 $0x1  }
0xbe: {  	_ =	sfence.sel $0xFFFF  }
0xbf: {  	[dreg:$0x0] =	wrdreg $0xFFFFFFFF;
	(pc) =	sbr.abs _section_cstart, $3  }
0xc0: {  	[dreg:$0x1] =	wrdreg $0xFFFFFFFF  }
0xc1: {  	_ =	task.clear_ibuf [dreg:s6], $0x2FFFF;
	_ =	strace $0x9FFFFFFF  }
0xc2: {  	(tm) =	ssettm $0x7FFFFFFF  }
0xc3: {  	_ =	shalt  }
tec
execute0_lowered:
.L_overlay_start_1:
0x0: {  	(tag) =	ssettag $0x1  }
0x1: {  	s0 =	srdreg.scid  }
0x2: {  	s7 =	stileid.u32;
	s3 =	rddreg [dreg:$0x0];
	s0 =	sand.u32 $0x1, s0  }
0x3: {  	s4 =	smul.u32 $0x2800, s7;
	s1 =	sshll.u32 s0, $0x4;
	s5 =	ssub.s32 $0x2, s0  }
0x4: {  	s0 =	smul.u32 $0x28000, s0;
	s2 =	sor.u32 s7, s1;
	s1 =	simm.s32 $0x0  }
0x5: {  	s6 =	sshrl.u32 s5, $0x1;
	s7 =	smul.u32 $0xA000, s7;
	s8 =	sor.u32 $0x400, s4  }
0x6: {  	s25 =	sadd.s32 $0x2000, s4;
	s26 =	sadd.s32 $0x2400, s4;
	s2 =	smul.u32 $0x500, s2  }
0x7: {  	[smem:$0x7FF] =	sst s1;
	s5 =	ssub.s32 s5, s6;
	s10 =	sadd.s32 s0, s4  }
0x8: {  	s9 =	sadd.s32 s0, s8;
	s21 =	sadd.s32 s0, s25;
	s7 =	sshrl.u32 s7, $0x2  }
0x9: {  	s6 =	sshrl.u32 s10, $0x3;
	s11 =	sshrl.u32 s9, $0x3;
	s9 =	sadd.s32 $0x800, s4  }
0xa: {  	s10 =	sadd.s32 $0xC00, s4;
	s2 =	sadd.s32 s2, s3;
	s3 =	sadd.s32 $0xC800, s3  }
0xb: {  	s24 =	smax.u32 s5, $0x1;
	s5 =	simm.s32 $0x3000;
	s6 =	sadd.s32 s3, s6  }
0xc: {  	s12 =	sadd.s32 s0, s9;
	[dreg:$0x3] =	wrdreg s6;
	s6 =	sadd.s32 s3, s11  }
0xd: {  	s22 =	sadd.s32 $0x2800, s2;
	s11 =	sadd.s32 s0, s10;
	[dreg:$0x4] =	wrdreg s6  }
0xe: {  	s6 =	sshrl.u32 s12, $0x3;
	s12 =	sadd.s32 $0x1000, s4;
	s13 =	sshrl.u32 s11, $0x3  }
0xf: {  	s11 =	rddreg [dreg:$0x1];
	s6 =	sadd.s32 s3, s6;
	s14 =	sadd.s32 s0, s12  }
0x10: {  	s23 =	sadd.s32 s4, s11;
	s25 =	sadd.s32 s25, s11;
	[dreg:$0x5] =	wrdreg s6  }
0x11: {  	s6 =	sadd.s32 s3, s13;
	s15 =	sshrl.u32 s14, $0x3;
	s13 =	sadd.s32 $0x1400, s4  }
0x12: {  	s14 =	sadd.s32 s7, s11;
	s7 =	simm.s32 $0x80;
	[dreg:$0x6] =	wrdreg s6  }
0x13: {  	s6 =	sadd.s32 s3, s15;
	s16 =	sadd.s32 s0, s13;
	s15 =	sadd.s32 $0x1800, s4  }
0x14: {  	s28 =	sadd.s32 $0x400, s14;
	s29 =	sadd.s32 $0x800, s14;
	s30 =	sadd.s32 $0xC00, s14  }
0x15: {  	s31 =	sadd.s32 $0x1000, s14;
	s2 =	sadd.s32 $0x1C00, s14;
	[dreg:$0x7] =	wrdreg s6  }
0x16: {  	s6 =	sshrl.u32 s16, $0x3;
	s17 =	sadd.s32 s0, s15;
	s16 =	sadd.s32 $0x1C00, s4  }
0x17: {  	s4 =	sadd.s32 $0x2400, s14;
	s6 =	sadd.s32 s3, s6;
	s18 =	sshrl.u32 s17, $0x3  }
0x18: {  	s19 =	sadd.s32 s0, s16;
	s0 =	sadd.s32 s0, s26;
	s26 =	sadd.s32 s26, s11  }
0x19: {  	[dreg:$0x8] =	wrdreg s6;
	s6 =	sadd.s32 s3, s18;
	s20 =	sshrl.u32 s19, $0x3  }
0x1a: {  	s0 =	sshrl.u32 s0, $0x3;
	s18 =	sadd.s32 s8, s11;
	s19 =	sadd.s32 s9, s11  }
0x1b: {  	s8 =	simm.s32 $0x2800;
	[dreg:$0x9] =	wrdreg s6;
	s6 =	sadd.s32 s3, s20  }
0x1c: {  	s0 =	sadd.s32 s3, s0;
	[dreg:$0xa] =	wrdreg s6;
	s6 =	sshrl.u32 s21, $0x3  }
0x1d: {  	s9 =	simm.s32 $0x1;
	[dreg:$0xc] =	wrdreg s0;
	s6 =	sadd.s32 s3, s6  }
0x1e: {  	s20 =	sadd.s32 s10, s11;
	s10 =	sadd.s32 $0x1400, s14;
	[dreg:$0xb] =	wrdreg s6  }
0x1f: {  	s21 =	sadd.s32 s12, s11;
	_ =	strace $0x80000047;
	[dreg:$0xd] =	wrdreg s22  }
0x20: {  	s0 =	sadd.s32 $0x1800, s14;
	s12 =	simm.s32 $0x0;
	[dreg:$0xe] =	wrdreg s23  }
0x21: {  	s3 =	sadd.s32 $0x2000, s14;
	s6 =	simm.s32 $0x2;
	[dreg:$0xf] =	wrdreg s24  }
0x22: {  	v0 =	vimm.f32 $0.0e+00;
	v1 =	vimm.f32 $1.000000000e+00;
	s22 =	sadd.s32 s13, s11;
	s23 =	sadd.s32 s15, s11;
	s24 =	sadd.s32 s16, s11  }
.LBB2_1:
0x23: {  	s13 =	simm.s32 $0x0  }
.LBB2_2:
0x24: {  	p0 =	sne.s32 s13, $0xFC0  }
.Ltmp0:
0x25: {  	_ = 	snop;
	(pc) =	sbr.rel @p0 .LBB2_2-.Ltmp0, $3  }
0x26: {  	_ =	sdelay $0x1  }
0x27: {  	s15 =	sshra.s32 s13, $0x2  }
0x28: {  	s13 =	sadd.s32 $0x40, s13;
	[tilespmem:s15+$0x3000] =	vst v0  }
0x29: {  	s13 =	simm.s32 $0x40;
	s15 =	simm.s32 $0x0  }
.LBB2_4:
0x2a: {  	p0 =	sne.s32 s13, $0x1FC0;
	[tilespmem:s15+$0x2800] =	vst v1;
	s15 =	smov.u32 s13;
	s13 =	sadd.s32 $0x40, s13  }
.Ltmp1:
0x2b: {  	(pc) =	sbr.rel @p0 .LBB2_4-.Ltmp1, $2  }
0x2c: {  	_ =	sdelay $0x2  }
0x2d: {  	s15 =	sshra.s32 s15, $0x2  }
0x2e: {  	[tilespmem:s15+$0x2800] =	vst v1  }
0x2f: {  	[spmem:s14] =	stream.linear.scatter [tilespmem:s5], [sflag:$0x2], $0x400, $0x38;
	[tilespmem:$0x5C00] =	vst v63  }
0x30: {  	_ =	swait.ge [sflag:s6], $0x400  }
0x31: {  	[sflag:s6] =	ssyncset.done $0x0  }
0x32: {  	[sflag:s6] =	ssyncadd.s32 $0xFFFFFC00  }
0x33: {  	[spmem:s28] =	stream.linear.scatter [tilespmem:s5], [sflag:$0x2], $0x400, $0x38;
	[tilespmem:$0x5C00] =	vst v63  }
0x34: {  	_ =	swait.ge [sflag:s6], $0x400  }
0x35: {  	[sflag:s6] =	ssyncset.done $0x0  }
0x36: {  	[sflag:s6] =	ssyncadd.s32 $0xFFFFFC00  }
0x37: {  	[spmem:s29] =	stream.linear.scatter [tilespmem:s5], [sflag:$0x2], $0x400, $0x38;
	[tilespmem:$0x5C00] =	vst v63  }
0x38: {  	_ =	swait.ge [sflag:s6], $0x400  }
0x39: {  	[sflag:s6] =	ssyncset.done $0x0  }
0x3a: {  	[sflag:s6] =	ssyncadd.s32 $0xFFFFFC00  }
0x3b: {  	[spmem:s30] =	stream.linear.scatter [tilespmem:s5], [sflag:$0x2], $0x400, $0x38;
	[tilespmem:$0x5C00] =	vst v63  }
0x3c: {  	_ =	swait.ge [sflag:s6], $0x400  }
0x3d: {  	[sflag:s6] =	ssyncset.done $0x0  }
0x3e: {  	[sflag:s6] =	ssyncadd.s32 $0xFFFFFC00  }
0x3f: {  	[spmem:s31] =	stream.linear.scatter [tilespmem:s5], [sflag:$0x2], $0x400, $0x38;
	[tilespmem:$0x5C00] =	vst v63  }
0x40: {  	_ =	swait.ge [sflag:s6], $0x400  }
0x41: {  	[sflag:s6] =	ssyncset.done $0x0  }
0x42: {  	[sflag:s6] =	ssyncadd.s32 $0xFFFFFC00  }
0x43: {  	[spmem:s10] =	stream.linear.scatter [tilespmem:s5], [sflag:$0x2], $0x400, $0x38;
	[tilespmem:$0x5C00] =	vst v63  }
0x44: {  	_ =	swait.ge [sflag:s6], $0x400  }
0x45: {  	[sflag:s6] =	ssyncset.done $0x0  }
0x46: {  	[sflag:s6] =	ssyncadd.s32 $0xFFFFFC00  }
0x47: {  	[spmem:s0] =	stream.linear.scatter [tilespmem:s5], [sflag:$0x2], $0x400, $0x38;
	[tilespmem:$0x5C00] =	vst v63  }
0x48: {  	_ =	swait.ge [sflag:s6], $0x400  }
0x49: {  	[sflag:s6] =	ssyncset.done $0x0  }
0x4a: {  	[sflag:s6] =	ssyncadd.s32 $0xFFFFFC00  }
0x4b: {  	[spmem:s2] =	stream.linear.scatter [tilespmem:s5], [sflag:$0x2], $0x400, $0x38;
	[tilespmem:$0x5C00] =	vst v63  }
0x4c: {  	_ =	swait.ge [sflag:s6], $0x400  }
0x4d: {  	[sflag:s6] =	ssyncset.done $0x0  }
0x4e: {  	[sflag:s6] =	ssyncadd.s32 $0xFFFFFC00  }
0x4f: {  	[spmem:s3] =	stream.linear.scatter [tilespmem:s5], [sflag:$0x2], $0x400, $0x38;
	[tilespmem:$0x5C00] =	vst v63  }
0x50: {  	_ =	swait.ge [sflag:s6], $0x400  }
0x51: {  	[sflag:s6] =	ssyncset.done $0x0  }
0x52: {  	[sflag:s6] =	ssyncadd.s32 $0xFFFFFC00  }
0x53: {  	[spmem:s4] =	stream.linear.scatter [tilespmem:s5], [sflag:$0x2], $0x400, $0x38;
	[tilespmem:$0x5C00] =	vst v63  }
0x54: {  	_ =	swait.ge [sflag:s6], $0x400  }
0x55: {  	[sflag:s6] =	ssyncset.done $0x0  }
0x56: {  	s13 =	simm.s32 $0x0;
	s17 =	rddreg [dreg:$0xd];
	[sflag:s6] =	ssyncadd.s32 $0xFFFFFC00  }
0x57: {  	[tilespmem:s13], [sflag:$0x2] =	stream.linear.gather [hbm4b:s17+s13], $0x2800, $0x38;
	[tilespmem:$0x5C00] =	vst v63  }
0x58: {  	_ =	swait.ge [sflag:s6], $0x2800  }
0x59: {  	[sflag:s6] =	ssyncset.done $0x0  }
0x5a: {  	[sflag:s6] =	ssyncadd.s32 $0xFFFFD800  }
0x5b: {  	s16 =	simm.s32 $0x0;
	[bflag:$0x0] =	sbarrier.arrive $0xFFFF  }
0x5c: {  	[spmem:s11] =	stream.indirect.scatter.add.f32 [tilespmem:s8], [sflag:$0x1], $0x10, s16, s7, $0xb8;
	[tilespmem:$0x5C00] =	vst v63  }
0x5d: {  	s17 =	simm.s32 $0x80  }
0x5e: {  	[spmem:s11] =	stream.indirect.scatter.add.f32 [tilespmem:s8], [sflag:$0x1], $0x10, s17, s7, $0xb8;
	[tilespmem:$0x5C00] =	vst v63  }
0x5f: {  	s15 =	simm.s32 $0x100  }
0x60: {  	[spmem:s11] =	stream.indirect.scatter.add.f32 [tilespmem:s8], [sflag:$0x1], $0x10, s15, s7, $0xb8;
	[tilespmem:$0x5C00] =	vst v63  }
0x61: {  	s16 =	simm.s32 $0x180  }
0x62: {  	[spmem:s11] =	stream.indirect.scatter.add.f32 [tilespmem:s8], [sflag:$0x1], $0x10, s16, s7, $0xb8;
	[tilespmem:$0x5C00] =	vst v63  }
0x63: {  	s17 =	simm.s32 $0x200  }
0x64: {  	[spmem:s11] =	stream.indirect.scatter.add.f32 [tilespmem:s8], [sflag:$0x1], $0x10, s17, s7, $0xb8;
	[tilespmem:$0x5C00] =	vst v63  }
0x65: {  	s15 =	simm.s32 $0x280  }
0x66: {  	[spmem:s11] =	stream.indirect.scatter.add.f32 [tilespmem:s8], [sflag:$0x1], $0x10, s15, s7, $0xb8;
	[tilespmem:$0x5C00] =	vst v63  }
0x67: {  	s16 =	simm.s32 $0x300  }
0x68: {  	[spmem:s11] =	stream.indirect.scatter.add.f32 [tilespmem:s8], [sflag:$0x1], $0x10, s16, s7, $0xb8;
	[tilespmem:$0x5C00] =	vst v63  }
0x69: {  	s17 =	simm.s32 $0x380  }
0x6a: {  	[spmem:s11] =	stream.indirect.scatter.add.f32 [tilespmem:s8], [sflag:$0x1], $0x10, s17, s7, $0xb8;
	[tilespmem:$0x5C00] =	vst v63  }
0x6b: {  	_ =	swait.ge [sflag:s9], $0x800  }
0x6c: {  	[sflag:s9] =	ssyncset.done $0x0  }
0x6d: {  	[sflag:s9] =	ssyncadd.s32 $0xFFFFF800  }
0x6e: {  	_ =	swait.ge [sflag:s9], $0x800  }
0x6f: {  	[sflag:s9] =	ssyncset.done $0x0  }
0x70: {  	[sflag:s9] =	ssyncadd.s32 $0xFFFFF800  }
0x71: {  	_ =	swait.ge [sflag:s9], $0x800  }
0x72: {  	[sflag:s9] =	ssyncset.done $0x0  }
0x73: {  	[sflag:s9] =	ssyncadd.s32 $0xFFFFF800  }
0x74: {  	_ =	swait.ge [sflag:s9], $0x800  }
0x75: {  	[sflag:s9] =	ssyncset.done $0x0  }
0x76: {  	[sflag:s9] =	ssyncadd.s32 $0xFFFFF800  }
0x77: {  	_ =	swait.ge [sflag:s9], $0x800  }
0x78: {  	[sflag:s9] =	ssyncset.done $0x0  }
0x79: {  	[sflag:s9] =	ssyncadd.s32 $0xFFFFF800  }
0x7a: {  	_ =	swait.ge [sflag:s9], $0x800  }
0x7b: {  	[sflag:s9] =	ssyncset.done $0x0  }
0x7c: {  	[sflag:s9] =	ssyncadd.s32 $0xFFFFF800  }
0x7d: {  	_ =	swait.ge [sflag:s9], $0x800  }
0x7e: {  	[sflag:s9] =	ssyncset.done $0x0  }
0x7f: {  	[sflag:s9] =	ssyncadd.s32 $0xFFFFF800  }
0x80: {  	_ =	swait.ge [sflag:s9], $0x800  }
0x81: {  	s13 =	simm.s32 $0x1000;
	s15 =	simm.s32 $0x2000;
	[sflag:s9] =	ssyncset.done $0x0  }
.LBB2_6:
0x82: {  	s17 =	sshra.s32 s13, $0x2  }
0x83: {  	[sflag:s9] =	ssyncadd.s32 $0xFFFFF800;
	s13 =	smov.u32 s15;
	s16 =	sadd.s32 $0x1000, s15  }
0x84: {  	[spmem:s11] =	stream.indirect.scatter.add.f32 [tilespmem:s8], [sflag:$0x1], $0x10, s17, s7, $0xb8;
	[tilespmem:$0x5C00] =	vst v63  }
0x85: {  	p0 =	sne.s32 s15, $0x9000;
	s15 =	sadd.s32 $0x80, s17  }
0x86: {  	[spmem:s11] =	stream.indirect.scatter.add.f32 [tilespmem:s8], [sflag:$0x1], $0x10, s15, s7, $0xb8;
	[tilespmem:$0x5C00] =	vst v63  }
0x87: {  	s15 =	sadd.s32 $0x100, s17  }
0x88: {  	[spmem:s11] =	stream.indirect.scatter.add.f32 [tilespmem:s8], [sflag:$0x1], $0x10, s15, s7, $0xb8;
	[tilespmem:$0x5C00] =	vst v63  }
0x89: {  	s15 =	sadd.s32 $0x180, s17  }
0x8a: {  	[spmem:s11] =	stream.indirect.scatter.add.f32 [tilespmem:s8], [sflag:$0x1], $0x10, s15, s7, $0xb8;
	[tilespmem:$0x5C00] =	vst v63  }
0x8b: {  	s15 =	sadd.s32 $0x200, s17  }
0x8c: {  	[spmem:s11] =	stream.indirect.scatter.add.f32 [tilespmem:s8], [sflag:$0x1], $0x10, s15, s7, $0xb8;
	[tilespmem:$0x5C00] =	vst v63  }
0x8d: {  	s15 =	sadd.s32 $0x280, s17  }
0x8e: {  	[spmem:s11] =	stream.indirect.scatter.add.f32 [tilespmem:s8], [sflag:$0x1], $0x10, s15, s7, $0xb8;
	[tilespmem:$0x5C00] =	vst v63  }
0x8f: {  	s15 =	sadd.s32 $0x300, s17  }
0x90: {  	[spmem:s11] =	stream.indirect.scatter.add.f32 [tilespmem:s8], [sflag:$0x1], $0x10, s15, s7, $0xb8;
	[tilespmem:$0x5C00] =	vst v63  }
0x91: {  	s15 =	sadd.s32 $0x380, s17  }
0x92: {  	[spmem:s11] =	stream.indirect.scatter.add.f32 [tilespmem:s8], [sflag:$0x1], $0x10, s15, s7, $0xb8;
	[tilespmem:$0x5C00] =	vst v63  }
0x93: {  	_ =	swait.ge [sflag:s9], $0x800  }
0x94: {  	[sflag:s9] =	ssyncset.done $0x0  }
0x95: {  	[sflag:s9] =	ssyncadd.s32 $0xFFFFF800  }
0x96: {  	_ =	swait.ge [sflag:s9], $0x800  }
0x97: {  	[sflag:s9] =	ssyncset.done $0x0  }
0x98: {  	[sflag:s9] =	ssyncadd.s32 $0xFFFFF800  }
0x99: {  	_ =	swait.ge [sflag:s9], $0x800  }
0x9a: {  	[sflag:s9] =	ssyncset.done $0x0  }
0x9b: {  	[sflag:s9] =	ssyncadd.s32 $0xFFFFF800  }
0x9c: {  	_ =	swait.ge [sflag:s9], $0x800  }
0x9d: {  	[sflag:s9] =	ssyncset.done $0x0  }
0x9e: {  	[sflag:s9] =	ssyncadd.s32 $0xFFFFF800  }
0x9f: {  	_ =	swait.ge [sflag:s9], $0x800  }
0xa0: {  	[sflag:s9] =	ssyncset.done $0x0  }
0xa1: {  	[sflag:s9] =	ssyncadd.s32 $0xFFFFF800  }
0xa2: {  	_ =	swait.ge [sflag:s9], $0x800  }
0xa3: {  	[sflag:s9] =	ssyncset.done $0x0  }
0xa4: {  	[sflag:s9] =	ssyncadd.s32 $0xFFFFF800  }
.Ltmp2:
0xa5: {  	_ =	swait.ge [sflag:s9], $0x800;
	(pc) =	sbr.rel @p0 .LBB2_6-.Ltmp2, $4  }
0xa6: {  	[sflag:s9] =	ssyncset.done $0x0  }
0xa7: {  	[sflag:s9] =	ssyncadd.s32 $0xFFFFF800  }
0xa8: {  	_ =	swait.ge [sflag:s9], $0x800  }
0xa9: {  	s15 =	smov.u32 s16;
	[sflag:s9] =	ssyncset.done $0x0  }
0xaa: {  	s13 =	sshra.s32 s13, $0x2;
	[sflag:s9] =	ssyncadd.s32 $0xFFFFF800  }
0xab: {  	[spmem:s11] =	stream.indirect.scatter.add.f32 [tilespmem:s8], [sflag:$0x1], $0x10, s13, s7, $0xb8;
	[tilespmem:$0x5C00] =	vst v63  }
0xac: {  	s15 =	sadd.s32 $0x80, s13  }
0xad: {  	[spmem:s11] =	stream.indirect.scatter.add.f32 [tilespmem:s8], [sflag:$0x1], $0x10, s15, s7, $0xb8;
	[tilespmem:$0x5C00] =	vst v63  }
0xae: {  	s17 =	sadd.s32 $0x100, s13  }
0xaf: {  	[spmem:s11] =	stream.indirect.scatter.add.f32 [tilespmem:s8], [sflag:$0x1], $0x10, s17, s7, $0xb8;
	[tilespmem:$0x5C00] =	vst v63  }
0xb0: {  	s16 =	sadd.s32 $0x180, s13  }
0xb1: {  	[spmem:s11] =	stream.indirect.scatter.add.f32 [tilespmem:s8], [sflag:$0x1], $0x10, s16, s7, $0xb8;
	[tilespmem:$0x5C00] =	vst v63  }
0xb2: {  	s17 =	sadd.s32 $0x200, s13  }
0xb3: {  	[spmem:s11] =	stream.indirect.scatter.add.f32 [tilespmem:s8], [sflag:$0x1], $0x10, s17, s7, $0xb8;
	[tilespmem:$0x5C00] =	vst v63  }
0xb4: {  	s16 =	sadd.s32 $0x280, s13  }
0xb5: {  	[spmem:s11] =	stream.indirect.scatter.add.f32 [tilespmem:s8], [sflag:$0x1], $0x10, s16, s7, $0xb8;
	[tilespmem:$0x5C00] =	vst v63  }
0xb6: {  	s17 =	sadd.s32 $0x300, s13  }
0xb7: {  	[spmem:s11] =	stream.indirect.scatter.add.f32 [tilespmem:s8], [sflag:$0x1], $0x10, s17, s7, $0xb8;
	[tilespmem:$0x5C00] =	vst v63  }
0xb8: {  	s13 =	sadd.s32 $0x380, s13  }
0xb9: {  	[spmem:s11] =	stream.indirect.scatter.add.f32 [tilespmem:s8], [sflag:$0x1], $0x10, s13, s7, $0xb8;
	[tilespmem:$0x5C00] =	vst v63  }
0xba: {  	_ =	swait.ge [sflag:s9], $0x800  }
0xbb: {  	[sflag:s9] =	ssyncset.done $0x0  }
0xbc: {  	[sflag:s9] =	ssyncadd.s32 $0xFFFFF800  }
0xbd: {  	_ =	swait.ge [sflag:s9], $0x800  }
0xbe: {  	[sflag:s9] =	ssyncset.done $0x0  }
0xbf: {  	[sflag:s9] =	ssyncadd.s32 $0xFFFFF800  }
0xc0: {  	_ =	swait.ge [sflag:s9], $0x800  }
0xc1: {  	[sflag:s9] =	ssyncset.done $0x0  }
0xc2: {  	[sflag:s9] =	ssyncadd.s32 $0xFFFFF800  }
0xc3: {  	_ =	swait.ge [sflag:s9], $0x800  }
0xc4: {  	[sflag:s9] =	ssyncset.done $0x0  }
0xc5: {  	[sflag:s9] =	ssyncadd.s32 $0xFFFFF800  }
0xc6: {  	_ =	swait.ge [sflag:s9], $0x800  }
0xc7: {  	[sflag:s9] =	ssyncset.done $0x0  }
0xc8: {  	[sflag:s9] =	ssyncadd.s32 $0xFFFFF800  }
0xc9: {  	_ =	swait.ge [sflag:s9], $0x800  }
0xca: {  	[sflag:s9] =	ssyncset.done $0x0  }
0xcb: {  	[sflag:s9] =	ssyncadd.s32 $0xFFFFF800  }
0xcc: {  	_ =	swait.ge [sflag:s9], $0x800  }
0xcd: {  	[sflag:s9] =	ssyncset.done $0x0  }
0xce: {  	[sflag:s9] =	ssyncadd.s32 $0xFFFFF800  }
0xcf: {  	_ =	swait.ge [sflag:s9], $0x800  }
0xd0: {  	[sflag:s9] =	ssyncset.done $0x0  }
0xd1: {  	[sflag:s9] =	ssyncadd.s32 $0xFFFFF800  }
0xd2: {  	[bflag:$0x0] =	sbarrier.arrive $0xFFFF  }
0xd3: {  	s15 =	rddreg [dreg:$0xe]  }
0xd4: {  	[tilespmem:s5], [sflag:$0x2] =	stream.linear.gather [spmem:s15], $0x400, $0x38;
	[tilespmem:$0x5C00] =	vst v63  }
0xd5: {  	_ =	swait.ge [sflag:s6], $0x400  }
0xd6: {  	[sflag:s6] =	ssyncset.done $0x0  }
0xd7: {  	s16 =	rddreg [dreg:$0x3];
	[sflag:s6] =	ssyncadd.s32 $0xFFFFFC00  }
0xd8: {  	[hbm4b:s16+s1] =	stream.linear.scatter [tilespmem:s5], [sflag:$0x2], $0x400, $0x38;
	[tilespmem:$0x5C00] =	vst v63  }
0xd9: {  	_ =	swait.ge [sflag:s6], $0x400  }
0xda: {  	[sflag:s6] =	ssyncset.done $0x0  }
0xdb: {  	[sflag:s6] =	ssyncadd.s32 $0xFFFFFC00  }
0xdc: {  	[tilespmem:s5], [sflag:$0x2] =	stream.linear.gather [spmem:s18], $0x400, $0x38;
	[tilespmem:$0x5C00] =	vst v63  }
0xdd: {  	_ =	swait.ge [sflag:s6], $0x400  }
0xde: {  	[sflag:s6] =	ssyncset.done $0x0  }
0xdf: {  	s17 =	rddreg [dreg:$0x4];
	[sflag:s6] =	ssyncadd.s32 $0xFFFFFC00  }
0xe0: {  	[hbm4b:s17+s1] =	stream.linear.scatter [tilespmem:s5], [sflag:$0x2], $0x400, $0x38;
	[tilespmem:$0x5C00] =	vst v63  }
0xe1: {  	_ =	swait.ge [sflag:s6], $0x400  }
0xe2: {  	[sflag:s6] =	ssyncset.done $0x0  }
0xe3: {  	[sflag:s6] =	ssyncadd.s32 $0xFFFFFC00  }
0xe4: {  	[tilespmem:s5], [sflag:$0x2] =	stream.linear.gather [spmem:s19], $0x400, $0x38;
	[tilespmem:$0x5C00] =	vst v63  }
0xe5: {  	_ =	swait.ge [sflag:s6], $0x400  }
0xe6: {  	[sflag:s6] =	ssyncset.done $0x0  }
0xe7: {  	s15 =	rddreg [dreg:$0x5];
	[sflag:s6] =	ssyncadd.s32 $0xFFFFFC00  }
0xe8: {  	[hbm4b:s15+s1] =	stream.linear.scatter [tilespmem:s5], [sflag:$0x2], $0x400, $0x38;
	[tilespmem:$0x5C00] =	vst v63  }
0xe9: {  	_ =	swait.ge [sflag:s6], $0x400  }
0xea: {  	[sflag:s6] =	ssyncset.done $0x0  }
0xeb: {  	[sflag:s6] =	ssyncadd.s32 $0xFFFFFC00  }
0xec: {  	[tilespmem:s5], [sflag:$0x2] =	stream.linear.gather [spmem:s20], $0x400, $0x38;
	[tilespmem:$0x5C00] =	vst v63  }
0xed: {  	_ =	swait.ge [sflag:s6], $0x400  }
0xee: {  	[sflag:s6] =	ssyncset.done $0x0  }
0xef: {  	s16 =	rddreg [dreg:$0x6];
	[sflag:s6] =	ssyncadd.s32 $0xFFFFFC00  }
0xf0: {  	[hbm4b:s16+s1] =	stream.linear.scatter [tilespmem:s5], [sflag:$0x2], $0x400, $0x38;
	[tilespmem:$0x5C00] =	vst v63  }
0xf1: {  	_ =	swait.ge [sflag:s6], $0x400  }
0xf2: {  	[sflag:s6] =	ssyncset.done $0x0  }
0xf3: {  	[sflag:s6] =	ssyncadd.s32 $0xFFFFFC00  }
0xf4: {  	[tilespmem:s5], [sflag:$0x2] =	stream.linear.gather [spmem:s21], $0x400, $0x38;
	[tilespmem:$0x5C00] =	vst v63  }
0xf5: {  	_ =	swait.ge [sflag:s6], $0x400  }
0xf6: {  	[sflag:s6] =	ssyncset.done $0x0  }
0xf7: {  	s17 =	rddreg [dreg:$0x7];
	[sflag:s6] =	ssyncadd.s32 $0xFFFFFC00  }
0xf8: {  	[hbm4b:s17+s1] =	stream.linear.scatter [tilespmem:s5], [sflag:$0x2], $0x400, $0x38;
	[tilespmem:$0x5C00] =	vst v63  }
0xf9: {  	_ =	swait.ge [sflag:s6], $0x400  }
0xfa: {  	[sflag:s6] =	ssyncset.done $0x0  }
0xfb: {  	[sflag:s6] =	ssyncadd.s32 $0xFFFFFC00  }
0xfc: {  	[tilespmem:s5], [sflag:$0x2] =	stream.linear.gather [spmem:s22], $0x400, $0x38;
	[tilespmem:$0x5C00] =	vst v63  }
0xfd: {  	_ =	swait.ge [sflag:s6], $0x400  }
0xfe: {  	[sflag:s6] =	ssyncset.done $0x0  }
0xff: {  	s15 =	rddreg [dreg:$0x8];
	[sflag:s6] =	ssyncadd.s32 $0xFFFFFC00  }
0x100: {  	[hbm4b:s15+s1] =	stream.linear.scatter [tilespmem:s5], [sflag:$0x2], $0x400, $0x38;
	[tilespmem:$0x5C00] =	vst v63  }
0x101: {  	_ =	swait.ge [sflag:s6], $0x400  }
0x102: {  	[sflag:s6] =	ssyncset.done $0x0  }
0x103: {  	[sflag:s6] =	ssyncadd.s32 $0xFFFFFC00  }
0x104: {  	[tilespmem:s5], [sflag:$0x2] =	stream.linear.gather [spmem:s23], $0x400, $0x38;
	[tilespmem:$0x5C00] =	vst v63  }
0x105: {  	_ =	swait.ge [sflag:s6], $0x400  }
0x106: {  	[sflag:s6] =	ssyncset.done $0x0  }
0x107: {  	s16 =	rddreg [dreg:$0x9];
	[sflag:s6] =	ssyncadd.s32 $0xFFFFFC00  }
0x108: {  	[hbm4b:s16+s1] =	stream.linear.scatter [tilespmem:s5], [sflag:$0x2], $0x400, $0x38;
	[tilespmem:$0x5C00] =	vst v63  }
0x109: {  	_ =	swait.ge [sflag:s6], $0x400  }
0x10a: {  	[sflag:s6] =	ssyncset.done $0x0  }
0x10b: {  	[sflag:s6] =	ssyncadd.s32 $0xFFFFFC00  }
0x10c: {  	[tilespmem:s5], [sflag:$0x2] =	stream.linear.gather [spmem:s24], $0x400, $0x38;
	[tilespmem:$0x5C00] =	vst v63  }
0x10d: {  	_ =	swait.ge [sflag:s6], $0x400  }
0x10e: {  	[sflag:s6] =	ssyncset.done $0x0  }
0x10f: {  	s17 =	rddreg [dreg:$0xa];
	[sflag:s6] =	ssyncadd.s32 $0xFFFFFC00  }
0x110: {  	[hbm4b:s17+s1] =	stream.linear.scatter [tilespmem:s5], [sflag:$0x2], $0x400, $0x38;
	[tilespmem:$0x5C00] =	vst v63  }
0x111: {  	_ =	swait.ge [sflag:s6], $0x400  }
0x112: {  	[sflag:s6] =	ssyncset.done $0x0  }
0x113: {  	[sflag:s6] =	ssyncadd.s32 $0xFFFFFC00  }
0x114: {  	[tilespmem:s5], [sflag:$0x2] =	stream.linear.gather [spmem:s25], $0x400, $0x38;
	[tilespmem:$0x5C00] =	vst v63  }
0x115: {  	_ =	swait.ge [sflag:s6], $0x400  }
0x116: {  	[sflag:s6] =	ssyncset.done $0x0  }
0x117: {  	s15 =	rddreg [dreg:$0xb];
	[sflag:s6] =	ssyncadd.s32 $0xFFFFFC00  }
0x118: {  	[hbm4b:s15+s1] =	stream.linear.scatter [tilespmem:s5], [sflag:$0x2], $0x400, $0x38;
	[tilespmem:$0x5C00] =	vst v63  }
0x119: {  	_ =	swait.ge [sflag:s6], $0x400  }
0x11a: {  	[sflag:s6] =	ssyncset.done $0x0  }
0x11b: {  	[sflag:s6] =	ssyncadd.s32 $0xFFFFFC00  }
0x11c: {  	[tilespmem:s5], [sflag:$0x2] =	stream.linear.gather [spmem:s26], $0x400, $0x38;
	[tilespmem:$0x5C00] =	vst v63  }
0x11d: {  	_ =	swait.ge [sflag:s6], $0x400  }
0x11e: {  	[sflag:s6] =	ssyncset.done $0x0  }
0x11f: {  	s16 =	rddreg [dreg:$0xc];
	[sflag:s6] =	ssyncadd.s32 $0xFFFFFC00  }
0x120: {  	[hbm4b:s16+s1] =	stream.linear.scatter [tilespmem:s5], [sflag:$0x2], $0x400, $0x38;
	[tilespmem:$0x5C00] =	vst v63  }
0x121: {  	_ =	swait.ge [sflag:s6], $0x400  }
0x122: {  	s12 =	sadd.s32 $0x1, s12;
	s17 =	rddreg [dreg:$0xf]  }
0x123: {  	p0 =	sne.s32 s12, s17  }
.Ltmp3:
0x124: {  	_ = 	snop;
	(pc) =	sbr.rel @p0 .LBB2_1-.Ltmp3, $3  }
0x125: {  	_ =	sdelay $0x1  }
0x126: {  	[sflag:s6] =	ssyncset.done $0x0  }
0x127: {  	[sflag:s6] =	ssyncadd.s32 $0xFFFFFC00  }
0x128: {  	_ =	sfence.sel $0x180000  }
0x129: {  	[bflag:$0x0] =	sbarrier.arrive $0xFFFF  }
0x12a: {  	_ =	strace $0x90000047  }
0x12b: {  	s0 =	stileid.u32;
	[bflag:$0x2] =	sbarrier.arrive $0xFFFF  }
0x12c: {  	p0 =	sne.s32 s0, $0x0;
	s0 =	rddreg [dreg:$0x2]  }
0x12d: {  	s0 =	sadd.s32 @!p0 $0x100000, s0  }
0x12e: {  	[sflag:s0] =	ssyncadd.tile.s32 @!p0 $0x1;
	_ =	shalt  }
.Lfunc_end2:
_tile_overlayer_lowered:
.L_overlay_start_2:
0x12f: {  	(tag) =	ssettag $0x2  }
0x130: {  	s0 =	rddreg [dreg:$0x0];
	s2 =	stileid.u32  }
0x131: {  	s1 =	rddreg [dreg:$0x1];
	p0 =	sne.s32 s2, $0x0  }
0x132: {  	s3 =	rddreg [dreg:$0x2];
	[bflag:$0x3] =	sbarrier.arrive $0xFFFF;
	s2 =	simm.s32 @!p0 $0x1C02  }
0x133: {  	[timem:s3], [sflag:s2] =	dma.local @!p0 [hbm:s0], s1  }
0x134: {  	s0 =	simm.s32 @!p0 $0x2  }
0x135: {  	_ =	swait.ge @!p0 [sflag:s0], s1  }
0x136: {  	s1 =	ssub.s32 @!p0 $0x0, s1;
	[sflag:s0] =	ssyncset.done @!p0 $0x0  }
0x137: {  	[sflag:s0] =	ssyncadd.s32 @!p0 s1  }
0x138: {  	[bflag:$0x3] =	sbarrier.arrive $0xFFFF  }
0x139: {  	_ =	shalt  }

</sc_bundles>
